<compile_context>
chip_gen: v7x
topology: tpu7x:2x2x1
jax: 0.10.2.dev20260603
libtpu: 0.0.44.dev20260713+nightly
codegen_flags: <defaults>
</compile_context>

<pallas_src>
import jax
import jax.numpy as jnp
from jax import lax
from jax.experimental import pallas as pl
from jax.experimental.pallas import tpu as pltpu
from jax.experimental.pallas import tpu_sc as plsc

N_SYM = 100000
M = 3200000
D = 64
NUM_SEGMENTS = 100000

NW = 32
CHUNK = M // NW
SUB = 2000
STEPS = CHUNK // SUB
VPS = SUB // 16
WIN = 8192
FB = 128
N_PAD = 102400
SLICE = N_PAD // 16
NEG = -(2 ** 30)
POS = 2 ** 30


def _costs_body(emb_ref, w_ref, b_ref, out_ref):
    out_ref[...] = jnp.dot(
        emb_ref[...], w_ref[...], preferred_element_type=jnp.float32
    ) + b_ref[0, 0]


def _symbol_costs(emb, W, b):
    grid = 10
    rows = N_SYM // grid
    return pl.pallas_call(
        _costs_body,
        grid=(grid,),
        in_specs=[
            pl.BlockSpec((rows, D), lambda i: (i, 0)),
            pl.BlockSpec((D, 1), lambda i: (0, 0)),
            pl.BlockSpec((1, 1), lambda i: (0, 0)),
        ],
        out_specs=pl.BlockSpec((rows, 1), lambda i: (i, 0)),
        out_shape=jax.ShapeDtypeStruct((N_SYM, 1), jnp.float32),
    )(emb, W, b.reshape(1, 1))


def _sc_body(costs_hbm, qs_hbm, rd_hbm, sid_hbm, out_hbm,
             costs_l, qs_s, rd_s, sid_s, win, fidx, spacc, sems, csem):
    c = lax.axis_index("c")
    s = lax.axis_index("s")
    w = c * 16 + s
    lanes = lax.iota(jnp.int32, 16)
    zero16 = jnp.zeros((16,), jnp.float32)

    def flush(base, maxs):
        n = jnp.clip(maxs + 1 - base, 0, WIN)
        trips = (n + FB - 1) // FB

        def fb(j, carry):
            joff = pl.multiple_of(j * FB, FB)
            for k in range(FB // 16):
                fidx[pl.ds(k * 16, 16)] = jnp.clip(
                    base + j * FB + k * 16 + lanes, 0, N_PAD - 1)
            pltpu.sync_copy(win.at[pl.ds(joff, FB)],
                            spacc.at[fidx], add=True)
            for k in range(FB // 16):
                win[pl.ds(joff + k * 16, 16)] = zero16
            return carry
        lax.fori_loop(0, trips, fb, 0)

    def zb(i, carry):
        win[pl.ds(pl.multiple_of(i * 16, 16), 16)] = zero16
        return carry
    lax.fori_loop(0, WIN // 16, zb, 0)

    pltpu.async_copy(costs_hbm, costs_l, csem)
    base0 = w * CHUNK
    pltpu.async_copy(qs_hbm.at[pl.ds(base0, SUB)], qs_s.at[0], sems.at[0])
    pltpu.async_copy(rd_hbm.at[pl.ds(base0, SUB)], rd_s.at[0], sems.at[0])
    pltpu.async_copy(sid_hbm.at[pl.ds(base0, SUB)], sid_s.at[0], sems.at[0])

    pltpu.sync_copy(win.at[pl.ds(0, SLICE)],
                    spacc.at[pl.ds(s * SLICE, SLICE)])
    pltpu.make_async_copy(costs_hbm, costs_l, csem).wait()
    plsc.subcore_barrier()

    def step(g, carry, slot, nslot):
        base, maxs = carry

        @pl.when(g < STEPS - 1)
        def _():
            nb = w * CHUNK + (g + 1) * SUB
            pltpu.async_copy(qs_hbm.at[pl.ds(nb, SUB)], qs_s.at[nslot],
                             sems.at[nslot])
            pltpu.async_copy(rd_hbm.at[pl.ds(nb, SUB)], rd_s.at[nslot],
                             sems.at[nslot])
            pltpu.async_copy(sid_hbm.at[pl.ds(nb, SUB)], sid_s.at[nslot],
                             sems.at[nslot])

        gb = w * CHUNK + g * SUB
        pltpu.make_async_copy(
            qs_hbm.at[pl.ds(gb, SUB)], qs_s.at[slot], sems.at[slot]).wait()
        pltpu.make_async_copy(
            rd_hbm.at[pl.ds(gb, SUB)], rd_s.at[slot], sems.at[slot]).wait()
        pltpu.make_async_copy(
            sid_hbm.at[pl.ds(gb, SUB)], sid_s.at[slot], sems.at[slot]).wait()

        qs_b = qs_s.at[slot]
        rd_b = rd_s.at[slot]
        sid_b = sid_s.at[slot]

        cmax = jnp.max(sid_b[pl.ds(SUB - 16, 16)])

        def fast(carry):
            base, maxs = carry

            @plsc.parallel_loop(0, VPS, unroll=5)
            def _(i):
                off = pl.ds(pl.multiple_of(i * 16, 16), 16)
                sid_v = sid_b[off]
                cv = plsc.load_gather(costs_l, [qs_b[off]])
                plsc.addupdate_scatter(win, [lanes], cv * rd_b[off])
            return base, jnp.maximum(maxs, cmax)

        def slow(carry):
            def attempt(b, m, r, sid_v, pot):
                loc = sid_v - b
                m_in = (loc < WIN) & (r == 1)
                loc = jnp.clip(loc, 0, WIN - 1)
                plsc.addupdate_scatter(win, [loc], pot, mask=m_in)
                m2 = jnp.maximum(m, jnp.max(jnp.where(m_in, sid_v, m)))
                r2 = jnp.where(m_in, 0, r)
                return b, m2, r2

            def sv(i, carry2):
                base, maxs = carry2
                off = pl.ds(pl.multiple_of(i * 16, 16), 16)
                sid_v = sid_b[off]
                pot = plsc.load_gather(costs_l, [qs_b[off]]) * rd_b[off]
                ones = jnp.ones((16,), jnp.int32)
                b, m, r = attempt(base, maxs, ones, sid_v, pot)

                def wcond(cr):
                    return jnp.max(cr[2]) > 0

                def wbody(cr):
                    b, m, r = cr
                    flush(b, m)
                    b2 = jnp.min(jnp.where(r == 1, sid_v, POS))
                    return attempt(b2, b2 - 1, r, sid_v, pot)

                b, m, r = lax.while_loop(wcond, wbody, (b, m, r))
                return b, m
            return lax.fori_loop(0, VPS, sv, carry)

        return lax.cond(cmax < base + WIN, fast, slow, (base, maxs))

    def pair(t, carry):
        g = t * 2
        carry = step(g, carry, 0, 1)
        carry = step(g + 1, carry, 1, 0)
        return carry

    base, maxs = lax.fori_loop(
        0, STEPS // 2, pair, (jnp.int32(NEG), jnp.int32(NEG - 1)))
    flush(base, maxs)
    plsc.subcore_barrier()
    pltpu.sync_copy(
        spacc.at[pl.ds(s * SLICE, SLICE)],
        out_hbm.at[c, pl.ds(s * SLICE, SLICE)],
    )


def _sc_call(costs, qs, rd, sid):
    mesh = plsc.VectorSubcoreMesh(core_axis_name="c", subcore_axis_name="s")
    f = pl.kernel(
        _sc_body,
        out_type=jax.ShapeDtypeStruct((2, N_PAD), jnp.float32),
        mesh=mesh,
        scratch_types=[
            pltpu.VMEM((N_SYM,), jnp.float32),
            pltpu.VMEM((2, SUB), jnp.int32),
            pltpu.VMEM((2, SUB), jnp.float32),
            pltpu.VMEM((2, SUB), jnp.int32),
            pltpu.VMEM((WIN,), jnp.float32),
            pltpu.VMEM((FB,), jnp.int32),
            pltpu.VMEM_SHARED((N_PAD,), jnp.float32),
            pltpu.SemaphoreType.DMA((2,)),
            pltpu.SemaphoreType.DMA,
        ],
        compiler_params=pltpu.CompilerParams(
            use_tc_tiling_on_sc=False, needs_layout_passes=False),
    )
    return f(costs, qs, rd, sid)


def _merge_body(p_ref, out_ref):
    out_ref[...] = p_ref[0] + p_ref[1]


def _merge(partials):
    p3 = partials.reshape(2, N_PAD // 128, 128)
    return pl.pallas_call(
        _merge_body,
        out_shape=jax.ShapeDtypeStruct((N_PAD // 128, 128), jnp.float32),
    )(p3)


def kernel(symbol_embeddings, question_symbols, ranking_difference,
           segment_ids, W, b):
    costs = _symbol_costs(symbol_embeddings, W, b).reshape(N_SYM)
    qs = question_symbols.astype(jnp.int32)
    sid = segment_ids.astype(jnp.int32)
    partials = _sc_call(costs, qs, ranking_difference, sid)
    out = _merge(partials).reshape(N_PAD)
    return out[:NUM_SEGMENTS]

# --- scband reference (transcript-rebuilt; emitter-appended) ---
"""Pipeline reference for scband-symbol-preference-gcn-66606352827390 (READ-ONLY COPY).

The authoritative reference and input builder live on the scoring server;
editing this copy changes nothing except your own understanding.
"""

import jax, jax.numpy as jnp
import numpy as np

N_SYM = 100000
M = 3200000
D = 64
NUM_SEGMENTS = 100000

def setup_inputs(seed: int = 0) -> dict:
    key = jax.random.key(seed)
    k1, k2, k3, k4, k5, k6 = jax.random.split(key, 6)
    symbol_embeddings = jax.random.normal(k1, (N_SYM, D), dtype=jnp.float32)
    question_symbols = jax.random.randint(k2, (M,), 0, N_SYM, dtype=jnp.int64 if jax.config.read('jax_enable_x64') else jnp.int32)
    ranking_difference = jax.random.normal(k3, (M,), dtype=jnp.float32)
    segment_ids = jnp.sort(jax.random.randint(k4, (M,), 0, NUM_SEGMENTS, dtype=jnp.int64 if jax.config.read('jax_enable_x64') else jnp.int32))
    # cost_model: Dense(1) on D-dim symbol embeddings
    W = jax.random.normal(k5, (D, 1), dtype=jnp.float32) * (1.0 / np.sqrt(D))
    b = jnp.zeros((1,), dtype=jnp.float32)
    return {
        'symbol_embeddings': symbol_embeddings,
        'question_symbols': question_symbols,
        'ranking_difference': ranking_difference,
        'segment_ids': segment_ids,
        'W': W,
        'b': b,
    }

def reference(symbol_embeddings, question_symbols, ranking_difference, segment_ids, W, b):
    # symbol_costs = squeeze(Dense(1)(symbol_embeddings))
    symbol_costs = jnp.squeeze(symbol_embeddings @ W + b, axis=-1)  # [N_SYM]
    # gather costs for each question symbol occurrence
    symbol_costs_tiled = jnp.take(symbol_costs, question_symbols, axis=0)  # [M]
    potentials = symbol_costs_tiled * ranking_difference  # [M]
    # tf.math.segment_sum -> jax.ops.segment_sum (segment_ids sorted)
    precedence_pair_logit = jax.ops.segment_sum(
        potentials, segment_ids, num_segments=NUM_SEGMENTS, indices_are_sorted=True)
    return precedence_pair_logit

if __name__ == "__main__":
    import jax
    _d = setup_inputs()
    print(jax.jit(kernel)(*tuple(_d.values())))

</pallas_src>

<mosaic_0001>
#map = affine_map<(d0, d1) -> (0)>
#map1 = affine_map<(d0, d1) -> (0, 0)>
module attributes {stable_mosaic.version = 14 : i64} {
  func.func @_sc_body(%arg0: i32, %arg1: i32, %arg2: memref<100000xf32, #tpu.memory_space<hbm>>, %arg3: memref<3200000xi32, #tpu.memory_space<hbm>>, %arg4: memref<3200000xf32, #tpu.memory_space<hbm>>, %arg5: memref<3200000xi32, #tpu.memory_space<hbm>>, %arg6: memref<2x102400xf32, #tpu.memory_space<hbm>>, %arg7: memref<100000xf32, #tpu.memory_space<vmem>>, %arg8: memref<2x2000xi32, #tpu.memory_space<vmem>>, %arg9: memref<2x2000xf32, #tpu.memory_space<vmem>>, %arg10: memref<2x2000xi32, #tpu.memory_space<vmem>>, %arg11: memref<8192xf32, #tpu.memory_space<vmem>>, %arg12: memref<128xi32, #tpu.memory_space<vmem>>, %arg13: memref<102400xf32, #tpu.memory_space<vmem_shared>>, %arg14: memref<2x!tpu.dma_semaphore, #tpu.memory_space<semaphore_mem>>, %arg15: memref<!tpu.dma_semaphore, #tpu.memory_space<semaphore_mem>>) attributes {dimension_semantics = [#tpu.dimension_semantics<core_parallel>, #tpu.dimension_semantics<subcore_parallel>], iteration_bounds = array<i64: 2, 16>, scalar_prefetch = 0 : i64, scratch_operands = 9 : i64, tpu.core_type = #tpu.core_type<sc_vector_subcore>, window_params = [{transform_indices = #map}, {transform_indices = #map}, {transform_indices = #map}, {transform_indices = #map}, {transform_indices = #map1}]} {
    %mul3A = arith.constant 16 : i32
    %mul3A_0 = arith.muli %arg0, %mul3A : i32
    %add3A = arith.addi %mul3A_0, %arg1 : i32
    %iota3A = tpu.iota {dimensions = array<i32: 0>} : vector<16xi32>
    %broadcast_in_dim3A = arith.constant 0.000000e+00 : f32
    %broadcast_in_dim3A_1 = vector.broadcast %broadcast_in_dim3A : f32 to vector<16xf32>
    %scan3A = arith.constant 0 : i32
    %scan3A_2 = arith.constant 0 : i32
    %scan3A_3 = arith.constant 512 : i32
    %scan3A_4 = arith.addi %scan3A_2, %scan3A_3 : i32
    %scan3A_5 = arith.constant 1 : i32
    scf.for %scan3A_93 = %scan3A_2 to %scan3A_4 step %scan3A_5  : i32 {
      %mul3A_94 = arith.constant 16 : i32
      %mul3A_95 = arith.muli %scan3A_93, %mul3A_94 : i32
      %multiple_of3A = tpu.assume_multiple %mul3A_95, 16 : i32
      %swap3A = arith.index_cast %multiple_of3A : i32 to index
      %swap3A_96 = tpu.vector_load %arg11[%swap3A] {strides = array<i32>} : memref<8192xf32, #tpu.memory_space<vmem>>, vector<16xf32>,
      tpu.vector_store %arg11[%swap3A], %broadcast_in_dim3A_1 {strides = array<i32>} : memref<8192xf32, #tpu.memory_space<vmem>>, vector<16xf32>,
    }
    %scan3A_6 = arith.constant 512 : i32
    tpu.enqueue_dma source(%arg2 : memref<100000xf32, #tpu.memory_space<hbm>>) target(%arg7 : memref<100000xf32, #tpu.memory_space<vmem>>) target_semaphore(%arg15 : memref<!tpu.dma_semaphore, #tpu.memory_space<semaphore_mem>>)
    %mul3A_7 = arith.constant 100000 : i32
    %mul3A_8 = arith.muli %add3A, %mul3A_7 : i32
    %dma_start3A = arith.constant 0 : i32
    %dma_start3A_9 = arith.constant 0 : i32
    %dma_start3A_10 = arith.constant 0 : i32
    %dma_start3A_11 = tpu.memref_slice %arg8[%dma_start3A, %dma_start3A_10] : memref<2x2000xi32, #tpu.memory_space<vmem>> -> memref<1x2000xi32, #tpu.memory_space<vmem>>
    %dma_start3A_12 = tpu.memref_squeeze %dma_start3A_11 : memref<1x2000xi32, #tpu.memory_space<vmem>> -> memref<2000xi32, #tpu.memory_space<vmem>>
    %dma_start3A_13 = tpu.memref_slice %arg3[%mul3A_8] : memref<3200000xi32, #tpu.memory_space<hbm>> -> memref<2000xi32, #tpu.memory_space<hbm>>
    %dma_start3A_14 = tpu.memref_slice %arg14[%dma_start3A_9] : memref<2x!tpu.dma_semaphore, #tpu.memory_space<semaphore_mem>> -> memref<1x!tpu.dma_semaphore, #tpu.memory_space<semaphore_mem>>
    %dma_start3A_15 = tpu.memref_squeeze %dma_start3A_14 : memref<1x!tpu.dma_semaphore, #tpu.memory_space<semaphore_mem>> -> memref<!tpu.dma_semaphore, #tpu.memory_space<semaphore_mem>>
    %dma_start3A_16 = arith.constant 0 : i32
    %dma_start3A_17 = tpu.memref_slice %arg8[%dma_start3A, %dma_start3A_16] : memref<2x2000xi32, #tpu.memory_space<vmem>> -> memref<1x2000xi32, #tpu.memory_space<vmem>>
    %dma_start3A_18 = tpu.memref_squeeze %dma_start3A_17 : memref<1x2000xi32, #tpu.memory_space<vmem>> -> memref<2000xi32, #tpu.memory_space<vmem>>
    %dma_start3A_19 = tpu.memref_slice %arg3[%mul3A_8] : memref<3200000xi32, #tpu.memory_space<hbm>> -> memref<2000xi32, #tpu.memory_space<hbm>>
    tpu.enqueue_dma source(%dma_start3A_19 : memref<2000xi32, #tpu.memory_space<hbm>>) target(%dma_start3A_18 : memref<2000xi32, #tpu.memory_space<vmem>>) target_semaphore(%dma_start3A_15 : memref<!tpu.dma_semaphore, #tpu.memory_space<semaphore_mem>>)
    %dma_start3A_20 = arith.constant 0 : i32
    %dma_start3A_21 = arith.constant 0 : i32
    %dma_start3A_22 = arith.constant 0 : i32
    %dma_start3A_23 = tpu.memref_slice %arg9[%dma_start3A_20, %dma_start3A_22] : memref<2x2000xf32, #tpu.memory_space<vmem>> -> memref<1x2000xf32, #tpu.memory_space<vmem>>
    %dma_start3A_24 = tpu.memref_squeeze %dma_start3A_23 : memref<1x2000xf32, #tpu.memory_space<vmem>> -> memref<2000xf32, #tpu.memory_space<vmem>>
    %dma_start3A_25 = tpu.memref_slice %arg4[%mul3A_8] : memref<3200000xf32, #tpu.memory_space<hbm>> -> memref<2000xf32, #tpu.memory_space<hbm>>
    %dma_start3A_26 = tpu.memref_slice %arg14[%dma_start3A_21] : memref<2x!tpu.dma_semaphore, #tpu.memory_space<semaphore_mem>> -> memref<1x!tpu.dma_semaphore, #tpu.memory_space<semaphore_mem>>
    %dma_start3A_27 = tpu.memref_squeeze %dma_start3A_26 : memref<1x!tpu.dma_semaphore, #tpu.memory_space<semaphore_mem>> -> memref<!tpu.dma_semaphore, #tpu.memory_space<semaphore_mem>>
    %dma_start3A_28 = arith.constant 0 : i32
    %dma_start3A_29 = tpu.memref_slice %arg9[%dma_start3A_20, %dma_start3A_28] : memref<2x2000xf32, #tpu.memory_space<vmem>> -> memref<1x2000xf32, #tpu.memory_space<vmem>>
    %dma_start3A_30 = tpu.memref_squeeze %dma_start3A_29 : memref<1x2000xf32, #tpu.memory_space<vmem>> -> memref<2000xf32, #tpu.memory_space<vmem>>
    %dma_start3A_31 = tpu.memref_slice %arg4[%mul3A_8] : memref<3200000xf32, #tpu.memory_space<hbm>> -> memref<2000xf32, #tpu.memory_space<hbm>>
    tpu.enqueue_dma source(%dma_start3A_31 : memref<2000xf32, #tpu.memory_space<hbm>>) target(%dma_start3A_30 : memref<2000xf32, #tpu.memory_space<vmem>>) target_semaphore(%dma_start3A_27 : memref<!tpu.dma_semaphore, #tpu.memory_space<semaphore_mem>>)
    %dma_start3A_32 = arith.constant 0 : i32
    %dma_start3A_33 = arith.constant 0 : i32
    %dma_start3A_34 = arith.constant 0 : i32
    %dma_start3A_35 = tpu.memref_slice %arg10[%dma_start3A_32, %dma_start3A_34] : memref<2x2000xi32, #tpu.memory_space<vmem>> -> memref<1x2000xi32, #tpu.memory_space<vmem>>
    %dma_start3A_36 = tpu.memref_squeeze %dma_start3A_35 : memref<1x2000xi32, #tpu.memory_space<vmem>> -> memref<2000xi32, #tpu.memory_space<vmem>>
    %dma_start3A_37 = tpu.memref_slice %arg5[%mul3A_8] : memref<3200000xi32, #tpu.memory_space<hbm>> -> memref<2000xi32, #tpu.memory_space<hbm>>
    %dma_start3A_38 = tpu.memref_slice %arg14[%dma_start3A_33] : memref<2x!tpu.dma_semaphore, #tpu.memory_space<semaphore_mem>> -> memref<1x!tpu.dma_semaphore, #tpu.memory_space<semaphore_mem>>
    %dma_start3A_39 = tpu.memref_squeeze %dma_start3A_38 : memref<1x!tpu.dma_semaphore, #tpu.memory_space<semaphore_mem>> -> memref<!tpu.dma_semaphore, #tpu.memory_space<semaphore_mem>>
    %dma_start3A_40 = arith.constant 0 : i32
    %dma_start3A_41 = tpu.memref_slice %arg10[%dma_start3A_32, %dma_start3A_40] : memref<2x2000xi32, #tpu.memory_space<vmem>> -> memref<1x2000xi32, #tpu.memory_space<vmem>>
    %dma_start3A_42 = tpu.memref_squeeze %dma_start3A_41 : memref<1x2000xi32, #tpu.memory_space<vmem>> -> memref<2000xi32, #tpu.memory_space<vmem>>
    %dma_start3A_43 = tpu.memref_slice %arg5[%mul3A_8] : memref<3200000xi32, #tpu.memory_space<hbm>> -> memref<2000xi32, #tpu.memory_space<hbm>>
    tpu.enqueue_dma source(%dma_start3A_43 : memref<2000xi32, #tpu.memory_space<hbm>>) target(%dma_start3A_42 : memref<2000xi32, #tpu.memory_space<vmem>>) target_semaphore(%dma_start3A_39 : memref<!tpu.dma_semaphore, #tpu.memory_space<semaphore_mem>>)
    %mul3A_44 = arith.constant 6400 : i32
    %mul3A_45 = arith.muli %arg1, %mul3A_44 : i32
    "tpu.region"() ({
      %run_scoped3A = tpu.sem_alloc : memref<!tpu.dma_semaphore, #tpu.memory_space<semaphore_mem>>
      %dma_start3A_93 = arith.constant 0 : i32
      %dma_start3A_94 = tpu.memref_slice %arg11[%dma_start3A_93] : memref<8192xf32, #tpu.memory_space<vmem>> -> memref<6400xf32, #tpu.memory_space<vmem>>
      %dma_start3A_95 = tpu.memref_slice %arg13[%mul3A_45] : memref<102400xf32, #tpu.memory_space<vmem_shared>> -> memref<6400xf32, #tpu.memory_space<vmem_shared>>
      %dma_start3A_96 = tpu.memref_slice %arg13[%mul3A_45] : memref<102400xf32, #tpu.memory_space<vmem_shared>> -> memref<6400xf32, #tpu.memory_space<vmem_shared>>
      %dma_start3A_97 = arith.constant 0 : i32
      %dma_start3A_98 = tpu.memref_slice %arg11[%dma_start3A_97] : memref<8192xf32, #tpu.memory_space<vmem>> -> memref<6400xf32, #tpu.memory_space<vmem>>
      tpu.enqueue_dma source(%dma_start3A_98 : memref<6400xf32, #tpu.memory_space<vmem>>) target(%dma_start3A_96 : memref<6400xf32, #tpu.memory_space<vmem_shared>>) target_semaphore(%run_scoped3A : memref<!tpu.dma_semaphore, #tpu.memory_space<semaphore_mem>>)
      %dma_wait3A = arith.constant 0 : i32
      %dma_wait3A_99 = tpu.memref_slice %arg11[%dma_wait3A] : memref<8192xf32, #tpu.memory_space<vmem>> -> memref<6400xf32, #tpu.memory_space<vmem>>
      %dma_wait3A_100 = tpu.memref_slice %arg13[%mul3A_45] : memref<102400xf32, #tpu.memory_space<vmem_shared>> -> memref<6400xf32, #tpu.memory_space<vmem_shared>>
      %dma_wait3A_101 = tpu.memref_slice %arg13[%mul3A_45] : memref<102400xf32, #tpu.memory_space<vmem_shared>> -> memref<6400xf32, #tpu.memory_space<vmem_shared>>
      %dma_wait3A_102 = arith.constant 0 : i32
      %dma_wait3A_103 = tpu.memref_slice %arg11[%dma_wait3A_102] : memref<8192xf32, #tpu.memory_space<vmem>> -> memref<6400xf32, #tpu.memory_space<vmem>>
      tpu.wait_dma2 semaphore(%run_scoped3A : memref<!tpu.dma_semaphore, #tpu.memory_space<semaphore_mem>>) src(%dma_wait3A_103 : memref<6400xf32, #tpu.memory_space<vmem>>) dst(%dma_wait3A_101 : memref<6400xf32, #tpu.memory_space<vmem_shared>>)
      tpu.yield
    }) : () -> ()
    tpu.wait_dma2 semaphore(%arg15 : memref<!tpu.dma_semaphore, #tpu.memory_space<semaphore_mem>>) src(%arg2 : memref<100000xf32, #tpu.memory_space<hbm>>) dst(%arg7 : memref<100000xf32, #tpu.memory_space<vmem>>)
    %barrier3A = arith.constant 0 : index
    tpu.barrier barrier_id(%barrier3A)
    %scan3A_46 = arith.constant -1073741824 : i32
    %scan3A_47 = arith.constant -1073741825 : i32
    %scan3A_48 = arith.constant 0 : i32
    %scan3A_49 = arith.constant 25 : i32
    %scan3A_50 = arith.addi %scan3A_48, %scan3A_49 : i32
    %scan3A_51 = arith.constant 1 : i32
    %scan3A_52:2 = scf.for %scan3A_93 = %scan3A_48 to %scan3A_50 step %scan3A_51 iter_args(%scan3A_94 = %scan3A_46, %scan3A_95 = %scan3A_47) -> (i32, i32)  : i32 {
      %mul3A_96 = arith.constant 2 : i32
      %mul3A_97 = arith.muli %scan3A_93, %mul3A_96 : i32
      %lt3A = arith.constant 49 : i32
      %lt3A_98 = arith.cmpi slt, %mul3A_97, %lt3A : i32
      %convert_element_type3A = arith.extui %lt3A_98 : i1 to i32
      %cond3A = arith.constant 0 : i32
      %cond3A_99 = arith.cmpi ne, %convert_element_type3A, %cond3A : i32
      scf.if %cond3A_99 {
        %mul3A_234 = arith.constant 100000 : i32
        %mul3A_235 = arith.muli %add3A, %mul3A_234 : i32
        %add3A_236 = arith.constant 1 : i32
        %add3A_237 = arith.addi %mul3A_97, %add3A_236 : i32
        %mul3A_238 = arith.constant 2000 : i32
        %mul3A_239 = arith.muli %add3A_237, %mul3A_238 : i32
        %add3A_240 = arith.addi %mul3A_235, %mul3A_239 : i32
        %dma_start3A_241 = arith.constant 1 : i32
        %dma_start3A_242 = arith.constant 1 : i32
        %dma_start3A_243 = arith.constant 0 : i32
        %dma_start3A_244 = tpu.memref_slice %arg8[%dma_start3A_241, %dma_start3A_243] : memref<2x2000xi32, #tpu.memory_space<vmem>> -> memref<1x2000xi32, #tpu.memory_space<vmem>>
        %dma_start3A_245 = tpu.memref_squeeze %dma_start3A_244 : memref<1x2000xi32, #tpu.memory_space<vmem>> -> memref<2000xi32, #tpu.memory_space<vmem>>
        %dma_start3A_246 = tpu.memref_slice %arg3[%add3A_240] : memref<3200000xi32, #tpu.memory_space<hbm>> -> memref<2000xi32, #tpu.memory_space<hbm>>
        %dma_start3A_247 = tpu.memref_slice %arg14[%dma_start3A_242] : memref<2x!tpu.dma_semaphore, #tpu.memory_space<semaphore_mem>> -> memref<1x!tpu.dma_semaphore, #tpu.memory_space<semaphore_mem>>
        %dma_start3A_248 = tpu.memref_squeeze %dma_start3A_247 : memref<1x!tpu.dma_semaphore, #tpu.memory_space<semaphore_mem>> -> memref<!tpu.dma_semaphore, #tpu.memory_space<semaphore_mem>>
        %dma_start3A_249 = arith.constant 0 : i32
        %dma_start3A_250 = tpu.memref_slice %arg8[%dma_start3A_241, %dma_start3A_249] : memref<2x2000xi32, #tpu.memory_space<vmem>> -> memref<1x2000xi32, #tpu.memory_space<vmem>>
        %dma_start3A_251 = tpu.memref_squeeze %dma_start3A_250 : memref<1x2000xi32, #tpu.memory_space<vmem>> -> memref<2000xi32, #tpu.memory_space<vmem>>
        %dma_start3A_252 = tpu.memref_slice %arg3[%add3A_240] : memref<3200000xi32, #tpu.memory_space<hbm>> -> memref<2000xi32, #tpu.memory_space<hbm>>
        tpu.enqueue_dma source(%dma_start3A_252 : memref<2000xi32, #tpu.memory_space<hbm>>) target(%dma_start3A_251 : memref<2000xi32, #tpu.memory_space<vmem>>) target_semaphore(%dma_start3A_248 : memref<!tpu.dma_semaphore, #tpu.memory_space<semaphore_mem>>)
        %dma_start3A_253 = arith.constant 1 : i32
        %dma_start3A_254 = arith.constant 1 : i32
        %dma_start3A_255 = arith.constant 0 : i32
        %dma_start3A_256 = tpu.memref_slice %arg9[%dma_start3A_253, %dma_start3A_255] : memref<2x2000xf32, #tpu.memory_space<vmem>> -> memref<1x2000xf32, #tpu.memory_space<vmem>>
        %dma_start3A_257 = tpu.memref_squeeze %dma_start3A_256 : memref<1x2000xf32, #tpu.memory_space<vmem>> -> memref<2000xf32, #tpu.memory_space<vmem>>
        %dma_start3A_258 = tpu.memref_slice %arg4[%add3A_240] : memref<3200000xf32, #tpu.memory_space<hbm>> -> memref<2000xf32, #tpu.memory_space<hbm>>
        %dma_start3A_259 = tpu.memref_slice %arg14[%dma_start3A_254] : memref<2x!tpu.dma_semaphore, #tpu.memory_space<semaphore_mem>> -> memref<1x!tpu.dma_semaphore, #tpu.memory_space<semaphore_mem>>
        %dma_start3A_260 = tpu.memref_squeeze %dma_start3A_259 : memref<1x!tpu.dma_semaphore, #tpu.memory_space<semaphore_mem>> -> memref<!tpu.dma_semaphore, #tpu.memory_space<semaphore_mem>>
        %dma_start3A_261 = arith.constant 0 : i32
        %dma_start3A_262 = tpu.memref_slice %arg9[%dma_start3A_253, %dma_start3A_261] : memref<2x2000xf32, #tpu.memory_space<vmem>> -> memref<1x2000xf32, #tpu.memory_space<vmem>>
        %dma_start3A_263 = tpu.memref_squeeze %dma_start3A_262 : memref<1x2000xf32, #tpu.memory_space<vmem>> -> memref<2000xf32, #tpu.memory_space<vmem>>
        %dma_start3A_264 = tpu.memref_slice %arg4[%add3A_240] : memref<3200000xf32, #tpu.memory_space<hbm>> -> memref<2000xf32, #tpu.memory_space<hbm>>
        tpu.enqueue_dma source(%dma_start3A_264 : memref<2000xf32, #tpu.memory_space<hbm>>) target(%dma_start3A_263 : memref<2000xf32, #tpu.memory_space<vmem>>) target_semaphore(%dma_start3A_260 : memref<!tpu.dma_semaphore, #tpu.memory_space<semaphore_mem>>)
        %dma_start3A_265 = arith.constant 1 : i32
        %dma_start3A_266 = arith.constant 1 : i32
        %dma_start3A_267 = arith.constant 0 : i32
        %dma_start3A_268 = tpu.memref_slice %arg10[%dma_start3A_265, %dma_start3A_267] : memref<2x2000xi32, #tpu.memory_space<vmem>> -> memref<1x2000xi32, #tpu.memory_space<vmem>>
        %dma_start3A_269 = tpu.memref_squeeze %dma_start3A_268 : memref<1x2000xi32, #tpu.memory_space<vmem>> -> memref<2000xi32, #tpu.memory_space<vmem>>
        %dma_start3A_270 = tpu.memref_slice %arg5[%add3A_240] : memref<3200000xi32, #tpu.memory_space<hbm>> -> memref<2000xi32, #tpu.memory_space<hbm>>
        %dma_start3A_271 = tpu.memref_slice %arg14[%dma_start3A_266] : memref<2x!tpu.dma_semaphore, #tpu.memory_space<semaphore_mem>> -> memref<1x!tpu.dma_semaphore, #tpu.memory_space<semaphore_mem>>
        %dma_start3A_272 = tpu.memref_squeeze %dma_start3A_271 : memref<1x!tpu.dma_semaphore, #tpu.memory_space<semaphore_mem>> -> memref<!tpu.dma_semaphore, #tpu.memory_space<semaphore_mem>>
        %dma_start3A_273 = arith.constant 0 : i32
        %dma_start3A_274 = tpu.memref_slice %arg10[%dma_start3A_265, %dma_start3A_273] : memref<2x2000xi32, #tpu.memory_space<vmem>> -> memref<1x2000xi32, #tpu.memory_space<vmem>>
        %dma_start3A_275 = tpu.memref_squeeze %dma_start3A_274 : memref<1x2000xi32, #tpu.memory_space<vmem>> -> memref<2000xi32, #tpu.memory_space<vmem>>
        %dma_start3A_276 = tpu.memref_slice %arg5[%add3A_240] : memref<3200000xi32, #tpu.memory_space<hbm>> -> memref<2000xi32, #tpu.memory_space<hbm>>
        tpu.enqueue_dma source(%dma_start3A_276 : memref<2000xi32, #tpu.memory_space<hbm>>) target(%dma_start3A_275 : memref<2000xi32, #tpu.memory_space<vmem>>) target_semaphore(%dma_start3A_272 : memref<!tpu.dma_semaphore, #tpu.memory_space<semaphore_mem>>)
      } else {
      }
      %mul3A_100 = arith.constant 100000 : i32
      %mul3A_101 = arith.muli %add3A, %mul3A_100 : i32
      %mul3A_102 = arith.constant 2000 : i32
      %mul3A_103 = arith.muli %mul3A_97, %mul3A_102 : i32
      %add3A_104 = arith.addi %mul3A_101, %mul3A_103 : i32
      %dma_wait3A = arith.constant 0 : i32
      %dma_wait3A_105 = arith.constant 0 : i32
      %dma_wait3A_106 = arith.constant 0 : i32
      %dma_wait3A_107 = tpu.memref_slice %arg8[%dma_wait3A, %dma_wait3A_106] : memref<2x2000xi32, #tpu.memory_space<vmem>> -> memref<1x2000xi32, #tpu.memory_space<vmem>>
      %dma_wait3A_108 = tpu.memref_squeeze %dma_wait3A_107 : memref<1x2000xi32, #tpu.memory_space<vmem>> -> memref<2000xi32, #tpu.memory_space<vmem>>
      %dma_wait3A_109 = tpu.memref_slice %arg3[%add3A_104] : memref<3200000xi32, #tpu.memory_space<hbm>> -> memref<2000xi32, #tpu.memory_space<hbm>>
      %dma_wait3A_110 = tpu.memref_slice %arg14[%dma_wait3A_105] : memref<2x!tpu.dma_semaphore, #tpu.memory_space<semaphore_mem>> -> memref<1x!tpu.dma_semaphore, #tpu.memory_space<semaphore_mem>>
      %dma_wait3A_111 = tpu.memref_squeeze %dma_wait3A_110 : memref<1x!tpu.dma_semaphore, #tpu.memory_space<semaphore_mem>> -> memref<!tpu.dma_semaphore, #tpu.memory_space<semaphore_mem>>
      %dma_wait3A_112 = arith.constant 0 : i32
      %dma_wait3A_113 = tpu.memref_slice %arg8[%dma_wait3A, %dma_wait3A_112] : memref<2x2000xi32, #tpu.memory_space<vmem>> -> memref<1x2000xi32, #tpu.memory_space<vmem>>
      %dma_wait3A_114 = tpu.memref_squeeze %dma_wait3A_113 : memref<1x2000xi32, #tpu.memory_space<vmem>> -> memref<2000xi32, #tpu.memory_space<vmem>>
      %dma_wait3A_115 = tpu.memref_slice %arg3[%add3A_104] : memref<3200000xi32, #tpu.memory_space<hbm>> -> memref<2000xi32, #tpu.memory_space<hbm>>
      tpu.wait_dma2 semaphore(%dma_wait3A_111 : memref<!tpu.dma_semaphore, #tpu.memory_space<semaphore_mem>>) src(%dma_wait3A_115 : memref<2000xi32, #tpu.memory_space<hbm>>) dst(%dma_wait3A_114 : memref<2000xi32, #tpu.memory_space<vmem>>)
      %dma_wait3A_116 = arith.constant 0 : i32
      %dma_wait3A_117 = arith.constant 0 : i32
      %dma_wait3A_118 = arith.constant 0 : i32
      %dma_wait3A_119 = tpu.memref_slice %arg9[%dma_wait3A_116, %dma_wait3A_118] : memref<2x2000xf32, #tpu.memory_space<vmem>> -> memref<1x2000xf32, #tpu.memory_space<vmem>>
      %dma_wait3A_120 = tpu.memref_squeeze %dma_wait3A_119 : memref<1x2000xf32, #tpu.memory_space<vmem>> -> memref<2000xf32, #tpu.memory_space<vmem>>
      %dma_wait3A_121 = tpu.memref_slice %arg4[%add3A_104] : memref<3200000xf32, #tpu.memory_space<hbm>> -> memref<2000xf32, #tpu.memory_space<hbm>>
      %dma_wait3A_122 = tpu.memref_slice %arg14[%dma_wait3A_117] : memref<2x!tpu.dma_semaphore, #tpu.memory_space<semaphore_mem>> -> memref<1x!tpu.dma_semaphore, #tpu.memory_space<semaphore_mem>>
      %dma_wait3A_123 = tpu.memref_squeeze %dma_wait3A_122 : memref<1x!tpu.dma_semaphore, #tpu.memory_space<semaphore_mem>> -> memref<!tpu.dma_semaphore, #tpu.memory_space<semaphore_mem>>
      %dma_wait3A_124 = arith.constant 0 : i32
      %dma_wait3A_125 = tpu.memref_slice %arg9[%dma_wait3A_116, %dma_wait3A_124] : memref<2x2000xf32, #tpu.memory_space<vmem>> -> memref<1x2000xf32, #tpu.memory_space<vmem>>
      %dma_wait3A_126 = tpu.memref_squeeze %dma_wait3A_125 : memref<1x2000xf32, #tpu.memory_space<vmem>> -> memref<2000xf32, #tpu.memory_space<vmem>>
      %dma_wait3A_127 = tpu.memref_slice %arg4[%add3A_104] : memref<3200000xf32, #tpu.memory_space<hbm>> -> memref<2000xf32, #tpu.memory_space<hbm>>
      tpu.wait_dma2 semaphore(%dma_wait3A_123 : memref<!tpu.dma_semaphore, #tpu.memory_space<semaphore_mem>>) src(%dma_wait3A_127 : memref<2000xf32, #tpu.memory_space<hbm>>) dst(%dma_wait3A_126 : memref<2000xf32, #tpu.memory_space<vmem>>)
      %dma_wait3A_128 = arith.constant 0 : i32
      %dma_wait3A_129 = arith.constant 0 : i32
      %dma_wait3A_130 = arith.constant 0 : i32
      %dma_wait3A_131 = tpu.memref_slice %arg10[%dma_wait3A_128, %dma_wait3A_130] : memref<2x2000xi32, #tpu.memory_space<vmem>> -> memref<1x2000xi32, #tpu.memory_space<vmem>>
      %dma_wait3A_132 = tpu.memref_squeeze %dma_wait3A_131 : memref<1x2000xi32, #tpu.memory_space<vmem>> -> memref<2000xi32, #tpu.memory_space<vmem>>
      %dma_wait3A_133 = tpu.memref_slice %arg5[%add3A_104] : memref<3200000xi32, #tpu.memory_space<hbm>> -> memref<2000xi32, #tpu.memory_space<hbm>>
      %dma_wait3A_134 = tpu.memref_slice %arg14[%dma_wait3A_129] : memref<2x!tpu.dma_semaphore, #tpu.memory_space<semaphore_mem>> -> memref<1x!tpu.dma_semaphore, #tpu.memory_space<semaphore_mem>>
      %dma_wait3A_135 = tpu.memref_squeeze %dma_wait3A_134 : memref<1x!tpu.dma_semaphore, #tpu.memory_space<semaphore_mem>> -> memref<!tpu.dma_semaphore, #tpu.memory_space<semaphore_mem>>
      %dma_wait3A_136 = arith.constant 0 : i32
      %dma_wait3A_137 = tpu.memref_slice %arg10[%dma_wait3A_128, %dma_wait3A_136] : memref<2x2000xi32, #tpu.memory_space<vmem>> -> memref<1x2000xi32, #tpu.memory_space<vmem>>
      %dma_wait3A_138 = tpu.memref_squeeze %dma_wait3A_137 : memref<1x2000xi32, #tpu.memory_space<vmem>> -> memref<2000xi32, #tpu.memory_space<vmem>>
      %dma_wait3A_139 = tpu.memref_slice %arg5[%add3A_104] : memref<3200000xi32, #tpu.memory_space<hbm>> -> memref<2000xi32, #tpu.memory_space<hbm>>
      tpu.wait_dma2 semaphore(%dma_wait3A_135 : memref<!tpu.dma_semaphore, #tpu.memory_space<semaphore_mem>>) src(%dma_wait3A_139 : memref<2000xi32, #tpu.memory_space<hbm>>) dst(%dma_wait3A_138 : memref<2000xi32, #tpu.memory_space<vmem>>)
      %get3A = arith.constant 0 : i32
      %get3A_140 = arith.constant 0 : i32
      %get3A_141 = tpu.memref_slice %arg10[%get3A, %get3A_140] : memref<2x2000xi32, #tpu.memory_space<vmem>> -> memref<1x2000xi32, #tpu.memory_space<vmem>>
      %get3A_142 = tpu.memref_squeeze %get3A_141 : memref<1x2000xi32, #tpu.memory_space<vmem>> -> memref<2000xi32, #tpu.memory_space<vmem>>
      %get3A_143 = arith.constant 1984 : index
      %get3A_144 = tpu.vector_load %get3A_142[%get3A_143] {strides = array<i32>} : memref<2000xi32, #tpu.memory_space<vmem>>, vector<16xi32>,
      %reduce_max3A = arith.constant true
      %reduce_max3A_145 = vector.broadcast %reduce_max3A : i1 to vector<16xi1>
      %reduce_max3A_146 = arith.constant -2147483648 : i32
      %reduce_max3A_147 = vector.broadcast %reduce_max3A_146 : i32 to vector<16xi32>
      %reduce_max3A_148 = arith.xori %get3A_144, %reduce_max3A_147 : vector<16xi32>
      %reduce_max3A_149 = tpu.scan <max>, %reduce_max3A_148 masked %reduce_max3A_145 : vector<16xi32>, vector<16xi1> -> vector<16xi32>
      %reduce_max3A_150 = arith.xori %reduce_max3A_149, %reduce_max3A_147 : vector<16xi32>
      %reduce_max3A_151 = vector.extract %reduce_max3A_150[15] : i32 from vector<16xi32>
      %add3A_152 = arith.constant 8192 : i32
      %add3A_153 = arith.addi %scan3A_94, %add3A_152 : i32
      %lt3A_154 = arith.cmpi slt, %reduce_max3A_151, %add3A_153 : i32
      %convert_element_type3A_155 = arith.extui %lt3A_154 : i1 to i32
      %cond3A_156 = arith.constant 0 : i32
      %cond3A_157 = arith.constant 0 : i32
      %cond3A_158 = arith.constant 0 : i32
      %cond3A_159 = arith.constant 0 : i32
      %cond3A_160 = arith.cmpi ne, %convert_element_type3A_155, %cond3A_159 : i32
      %cond3A_161:2 = scf.if %cond3A_160 -> (i32, i32) {
        %parallel_loop3A = arith.constant 0 : i32
        %parallel_loop3A_234 = arith.constant 125 : i32
        %parallel_loop3A_235 = arith.constant 1 : i32
        scf.for %parallel_loop3A_237 = %parallel_loop3A to %parallel_loop3A_234 step %parallel_loop3A_235  : i32 {
          %parallel_loop3A_238 = arith.constant 16 : i32
          %parallel_loop3A_239 = arith.muli %parallel_loop3A_237, %parallel_loop3A_238 : i32
          %parallel_loop3A_240 = tpu.assume_multiple %parallel_loop3A_239, 16 : i32
          %parallel_loop3A_241 = arith.constant 0 : i32
          %parallel_loop3A_242 = tpu.memref_slice %arg10[%cond3A_156, %parallel_loop3A_241] : memref<2x2000xi32, #tpu.memory_space<vmem>> -> memref<1x2000xi32, #tpu.memory_space<vmem>>
          %parallel_loop3A_243 = tpu.memref_squeeze %parallel_loop3A_242 : memref<1x2000xi32, #tpu.memory_space<vmem>> -> memref<2000xi32, #tpu.memory_space<vmem>>
          %parallel_loop3A_244 = arith.index_cast %parallel_loop3A_240 : i32 to index
          %parallel_loop3A_245 = tpu.vector_load %parallel_loop3A_243[%parallel_loop3A_244] {strides = array<i32>} : memref<2000xi32, #tpu.memory_space<vmem>>, vector<16xi32>,
          %parallel_loop3A_246 = arith.constant 0 : i32
          %parallel_loop3A_247 = tpu.memref_slice %arg8[%cond3A_157, %parallel_loop3A_246] : memref<2x2000xi32, #tpu.memory_space<vmem>> -> memref<1x2000xi32, #tpu.memory_space<vmem>>
          %parallel_loop3A_248 = tpu.memref_squeeze %parallel_loop3A_247 : memref<1x2000xi32, #tpu.memory_space<vmem>> -> memref<2000xi32, #tpu.memory_space<vmem>>
          %parallel_loop3A_249 = arith.index_cast %parallel_loop3A_240 : i32 to index
          %parallel_loop3A_250 = tpu.vector_load %parallel_loop3A_248[%parallel_loop3A_249] {strides = array<i32>} : memref<2000xi32, #tpu.memory_space<vmem>>, vector<16xi32>,
          %parallel_loop3A_251 = tpu.vector_load_idx %arg7[%parallel_loop3A_250] : memref<100000xf32, #tpu.memory_space<vmem>>[vector<16xi32>], vector<16xf32>,
          %parallel_loop3A_252 = arith.constant 0 : i32
          %parallel_loop3A_253 = tpu.memref_slice %arg9[%cond3A_158, %parallel_loop3A_252] : memref<2x2000xf32, #tpu.memory_space<vmem>> -> memref<1x2000xf32, #tpu.memory_space<vmem>>
          %parallel_loop3A_254 = tpu.memref_squeeze %parallel_loop3A_253 : memref<1x2000xf32, #tpu.memory_space<vmem>> -> memref<2000xf32, #tpu.memory_space<vmem>>
          %parallel_loop3A_255 = arith.index_cast %parallel_loop3A_240 : i32 to index
          %parallel_loop3A_256 = tpu.vector_load %parallel_loop3A_254[%parallel_loop3A_255] {strides = array<i32>} : memref<2000xf32, #tpu.memory_space<vmem>>, vector<16xf32>,
          %parallel_loop3A_257 = arith.mulf %parallel_loop3A_251, %parallel_loop3A_256 : vector<16xf32>
          tpu.vector_store_idx %arg11[%iota3A], %parallel_loop3A_257 {add = true} : memref<8192xf32, #tpu.memory_space<vmem>>[vector<16xi32>], vector<16xf32>,
        } {sc.loop_unroll_factor = 5 : i64, sc.parallel_access}
        %max3A_236 = arith.maxsi %scan3A_95, %reduce_max3A_151 : i32
        scf.yield %scan3A_94, %max3A_236 : i32, i32
      } else {
        %scan3A_234 = arith.constant 0 : i32
        %scan3A_235 = arith.constant 125 : i32
        %scan3A_236 = arith.addi %scan3A_234, %scan3A_235 : i32
        %scan3A_237 = arith.constant 1 : i32
        %scan3A_238:2 = scf.for %scan3A_240 = %scan3A_234 to %scan3A_236 step %scan3A_237 iter_args(%scan3A_241 = %scan3A_94, %scan3A_242 = %scan3A_95) -> (i32, i32)  : i32 {
          %mul3A_243 = arith.constant 16 : i32
          %mul3A_244 = arith.muli %scan3A_240, %mul3A_243 : i32
          %multiple_of3A = tpu.assume_multiple %mul3A_244, 16 : i32
          %get3A_245 = arith.constant 0 : i32
          %get3A_246 = tpu.memref_slice %arg10[%cond3A_156, %get3A_245] : memref<2x2000xi32, #tpu.memory_space<vmem>> -> memref<1x2000xi32, #tpu.memory_space<vmem>>
          %get3A_247 = tpu.memref_squeeze %get3A_246 : memref<1x2000xi32, #tpu.memory_space<vmem>> -> memref<2000xi32, #tpu.memory_space<vmem>>
          %get3A_248 = arith.index_cast %multiple_of3A : i32 to index
          %get3A_249 = tpu.vector_load %get3A_247[%get3A_248] {strides = array<i32>} : memref<2000xi32, #tpu.memory_space<vmem>>, vector<16xi32>,
          %get3A_250 = arith.constant 0 : i32
          %get3A_251 = tpu.memref_slice %arg8[%cond3A_157, %get3A_250] : memref<2x2000xi32, #tpu.memory_space<vmem>> -> memref<1x2000xi32, #tpu.memory_space<vmem>>
          %get3A_252 = tpu.memref_squeeze %get3A_251 : memref<1x2000xi32, #tpu.memory_space<vmem>> -> memref<2000xi32, #tpu.memory_space<vmem>>
          %get3A_253 = arith.index_cast %multiple_of3A : i32 to index
          %get3A_254 = tpu.vector_load %get3A_252[%get3A_253] {strides = array<i32>} : memref<2000xi32, #tpu.memory_space<vmem>>, vector<16xi32>,
          %gather3A = tpu.vector_load_idx %arg7[%get3A_254] : memref<100000xf32, #tpu.memory_space<vmem>>[vector<16xi32>], vector<16xf32>,
          %get3A_255 = arith.constant 0 : i32
          %get3A_256 = tpu.memref_slice %arg9[%cond3A_158, %get3A_255] : memref<2x2000xf32, #tpu.memory_space<vmem>> -> memref<1x2000xf32, #tpu.memory_space<vmem>>
          %get3A_257 = tpu.memref_squeeze %get3A_256 : memref<1x2000xf32, #tpu.memory_space<vmem>> -> memref<2000xf32, #tpu.memory_space<vmem>>
          %get3A_258 = arith.index_cast %multiple_of3A : i32 to index
          %get3A_259 = tpu.vector_load %get3A_257[%get3A_258] {strides = array<i32>} : memref<2000xf32, #tpu.memory_space<vmem>>, vector<16xf32>,
          %mul3A_260 = arith.mulf %gather3A, %get3A_259 : vector<16xf32>
          %broadcast_in_dim3A_261 = arith.constant 1 : i32
          %broadcast_in_dim3A_262 = vector.broadcast %broadcast_in_dim3A_261 : i32 to vector<16xi32>
          %sub3A_263 = vector.broadcast %scan3A_241 : i32 to vector<16xi32>
          %sub3A_264 = arith.subi %get3A_249, %sub3A_263 : vector<16xi32>
          %lt3A_265 = arith.constant 8192 : i32
          %lt3A_266 = vector.broadcast %lt3A_265 : i32 to vector<16xi32>
          %lt3A_267 = arith.cmpi slt, %sub3A_264, %lt3A_266 : vector<16xi32>
          %eq3A = arith.constant 1 : i32
          %eq3A_268 = vector.broadcast %eq3A : i32 to vector<16xi32>
          %eq3A_269 = arith.cmpi eq, %broadcast_in_dim3A_262, %eq3A_268 : vector<16xi32>
          %and3A_270 = arith.andi %lt3A_267, %eq3A_269 : vector<16xi1>
          %jit3A_271 = arith.constant 0 : i32
          %jit3A_272 = arith.constant 8191 : i32
          %max3A_273 = vector.broadcast %jit3A_271 : i32 to vector<16xi32>
          %max3A_274 = arith.maxsi %max3A_273, %sub3A_264 : vector<16xi32>
          %min3A_275 = vector.broadcast %jit3A_272 : i32 to vector<16xi32>
          %min3A_276 = arith.minsi %min3A_275, %max3A_274 : vector<16xi32>
          tpu.vector_store_idx %arg11[%min3A_276], %mul3A_260 masked %and3A_270 {add = true} : memref<8192xf32, #tpu.memory_space<vmem>>[vector<16xi32>], vector<16xf32>, vector<16xi1>
          %broadcast_in_dim3A_277 = vector.broadcast %scan3A_242 : i32 to vector<16xi32>
          %select_n3A_278 = arith.select %and3A_270, %get3A_249, %broadcast_in_dim3A_277 : vector<16xi1>, vector<16xi32>
          %reduce_max3A_279 = arith.constant true
          %reduce_max3A_280 = vector.broadcast %reduce_max3A_279 : i1 to vector<16xi1>
          %reduce_max3A_281 = arith.constant -2147483648 : i32
          %reduce_max3A_282 = vector.broadcast %reduce_max3A_281 : i32 to vector<16xi32>
          %reduce_max3A_283 = arith.xori %select_n3A_278, %reduce_max3A_282 : vector<16xi32>
          %reduce_max3A_284 = tpu.scan <max>, %reduce_max3A_283 masked %reduce_max3A_280 : vector<16xi32>, vector<16xi1> -> vector<16xi32>
          %reduce_max3A_285 = arith.xori %reduce_max3A_284, %reduce_max3A_282 : vector<16xi32>
          %reduce_max3A_286 = vector.extract %reduce_max3A_285[15] : i32 from vector<16xi32>
          %max3A_287 = arith.maxsi %scan3A_242, %reduce_max3A_286 : i32
          %jit3A_288 = arith.constant 0 : i32
          %broadcast_in_dim3A_289 = vector.broadcast %jit3A_288 : i32 to vector<16xi32>
          %select_n3A_290 = arith.select %and3A_270, %broadcast_in_dim3A_289, %broadcast_in_dim3A_262 : vector<16xi1>, vector<16xi32>
          %while3A_291:3 = scf.while (%while3A_292 = %scan3A_241, %while3A_293 = %max3A_287, %while3A_294 = %select_n3A_290) : (i32, i32, vector<16xi32>) -> (i32, i32, vector<16xi32>) {
            %reduce_max3A_295 = arith.constant true
            %reduce_max3A_296 = vector.broadcast %reduce_max3A_295 : i1 to vector<16xi1>
            %reduce_max3A_297 = arith.constant -2147483648 : i32
            %reduce_max3A_298 = vector.broadcast %reduce_max3A_297 : i32 to vector<16xi32>
            %reduce_max3A_299 = arith.xori %while3A_294, %reduce_max3A_298 : vector<16xi32>
            %reduce_max3A_300 = tpu.scan <max>, %reduce_max3A_299 masked %reduce_max3A_296 : vector<16xi32>, vector<16xi1> -> vector<16xi32>
            %reduce_max3A_301 = arith.xori %reduce_max3A_300, %reduce_max3A_298 : vector<16xi32>
            %reduce_max3A_302 = vector.extract %reduce_max3A_301[15] : i32 from vector<16xi32>
            %gt3A = arith.constant 0 : i32
            %gt3A_303 = arith.cmpi sgt, %reduce_max3A_302, %gt3A : i32
            scf.condition(%gt3A_303) %while3A_292, %while3A_293, %while3A_294 : i32, i32, vector<16xi32>
          } do {
          ^bb0(%while3A_292: i32, %while3A_293: i32, %while3A_294: vector<16xi32>):
            %add3A_295 = arith.constant 1 : i32
            %add3A_296 = arith.addi %while3A_293, %add3A_295 : i32
            %sub3A_297 = arith.subi %add3A_296, %while3A_292 : i32
            %jit3A_298 = arith.constant 0 : i32
            %jit3A_299 = arith.constant 8192 : i32
            %max3A_300 = arith.maxsi %jit3A_298, %sub3A_297 : i32
            %min3A_301 = arith.minsi %jit3A_299, %max3A_300 : i32
            %add3A_302 = arith.constant 128 : i32
            %add3A_303 = arith.addi %min3A_301, %add3A_302 : i32
            %sub3A_304 = arith.constant 1 : i32
            %sub3A_305 = arith.subi %add3A_303, %sub3A_304 : i32
            %jit3A_306 = arith.constant 128 : i32
            %div3A_307 = arith.divsi %sub3A_305, %jit3A_306 : i32
            %sign3A_308 = arith.constant 0 : i32
            %sign3A_309 = arith.cmpi sgt, %sub3A_305, %sign3A_308 : i32
            %sign3A_310 = arith.extui %sign3A_309 : i1 to i32
            %sign3A_311 = arith.constant 0 : i32
            %sign3A_312 = arith.cmpi slt, %sub3A_305, %sign3A_311 : i32
            %sign3A_313 = arith.extui %sign3A_312 : i1 to i32
            %sign3A_314 = arith.subi %sign3A_310, %sign3A_313 : i32
            %sign3A_315 = arith.constant 0 : i32
            %sign3A_316 = arith.cmpi sgt, %jit3A_306, %sign3A_315 : i32
            %sign3A_317 = arith.extui %sign3A_316 : i1 to i32
            %sign3A_318 = arith.constant 0 : i32
            %sign3A_319 = arith.cmpi slt, %jit3A_306, %sign3A_318 : i32
            %sign3A_320 = arith.extui %sign3A_319 : i1 to i32
            %sign3A_321 = arith.subi %sign3A_317, %sign3A_320 : i32
            %ne3A_322 = arith.cmpi ne, %sign3A_314, %sign3A_321 : i32
            %rem3A_323 = arith.remsi %sub3A_305, %jit3A_306 : i32
            %ne3A_324 = arith.constant 0 : i32
            %ne3A_325 = arith.cmpi ne, %rem3A_323, %ne3A_324 : i32
            %and3A_326 = arith.andi %ne3A_322, %ne3A_325 : i1
            %sub3A_327 = arith.constant 1 : i32
            %sub3A_328 = arith.subi %div3A_307, %sub3A_327 : i32
            %select_n3A_329 = arith.select %and3A_326, %sub3A_328, %div3A_307 : i32
            %while3A_330 = arith.constant 0 : i32
            %while3A_331 = arith.constant 0 : i32
            %while3A_332 = arith.subi %select_n3A_329, %while3A_331 : i32
            %while3A_333 = arith.addi %while3A_331, %while3A_332 : i32
            %while3A_334 = arith.constant 1 : i32
            %while3A_335 = arith.divsi %while3A_332, %while3A_334 : i32
            %while3A_336 = arith.muli %while3A_335, %while3A_334 : i32
            %while3A_337 = arith.addi %while3A_331, %while3A_336 : i32
            %while3A_338 = arith.constant 1 : i32
            scf.for %while3A_384 = %while3A_331 to %while3A_337 step %while3A_338  : i32 {
              %mul3A_385 = arith.constant 128 : i32
              %mul3A_386 = arith.muli %while3A_384, %mul3A_385 : i32
              %multiple_of3A_387 = tpu.assume_multiple %mul3A_386, 128 : i32
              %mul3A_388 = arith.constant 128 : i32
              %mul3A_389 = arith.muli %while3A_384, %mul3A_388 : i32
              %add3A_390 = arith.addi %while3A_292, %mul3A_389 : i32
              %add3A_391 = arith.constant 0 : i32
              %add3A_392 = arith.addi %add3A_390, %add3A_391 : i32
              %add3A_393 = vector.broadcast %add3A_392 : i32 to vector<16xi32>
              %add3A_394 = arith.addi %add3A_393, %iota3A : vector<16xi32>
              %jit3A_395 = arith.constant 0 : i32
              %jit3A_396 = arith.constant 102399 : i32
              %max3A_397 = vector.broadcast %jit3A_395 : i32 to vector<16xi32>
              %max3A_398 = arith.maxsi %max3A_397, %add3A_394 : vector<16xi32>
              %min3A_399 = vector.broadcast %jit3A_396 : i32 to vector<16xi32>
              %min3A_400 = arith.minsi %min3A_399, %max3A_398 : vector<16xi32>
              %swap3A = arith.constant 0 : index
              %swap3A_401 = tpu.vector_load %arg12[%swap3A] {strides = array<i32>} : memref<128xi32, #tpu.memory_space<vmem>>, vector<16xi32>,
              tpu.vector_store %arg12[%swap3A], %min3A_400 {strides = array<i32>} : memref<128xi32, #tpu.memory_space<vmem>>, vector<16xi32>,
              %mul3A_402 = arith.constant 128 : i32
              %mul3A_403 = arith.muli %while3A_384, %mul3A_402 : i32
              %add3A_404 = arith.addi %while3A_292, %mul3A_403 : i32
              %add3A_405 = arith.constant 16 : i32
              %add3A_406 = arith.addi %add3A_404, %add3A_405 : i32
              %add3A_407 = vector.broadcast %add3A_406 : i32 to vector<16xi32>
              %add3A_408 = arith.addi %add3A_407, %iota3A : vector<16xi32>
              %jit3A_409 = arith.constant 0 : i32
              %jit3A_410 = arith.constant 102399 : i32
              %max3A_411 = vector.broadcast %jit3A_409 : i32 to vector<16xi32>
              %max3A_412 = arith.maxsi %max3A_411, %add3A_408 : vector<16xi32>
              %min3A_413 = vector.broadcast %jit3A_410 : i32 to vector<16xi32>
              %min3A_414 = arith.minsi %min3A_413, %max3A_412 : vector<16xi32>
              %swap3A_415 = arith.constant 16 : index
              %swap3A_416 = tpu.vector_load %arg12[%swap3A_415] {strides = array<i32>} : memref<128xi32, #tpu.memory_space<vmem>>, vector<16xi32>,
              tpu.vector_store %arg12[%swap3A_415], %min3A_414 {strides = array<i32>} : memref<128xi32, #tpu.memory_space<vmem>>, vector<16xi32>,
              %mul3A_417 = arith.constant 128 : i32
              %mul3A_418 = arith.muli %while3A_384, %mul3A_417 : i32
              %add3A_419 = arith.addi %while3A_292, %mul3A_418 : i32
              %add3A_420 = arith.constant 32 : i32
              %add3A_421 = arith.addi %add3A_419, %add3A_420 : i32
              %add3A_422 = vector.broadcast %add3A_421 : i32 to vector<16xi32>
              %add3A_423 = arith.addi %add3A_422, %iota3A : vector<16xi32>
              %jit3A_424 = arith.constant 0 : i32
              %jit3A_425 = arith.constant 102399 : i32
              %max3A_426 = vector.broadcast %jit3A_424 : i32 to vector<16xi32>
              %max3A_427 = arith.maxsi %max3A_426, %add3A_423 : vector<16xi32>
              %min3A_428 = vector.broadcast %jit3A_425 : i32 to vector<16xi32>
              %min3A_429 = arith.minsi %min3A_428, %max3A_427 : vector<16xi32>
              %swap3A_430 = arith.constant 32 : index
              %swap3A_431 = tpu.vector_load %arg12[%swap3A_430] {strides = array<i32>} : memref<128xi32, #tpu.memory_space<vmem>>, vector<16xi32>,
              tpu.vector_store %arg12[%swap3A_430], %min3A_429 {strides = array<i32>} : memref<128xi32, #tpu.memory_space<vmem>>, vector<16xi32>,
              %mul3A_432 = arith.constant 128 : i32
              %mul3A_433 = arith.muli %while3A_384, %mul3A_432 : i32
              %add3A_434 = arith.addi %while3A_292, %mul3A_433 : i32
              %add3A_435 = arith.constant 48 : i32
              %add3A_436 = arith.addi %add3A_434, %add3A_435 : i32
              %add3A_437 = vector.broadcast %add3A_436 : i32 to vector<16xi32>
              %add3A_438 = arith.addi %add3A_437, %iota3A : vector<16xi32>
              %jit3A_439 = arith.constant 0 : i32
              %jit3A_440 = arith.constant 102399 : i32
              %max3A_441 = vector.broadcast %jit3A_439 : i32 to vector<16xi32>
              %max3A_442 = arith.maxsi %max3A_441, %add3A_438 : vector<16xi32>
              %min3A_443 = vector.broadcast %jit3A_440 : i32 to vector<16xi32>
              %min3A_444 = arith.minsi %min3A_443, %max3A_442 : vector<16xi32>
              %swap3A_445 = arith.constant 48 : index
              %swap3A_446 = tpu.vector_load %arg12[%swap3A_445] {strides = array<i32>} : memref<128xi32, #tpu.memory_space<vmem>>, vector<16xi32>,
              tpu.vector_store %arg12[%swap3A_445], %min3A_444 {strides = array<i32>} : memref<128xi32, #tpu.memory_space<vmem>>, vector<16xi32>,
              %mul3A_447 = arith.constant 128 : i32
              %mul3A_448 = arith.muli %while3A_384, %mul3A_447 : i32
              %add3A_449 = arith.addi %while3A_292, %mul3A_448 : i32
              %add3A_450 = arith.constant 64 : i32
              %add3A_451 = arith.addi %add3A_449, %add3A_450 : i32
              %add3A_452 = vector.broadcast %add3A_451 : i32 to vector<16xi32>
              %add3A_453 = arith.addi %add3A_452, %iota3A : vector<16xi32>
              %jit3A_454 = arith.constant 0 : i32
              %jit3A_455 = arith.constant 102399 : i32
              %max3A_456 = vector.broadcast %jit3A_454 : i32 to vector<16xi32>
              %max3A_457 = arith.maxsi %max3A_456, %add3A_453 : vector<16xi32>
              %min3A_458 = vector.broadcast %jit3A_455 : i32 to vector<16xi32>
              %min3A_459 = arith.minsi %min3A_458, %max3A_457 : vector<16xi32>
              %swap3A_460 = arith.constant 64 : index
              %swap3A_461 = tpu.vector_load %arg12[%swap3A_460] {strides = array<i32>} : memref<128xi32, #tpu.memory_space<vmem>>, vector<16xi32>,
              tpu.vector_store %arg12[%swap3A_460], %min3A_459 {strides = array<i32>} : memref<128xi32, #tpu.memory_space<vmem>>, vector<16xi32>,
              %mul3A_462 = arith.constant 128 : i32
              %mul3A_463 = arith.muli %while3A_384, %mul3A_462 : i32
              %add3A_464 = arith.addi %while3A_292, %mul3A_463 : i32
              %add3A_465 = arith.constant 80 : i32
              %add3A_466 = arith.addi %add3A_464, %add3A_465 : i32
              %add3A_467 = vector.broadcast %add3A_466 : i32 to vector<16xi32>
              %add3A_468 = arith.addi %add3A_467, %iota3A : vector<16xi32>
              %jit3A_469 = arith.constant 0 : i32
              %jit3A_470 = arith.constant 102399 : i32
              %max3A_471 = vector.broadcast %jit3A_469 : i32 to vector<16xi32>
              %max3A_472 = arith.maxsi %max3A_471, %add3A_468 : vector<16xi32>
              %min3A_473 = vector.broadcast %jit3A_470 : i32 to vector<16xi32>
              %min3A_474 = arith.minsi %min3A_473, %max3A_472 : vector<16xi32>
              %swap3A_475 = arith.constant 80 : index
              %swap3A_476 = tpu.vector_load %arg12[%swap3A_475] {strides = array<i32>} : memref<128xi32, #tpu.memory_space<vmem>>, vector<16xi32>,
              tpu.vector_store %arg12[%swap3A_475], %min3A_474 {strides = array<i32>} : memref<128xi32, #tpu.memory_space<vmem>>, vector<16xi32>,
              %mul3A_477 = arith.constant 128 : i32
              %mul3A_478 = arith.muli %while3A_384, %mul3A_477 : i32
              %add3A_479 = arith.addi %while3A_292, %mul3A_478 : i32
              %add3A_480 = arith.constant 96 : i32
              %add3A_481 = arith.addi %add3A_479, %add3A_480 : i32
              %add3A_482 = vector.broadcast %add3A_481 : i32 to vector<16xi32>
              %add3A_483 = arith.addi %add3A_482, %iota3A : vector<16xi32>
              %jit3A_484 = arith.constant 0 : i32
              %jit3A_485 = arith.constant 102399 : i32
              %max3A_486 = vector.broadcast %jit3A_484 : i32 to vector<16xi32>
              %max3A_487 = arith.maxsi %max3A_486, %add3A_483 : vector<16xi32>
              %min3A_488 = vector.broadcast %jit3A_485 : i32 to vector<16xi32>
              %min3A_489 = arith.minsi %min3A_488, %max3A_487 : vector<16xi32>
              %swap3A_490 = arith.constant 96 : index
              %swap3A_491 = tpu.vector_load %arg12[%swap3A_490] {strides = array<i32>} : memref<128xi32, #tpu.memory_space<vmem>>, vector<16xi32>,
              tpu.vector_store %arg12[%swap3A_490], %min3A_489 {strides = array<i32>} : memref<128xi32, #tpu.memory_space<vmem>>, vector<16xi32>,
              %mul3A_492 = arith.constant 128 : i32
              %mul3A_493 = arith.muli %while3A_384, %mul3A_492 : i32
              %add3A_494 = arith.addi %while3A_292, %mul3A_493 : i32
              %add3A_495 = arith.constant 112 : i32
              %add3A_496 = arith.addi %add3A_494, %add3A_495 : i32
              %add3A_497 = vector.broadcast %add3A_496 : i32 to vector<16xi32>
              %add3A_498 = arith.addi %add3A_497, %iota3A : vector<16xi32>
              %jit3A_499 = arith.constant 0 : i32
              %jit3A_500 = arith.constant 102399 : i32
              %max3A_501 = vector.broadcast %jit3A_499 : i32 to vector<16xi32>
              %max3A_502 = arith.maxsi %max3A_501, %add3A_498 : vector<16xi32>
              %min3A_503 = vector.broadcast %jit3A_500 : i32 to vector<16xi32>
              %min3A_504 = arith.minsi %min3A_503, %max3A_502 : vector<16xi32>
              %swap3A_505 = arith.constant 112 : index
              %swap3A_506 = tpu.vector_load %arg12[%swap3A_505] {strides = array<i32>} : memref<128xi32, #tpu.memory_space<vmem>>, vector<16xi32>,
              tpu.vector_store %arg12[%swap3A_505], %min3A_504 {strides = array<i32>} : memref<128xi32, #tpu.memory_space<vmem>>, vector<16xi32>,
              "tpu.region"() ({
                %run_scoped3A = tpu.sem_alloc : memref<!tpu.dma_semaphore, #tpu.memory_space<semaphore_mem>>
                %dma_start3A_539 = tpu.memref_slice %arg11[%multiple_of3A_387] : memref<8192xf32, #tpu.memory_space<vmem>> -> memref<128xf32, #tpu.memory_space<vmem>>
                %dma_start3A_540 = arith.constant 0 : i32
                %dma_start3A_541 = tpu.memref_slice %arg13[%dma_start3A_540] : memref<102400xf32, #tpu.memory_space<vmem_shared>> -> memref<102400xf32, #tpu.memory_space<vmem_shared>>
                tpu.enqueue_indirect_dma source(%dma_start3A_539 : memref<128xf32, #tpu.memory_space<vmem>>) target(%dma_start3A_541 : memref<102400xf32, #tpu.memory_space<vmem_shared>>) offsets(%arg12 : memref<128xi32, #tpu.memory_space<vmem>>) semaphore(%run_scoped3A : memref<!tpu.dma_semaphore, #tpu.memory_space<semaphore_mem>>) {add = true}
                %dma_wait3A_542 = tpu.memref_slice %arg11[%multiple_of3A_387] : memref<8192xf32, #tpu.memory_space<vmem>> -> memref<128xf32, #tpu.memory_space<vmem>>
                %dma_wait3A_543 = arith.constant 0 : i32
                %dma_wait3A_544 = tpu.memref_slice %arg13[%dma_wait3A_543] : memref<102400xf32, #tpu.memory_space<vmem_shared>> -> memref<102400xf32, #tpu.memory_space<vmem_shared>>
                tpu.wait_indirect_dma semaphore(%run_scoped3A : memref<!tpu.dma_semaphore, #tpu.memory_space<semaphore_mem>>) src(%dma_wait3A_542 : memref<128xf32, #tpu.memory_space<vmem>>) dst(%dma_wait3A_544 : memref<102400xf32, #tpu.memory_space<vmem_shared>>)
                tpu.yield
              }) : () -> ()
              %add3A_507 = arith.constant 0 : i32
              %add3A_508 = arith.addi %multiple_of3A_387, %add3A_507 : i32
              %swap3A_509 = arith.index_cast %add3A_508 : i32 to index
              %swap3A_510 = tpu.vector_load %arg11[%swap3A_509] {strides = array<i32>} : memref<8192xf32, #tpu.memory_space<vmem>>, vector<16xf32>,
              tpu.vector_store %arg11[%swap3A_509], %broadcast_in_dim3A_1 {strides = array<i32>} : memref<8192xf32, #tpu.memory_space<vmem>>, vector<16xf32>,
              %add3A_511 = arith.constant 16 : i32
              %add3A_512 = arith.addi %multiple_of3A_387, %add3A_511 : i32
              %swap3A_513 = arith.index_cast %add3A_512 : i32 to index
              %swap3A_514 = tpu.vector_load %arg11[%swap3A_513] {strides = array<i32>} : memref<8192xf32, #tpu.memory_space<vmem>>, vector<16xf32>,
              tpu.vector_store %arg11[%swap3A_513], %broadcast_in_dim3A_1 {strides = array<i32>} : memref<8192xf32, #tpu.memory_space<vmem>>, vector<16xf32>,
              %add3A_515 = arith.constant 32 : i32
              %add3A_516 = arith.addi %multiple_of3A_387, %add3A_515 : i32
              %swap3A_517 = arith.index_cast %add3A_516 : i32 to index
              %swap3A_518 = tpu.vector_load %arg11[%swap3A_517] {strides = array<i32>} : memref<8192xf32, #tpu.memory_space<vmem>>, vector<16xf32>,
              tpu.vector_store %arg11[%swap3A_517], %broadcast_in_dim3A_1 {strides = array<i32>} : memref<8192xf32, #tpu.memory_space<vmem>>, vector<16xf32>,
              %add3A_519 = arith.constant 48 : i32
              %add3A_520 = arith.addi %multiple_of3A_387, %add3A_519 : i32
              %swap3A_521 = arith.index_cast %add3A_520 : i32 to index
              %swap3A_522 = tpu.vector_load %arg11[%swap3A_521] {strides = array<i32>} : memref<8192xf32, #tpu.memory_space<vmem>>, vector<16xf32>,
              tpu.vector_store %arg11[%swap3A_521], %broadcast_in_dim3A_1 {strides = array<i32>} : memref<8192xf32, #tpu.memory_space<vmem>>, vector<16xf32>,
              %add3A_523 = arith.constant 64 : i32
              %add3A_524 = arith.addi %multiple_of3A_387, %add3A_523 : i32
              %swap3A_525 = arith.index_cast %add3A_524 : i32 to index
              %swap3A_526 = tpu.vector_load %arg11[%swap3A_525] {strides = array<i32>} : memref<8192xf32, #tpu.memory_space<vmem>>, vector<16xf32>,
              tpu.vector_store %arg11[%swap3A_525], %broadcast_in_dim3A_1 {strides = array<i32>} : memref<8192xf32, #tpu.memory_space<vmem>>, vector<16xf32>,
              %add3A_527 = arith.constant 80 : i32
              %add3A_528 = arith.addi %multiple_of3A_387, %add3A_527 : i32
              %swap3A_529 = arith.index_cast %add3A_528 : i32 to index
              %swap3A_530 = tpu.vector_load %arg11[%swap3A_529] {strides = array<i32>} : memref<8192xf32, #tpu.memory_space<vmem>>, vector<16xf32>,
              tpu.vector_store %arg11[%swap3A_529], %broadcast_in_dim3A_1 {strides = array<i32>} : memref<8192xf32, #tpu.memory_space<vmem>>, vector<16xf32>,
              %add3A_531 = arith.constant 96 : i32
              %add3A_532 = arith.addi %multiple_of3A_387, %add3A_531 : i32
              %swap3A_533 = arith.index_cast %add3A_532 : i32 to index
              %swap3A_534 = tpu.vector_load %arg11[%swap3A_533] {strides = array<i32>} : memref<8192xf32, #tpu.memory_space<vmem>>, vector<16xf32>,
              tpu.vector_store %arg11[%swap3A_533], %broadcast_in_dim3A_1 {strides = array<i32>} : memref<8192xf32, #tpu.memory_space<vmem>>, vector<16xf32>,
              %add3A_535 = arith.constant 112 : i32
              %add3A_536 = arith.addi %multiple_of3A_387, %add3A_535 : i32
              %swap3A_537 = arith.index_cast %add3A_536 : i32 to index
              %swap3A_538 = tpu.vector_load %arg11[%swap3A_537] {strides = array<i32>} : memref<8192xf32, #tpu.memory_space<vmem>>, vector<16xf32>,
              tpu.vector_store %arg11[%swap3A_537], %broadcast_in_dim3A_1 {strides = array<i32>} : memref<8192xf32, #tpu.memory_space<vmem>>, vector<16xf32>,
            }
            %while3A_339 = arith.constant 1 : i32
            scf.for %while3A_384 = %while3A_337 to %while3A_333 step %while3A_339  : i32 {
              %mul3A_385 = arith.constant 128 : i32
              %mul3A_386 = arith.muli %while3A_384, %mul3A_385 : i32
              %multiple_of3A_387 = tpu.assume_multiple %mul3A_386, 128 : i32
              %mul3A_388 = arith.constant 128 : i32
              %mul3A_389 = arith.muli %while3A_384, %mul3A_388 : i32
              %add3A_390 = arith.addi %while3A_292, %mul3A_389 : i32
              %add3A_391 = arith.constant 0 : i32
              %add3A_392 = arith.addi %add3A_390, %add3A_391 : i32
              %add3A_393 = vector.broadcast %add3A_392 : i32 to vector<16xi32>
              %add3A_394 = arith.addi %add3A_393, %iota3A : vector<16xi32>
              %jit3A_395 = arith.constant 0 : i32
              %jit3A_396 = arith.constant 102399 : i32
              %max3A_397 = vector.broadcast %jit3A_395 : i32 to vector<16xi32>
              %max3A_398 = arith.maxsi %max3A_397, %add3A_394 : vector<16xi32>
              %min3A_399 = vector.broadcast %jit3A_396 : i32 to vector<16xi32>
              %min3A_400 = arith.minsi %min3A_399, %max3A_398 : vector<16xi32>
              %swap3A = arith.constant 0 : index
              %swap3A_401 = tpu.vector_load %arg12[%swap3A] {strides = array<i32>} : memref<128xi32, #tpu.memory_space<vmem>>, vector<16xi32>,
              tpu.vector_store %arg12[%swap3A], %min3A_400 {strides = array<i32>} : memref<128xi32, #tpu.memory_space<vmem>>, vector<16xi32>,
              %mul3A_402 = arith.constant 128 : i32
              %mul3A_403 = arith.muli %while3A_384, %mul3A_402 : i32
              %add3A_404 = arith.addi %while3A_292, %mul3A_403 : i32
              %add3A_405 = arith.constant 16 : i32
              %add3A_406 = arith.addi %add3A_404, %add3A_405 : i32
              %add3A_407 = vector.broadcast %add3A_406 : i32 to vector<16xi32>
              %add3A_408 = arith.addi %add3A_407, %iota3A : vector<16xi32>
              %jit3A_409 = arith.constant 0 : i32
              %jit3A_410 = arith.constant 102399 : i32
              %max3A_411 = vector.broadcast %jit3A_409 : i32 to vector<16xi32>
              %max3A_412 = arith.maxsi %max3A_411, %add3A_408 : vector<16xi32>
              %min3A_413 = vector.broadcast %jit3A_410 : i32 to vector<16xi32>
              %min3A_414 = arith.minsi %min3A_413, %max3A_412 : vector<16xi32>
              %swap3A_415 = arith.constant 16 : index
              %swap3A_416 = tpu.vector_load %arg12[%swap3A_415] {strides = array<i32>} : memref<128xi32, #tpu.memory_space<vmem>>, vector<16xi32>,
              tpu.vector_store %arg12[%swap3A_415], %min3A_414 {strides = array<i32>} : memref<128xi32, #tpu.memory_space<vmem>>, vector<16xi32>,
              %mul3A_417 = arith.constant 128 : i32
              %mul3A_418 = arith.muli %while3A_384, %mul3A_417 : i32
              %add3A_419 = arith.addi %while3A_292, %mul3A_418 : i32
              %add3A_420 = arith.constant 32 : i32
              %add3A_421 = arith.addi %add3A_419, %add3A_420 : i32
              %add3A_422 = vector.broadcast %add3A_421 : i32 to vector<16xi32>
              %add3A_423 = arith.addi %add3A_422, %iota3A : vector<16xi32>
              %jit3A_424 = arith.constant 0 : i32
              %jit3A_425 = arith.constant 102399 : i32
              %max3A_426 = vector.broadcast %jit3A_424 : i32 to vector<16xi32>
              %max3A_427 = arith.maxsi %max3A_426, %add3A_423 : vector<16xi32>
              %min3A_428 = vector.broadcast %jit3A_425 : i32 to vector<16xi32>
              %min3A_429 = arith.minsi %min3A_428, %max3A_427 : vector<16xi32>
              %swap3A_430 = arith.constant 32 : index
              %swap3A_431 = tpu.vector_load %arg12[%swap3A_430] {strides = array<i32>} : memref<128xi32, #tpu.memory_space<vmem>>, vector<16xi32>,
              tpu.vector_store %arg12[%swap3A_430], %min3A_429 {strides = array<i32>} : memref<128xi32, #tpu.memory_space<vmem>>, vector<16xi32>,
              %mul3A_432 = arith.constant 128 : i32
              %mul3A_433 = arith.muli %while3A_384, %mul3A_432 : i32
              %add3A_434 = arith.addi %while3A_292, %mul3A_433 : i32
              %add3A_435 = arith.constant 48 : i32
              %add3A_436 = arith.addi %add3A_434, %add3A_435 : i32
              %add3A_437 = vector.broadcast %add3A_436 : i32 to vector<16xi32>
              %add3A_438 = arith.addi %add3A_437, %iota3A : vector<16xi32>
              %jit3A_439 = arith.constant 0 : i32
              %jit3A_440 = arith.constant 102399 : i32
              %max3A_441 = vector.broadcast %jit3A_439 : i32 to vector<16xi32>
              %max3A_442 = arith.maxsi %max3A_441, %add3A_438 : vector<16xi32>
              %min3A_443 = vector.broadcast %jit3A_440 : i32 to vector<16xi32>
              %min3A_444 = arith.minsi %min3A_443, %max3A_442 : vector<16xi32>
              %swap3A_445 = arith.constant 48 : index
              %swap3A_446 = tpu.vector_load %arg12[%swap3A_445] {strides = array<i32>} : memref<128xi32, #tpu.memory_space<vmem>>, vector<16xi32>,
              tpu.vector_store %arg12[%swap3A_445], %min3A_444 {strides = array<i32>} : memref<128xi32, #tpu.memory_space<vmem>>, vector<16xi32>,
              %mul3A_447 = arith.constant 128 : i32
              %mul3A_448 = arith.muli %while3A_384, %mul3A_447 : i32
              %add3A_449 = arith.addi %while3A_292, %mul3A_448 : i32
              %add3A_450 = arith.constant 64 : i32
              %add3A_451 = arith.addi %add3A_449, %add3A_450 : i32
              %add3A_452 = vector.broadcast %add3A_451 : i32 to vector<16xi32>
              %add3A_453 = arith.addi %add3A_452, %iota3A : vector<16xi32>
              %jit3A_454 = arith.constant 0 : i32
              %jit3A_455 = arith.constant 102399 : i32
              %max3A_456 = vector.broadcast %jit3A_454 : i32 to vector<16xi32>
              %max3A_457 = arith.maxsi %max3A_456, %add3A_453 : vector<16xi32>
              %min3A_458 = vector.broadcast %jit3A_455 : i32 to vector<16xi32>
              %min3A_459 = arith.minsi %min3A_458, %max3A_457 : vector<16xi32>
              %swap3A_460 = arith.constant 64 : index
              %swap3A_461 = tpu.vector_load %arg12[%swap3A_460] {strides = array<i32>} : memref<128xi32, #tpu.memory_space<vmem>>, vector<16xi32>,
              tpu.vector_store %arg12[%swap3A_460], %min3A_459 {strides = array<i32>} : memref<128xi32, #tpu.memory_space<vmem>>, vector<16xi32>,
              %mul3A_462 = arith.constant 128 : i32
              %mul3A_463 = arith.muli %while3A_384, %mul3A_462 : i32
              %add3A_464 = arith.addi %while3A_292, %mul3A_463 : i32
              %add3A_465 = arith.constant 80 : i32
              %add3A_466 = arith.addi %add3A_464, %add3A_465 : i32
              %add3A_467 = vector.broadcast %add3A_466 : i32 to vector<16xi32>
              %add3A_468 = arith.addi %add3A_467, %iota3A : vector<16xi32>
              %jit3A_469 = arith.constant 0 : i32
              %jit3A_470 = arith.constant 102399 : i32
              %max3A_471 = vector.broadcast %jit3A_469 : i32 to vector<16xi32>
              %max3A_472 = arith.maxsi %max3A_471, %add3A_468 : vector<16xi32>
              %min3A_473 = vector.broadcast %jit3A_470 : i32 to vector<16xi32>
              %min3A_474 = arith.minsi %min3A_473, %max3A_472 : vector<16xi32>
              %swap3A_475 = arith.constant 80 : index
              %swap3A_476 = tpu.vector_load %arg12[%swap3A_475] {strides = array<i32>} : memref<128xi32, #tpu.memory_space<vmem>>, vector<16xi32>,
              tpu.vector_store %arg12[%swap3A_475], %min3A_474 {strides = array<i32>} : memref<128xi32, #tpu.memory_space<vmem>>, vector<16xi32>,
              %mul3A_477 = arith.constant 128 : i32
              %mul3A_478 = arith.muli %while3A_384, %mul3A_477 : i32
              %add3A_479 = arith.addi %while3A_292, %mul3A_478 : i32
              %add3A_480 = arith.constant 96 : i32
              %add3A_481 = arith.addi %add3A_479, %add3A_480 : i32
              %add3A_482 = vector.broadcast %add3A_481 : i32 to vector<16xi32>
              %add3A_483 = arith.addi %add3A_482, %iota3A : vector<16xi32>
              %jit3A_484 = arith.constant 0 : i32
              %jit3A_485 = arith.constant 102399 : i32
              %max3A_486 = vector.broadcast %jit3A_484 : i32 to vector<16xi32>
              %max3A_487 = arith.maxsi %max3A_486, %add3A_483 : vector<16xi32>
              %min3A_488 = vector.broadcast %jit3A_485 : i32 to vector<16xi32>
              %min3A_489 = arith.minsi %min3A_488, %max3A_487 : vector<16xi32>
              %swap3A_490 = arith.constant 96 : index
              %swap3A_491 = tpu.vector_load %arg12[%swap3A_490] {strides = array<i32>} : memref<128xi32, #tpu.memory_space<vmem>>, vector<16xi32>,
              tpu.vector_store %arg12[%swap3A_490], %min3A_489 {strides = array<i32>} : memref<128xi32, #tpu.memory_space<vmem>>, vector<16xi32>,
              %mul3A_492 = arith.constant 128 : i32
              %mul3A_493 = arith.muli %while3A_384, %mul3A_492 : i32
              %add3A_494 = arith.addi %while3A_292, %mul3A_493 : i32
              %add3A_495 = arith.constant 112 : i32
              %add3A_496 = arith.addi %add3A_494, %add3A_495 : i32
              %add3A_497 = vector.broadcast %add3A_496 : i32 to vector<16xi32>
              %add3A_498 = arith.addi %add3A_497, %iota3A : vector<16xi32>
              %jit3A_499 = arith.constant 0 : i32
              %jit3A_500 = arith.constant 102399 : i32
              %max3A_501 = vector.broadcast %jit3A_499 : i32 to vector<16xi32>
              %max3A_502 = arith.maxsi %max3A_501, %add3A_498 : vector<16xi32>
              %min3A_503 = vector.broadcast %jit3A_500 : i32 to vector<16xi32>
              %min3A_504 = arith.minsi %min3A_503, %max3A_502 : vector<16xi32>
              %swap3A_505 = arith.constant 112 : index
              %swap3A_506 = tpu.vector_load %arg12[%swap3A_505] {strides = array<i32>} : memref<128xi32, #tpu.memory_space<vmem>>, vector<16xi32>,
              tpu.vector_store %arg12[%swap3A_505], %min3A_504 {strides = array<i32>} : memref<128xi32, #tpu.memory_space<vmem>>, vector<16xi32>,
              "tpu.region"() ({
                %run_scoped3A = tpu.sem_alloc : memref<!tpu.dma_semaphore, #tpu.memory_space<semaphore_mem>>
                %dma_start3A_539 = tpu.memref_slice %arg11[%multiple_of3A_387] : memref<8192xf32, #tpu.memory_space<vmem>> -> memref<128xf32, #tpu.memory_space<vmem>>
                %dma_start3A_540 = arith.constant 0 : i32
                %dma_start3A_541 = tpu.memref_slice %arg13[%dma_start3A_540] : memref<102400xf32, #tpu.memory_space<vmem_shared>> -> memref<102400xf32, #tpu.memory_space<vmem_shared>>
                tpu.enqueue_indirect_dma source(%dma_start3A_539 : memref<128xf32, #tpu.memory_space<vmem>>) target(%dma_start3A_541 : memref<102400xf32, #tpu.memory_space<vmem_shared>>) offsets(%arg12 : memref<128xi32, #tpu.memory_space<vmem>>) semaphore(%run_scoped3A : memref<!tpu.dma_semaphore, #tpu.memory_space<semaphore_mem>>) {add = true}
                %dma_wait3A_542 = tpu.memref_slice %arg11[%multiple_of3A_387] : memref<8192xf32, #tpu.memory_space<vmem>> -> memref<128xf32, #tpu.memory_space<vmem>>
                %dma_wait3A_543 = arith.constant 0 : i32
                %dma_wait3A_544 = tpu.memref_slice %arg13[%dma_wait3A_543] : memref<102400xf32, #tpu.memory_space<vmem_shared>> -> memref<102400xf32, #tpu.memory_space<vmem_shared>>
                tpu.wait_indirect_dma semaphore(%run_scoped3A : memref<!tpu.dma_semaphore, #tpu.memory_space<semaphore_mem>>) src(%dma_wait3A_542 : memref<128xf32, #tpu.memory_space<vmem>>) dst(%dma_wait3A_544 : memref<102400xf32, #tpu.memory_space<vmem_shared>>)
                tpu.yield
              }) : () -> ()
              %add3A_507 = arith.constant 0 : i32
              %add3A_508 = arith.addi %multiple_of3A_387, %add3A_507 : i32
              %swap3A_509 = arith.index_cast %add3A_508 : i32 to index
              %swap3A_510 = tpu.vector_load %arg11[%swap3A_509] {strides = array<i32>} : memref<8192xf32, #tpu.memory_space<vmem>>, vector<16xf32>,
              tpu.vector_store %arg11[%swap3A_509], %broadcast_in_dim3A_1 {strides = array<i32>} : memref<8192xf32, #tpu.memory_space<vmem>>, vector<16xf32>,
              %add3A_511 = arith.constant 16 : i32
              %add3A_512 = arith.addi %multiple_of3A_387, %add3A_511 : i32
              %swap3A_513 = arith.index_cast %add3A_512 : i32 to index
              %swap3A_514 = tpu.vector_load %arg11[%swap3A_513] {strides = array<i32>} : memref<8192xf32, #tpu.memory_space<vmem>>, vector<16xf32>,
              tpu.vector_store %arg11[%swap3A_513], %broadcast_in_dim3A_1 {strides = array<i32>} : memref<8192xf32, #tpu.memory_space<vmem>>, vector<16xf32>,
              %add3A_515 = arith.constant 32 : i32
              %add3A_516 = arith.addi %multiple_of3A_387, %add3A_515 : i32
              %swap3A_517 = arith.index_cast %add3A_516 : i32 to index
              %swap3A_518 = tpu.vector_load %arg11[%swap3A_517] {strides = array<i32>} : memref<8192xf32, #tpu.memory_space<vmem>>, vector<16xf32>,
              tpu.vector_store %arg11[%swap3A_517], %broadcast_in_dim3A_1 {strides = array<i32>} : memref<8192xf32, #tpu.memory_space<vmem>>, vector<16xf32>,
              %add3A_519 = arith.constant 48 : i32
              %add3A_520 = arith.addi %multiple_of3A_387, %add3A_519 : i32
              %swap3A_521 = arith.index_cast %add3A_520 : i32 to index
              %swap3A_522 = tpu.vector_load %arg11[%swap3A_521] {strides = array<i32>} : memref<8192xf32, #tpu.memory_space<vmem>>, vector<16xf32>,
              tpu.vector_store %arg11[%swap3A_521], %broadcast_in_dim3A_1 {strides = array<i32>} : memref<8192xf32, #tpu.memory_space<vmem>>, vector<16xf32>,
              %add3A_523 = arith.constant 64 : i32
              %add3A_524 = arith.addi %multiple_of3A_387, %add3A_523 : i32
              %swap3A_525 = arith.index_cast %add3A_524 : i32 to index
              %swap3A_526 = tpu.vector_load %arg11[%swap3A_525] {strides = array<i32>} : memref<8192xf32, #tpu.memory_space<vmem>>, vector<16xf32>,
              tpu.vector_store %arg11[%swap3A_525], %broadcast_in_dim3A_1 {strides = array<i32>} : memref<8192xf32, #tpu.memory_space<vmem>>, vector<16xf32>,
              %add3A_527 = arith.constant 80 : i32
              %add3A_528 = arith.addi %multiple_of3A_387, %add3A_527 : i32
              %swap3A_529 = arith.index_cast %add3A_528 : i32 to index
              %swap3A_530 = tpu.vector_load %arg11[%swap3A_529] {strides = array<i32>} : memref<8192xf32, #tpu.memory_space<vmem>>, vector<16xf32>,
              tpu.vector_store %arg11[%swap3A_529], %broadcast_in_dim3A_1 {strides = array<i32>} : memref<8192xf32, #tpu.memory_space<vmem>>, vector<16xf32>,
              %add3A_531 = arith.constant 96 : i32
              %add3A_532 = arith.addi %multiple_of3A_387, %add3A_531 : i32
              %swap3A_533 = arith.index_cast %add3A_532 : i32 to index
              %swap3A_534 = tpu.vector_load %arg11[%swap3A_533] {strides = array<i32>} : memref<8192xf32, #tpu.memory_space<vmem>>, vector<16xf32>,
              tpu.vector_store %arg11[%swap3A_533], %broadcast_in_dim3A_1 {strides = array<i32>} : memref<8192xf32, #tpu.memory_space<vmem>>, vector<16xf32>,
              %add3A_535 = arith.constant 112 : i32
              %add3A_536 = arith.addi %multiple_of3A_387, %add3A_535 : i32
              %swap3A_537 = arith.index_cast %add3A_536 : i32 to index
              %swap3A_538 = tpu.vector_load %arg11[%swap3A_537] {strides = array<i32>} : memref<8192xf32, #tpu.memory_space<vmem>>, vector<16xf32>,
              tpu.vector_store %arg11[%swap3A_537], %broadcast_in_dim3A_1 {strides = array<i32>} : memref<8192xf32, #tpu.memory_space<vmem>>, vector<16xf32>,
            }
            %eq3A_340 = arith.constant 1 : i32
            %eq3A_341 = vector.broadcast %eq3A_340 : i32 to vector<16xi32>
            %eq3A_342 = arith.cmpi eq, %while3A_294, %eq3A_341 : vector<16xi32>
            %jit3A_343 = arith.constant 1073741824 : i32
            %broadcast_in_dim3A_344 = vector.broadcast %jit3A_343 : i32 to vector<16xi32>
            %select_n3A_345 = arith.select %eq3A_342, %get3A_249, %broadcast_in_dim3A_344 : vector<16xi1>, vector<16xi32>
            %reduce_min3A = arith.constant true
            %reduce_min3A_346 = vector.broadcast %reduce_min3A : i1 to vector<16xi1>
            %reduce_min3A_347 = arith.constant -2147483648 : i32
            %reduce_min3A_348 = vector.broadcast %reduce_min3A_347 : i32 to vector<16xi32>
            %reduce_min3A_349 = arith.xori %select_n3A_345, %reduce_min3A_348 : vector<16xi32>
            %reduce_min3A_350 = tpu.scan <min>, %reduce_min3A_349 masked %reduce_min3A_346 : vector<16xi32>, vector<16xi1> -> vector<16xi32>
            %reduce_min3A_351 = arith.xori %reduce_min3A_350, %reduce_min3A_348 : vector<16xi32>
            %reduce_min3A_352 = vector.extract %reduce_min3A_351[15] : i32 from vector<16xi32>
            %sub3A_353 = arith.constant 1 : i32
            %sub3A_354 = arith.subi %reduce_min3A_352, %sub3A_353 : i32
            %sub3A_355 = vector.broadcast %reduce_min3A_352 : i32 to vector<16xi32>
            %sub3A_356 = arith.subi %get3A_249, %sub3A_355 : vector<16xi32>
            %lt3A_357 = arith.constant 8192 : i32
            %lt3A_358 = vector.broadcast %lt3A_357 : i32 to vector<16xi32>
            %lt3A_359 = arith.cmpi slt, %sub3A_356, %lt3A_358 : vector<16xi32>
            %eq3A_360 = arith.constant 1 : i32
            %eq3A_361 = vector.broadcast %eq3A_360 : i32 to vector<16xi32>
            %eq3A_362 = arith.cmpi eq, %while3A_294, %eq3A_361 : vector<16xi32>
            %and3A_363 = arith.andi %lt3A_359, %eq3A_362 : vector<16xi1>
            %jit3A_364 = arith.constant 0 : i32
            %jit3A_365 = arith.constant 8191 : i32
            %max3A_366 = vector.broadcast %jit3A_364 : i32 to vector<16xi32>
            %max3A_367 = arith.maxsi %max3A_366, %sub3A_356 : vector<16xi32>
            %min3A_368 = vector.broadcast %jit3A_365 : i32 to vector<16xi32>
            %min3A_369 = arith.minsi %min3A_368, %max3A_367 : vector<16xi32>
            tpu.vector_store_idx %arg11[%min3A_369], %mul3A_260 masked %and3A_363 {add = true} : memref<8192xf32, #tpu.memory_space<vmem>>[vector<16xi32>], vector<16xf32>, vector<16xi1>
            %broadcast_in_dim3A_370 = vector.broadcast %sub3A_354 : i32 to vector<16xi32>
            %select_n3A_371 = arith.select %and3A_363, %get3A_249, %broadcast_in_dim3A_370 : vector<16xi1>, vector<16xi32>
            %reduce_max3A_372 = arith.constant true
            %reduce_max3A_373 = vector.broadcast %reduce_max3A_372 : i1 to vector<16xi1>
            %reduce_max3A_374 = arith.constant -2147483648 : i32
            %reduce_max3A_375 = vector.broadcast %reduce_max3A_374 : i32 to vector<16xi32>
            %reduce_max3A_376 = arith.xori %select_n3A_371, %reduce_max3A_375 : vector<16xi32>
            %reduce_max3A_377 = tpu.scan <max>, %reduce_max3A_376 masked %reduce_max3A_373 : vector<16xi32>, vector<16xi1> -> vector<16xi32>
            %reduce_max3A_378 = arith.xori %reduce_max3A_377, %reduce_max3A_375 : vector<16xi32>
            %reduce_max3A_379 = vector.extract %reduce_max3A_378[15] : i32 from vector<16xi32>
            %max3A_380 = arith.maxsi %sub3A_354, %reduce_max3A_379 : i32
            %jit3A_381 = arith.constant 0 : i32
            %broadcast_in_dim3A_382 = vector.broadcast %jit3A_381 : i32 to vector<16xi32>
            %select_n3A_383 = arith.select %and3A_363, %broadcast_in_dim3A_382, %while3A_294 : vector<16xi1>, vector<16xi32>
            scf.yield %reduce_min3A_352, %max3A_380, %select_n3A_383 : i32, i32, vector<16xi32>
          }
          scf.yield %while3A_291#0, %while3A_291#1 : i32, i32
        }
        %scan3A_239 = arith.constant 125 : i32
        scf.yield %scan3A_238#0, %scan3A_238#1 : i32, i32
      }
      %add3A_162 = arith.constant 1 : i32
      %add3A_163 = arith.addi %mul3A_97, %add3A_162 : i32
      %lt3A_164 = arith.constant 49 : i32
      %lt3A_165 = arith.cmpi slt, %add3A_163, %lt3A_164 : i32
      %convert_element_type3A_166 = arith.extui %lt3A_165 : i1 to i32
      %cond3A_167 = arith.constant 0 : i32
      %cond3A_168 = arith.cmpi ne, %convert_element_type3A_166, %cond3A_167 : i32
      scf.if %cond3A_168 {
        %mul3A_234 = arith.constant 100000 : i32
        %mul3A_235 = arith.muli %add3A, %mul3A_234 : i32
        %add3A_236 = arith.constant 1 : i32
        %add3A_237 = arith.addi %add3A_163, %add3A_236 : i32
        %mul3A_238 = arith.constant 2000 : i32
        %mul3A_239 = arith.muli %add3A_237, %mul3A_238 : i32
        %add3A_240 = arith.addi %mul3A_235, %mul3A_239 : i32
        %dma_start3A_241 = arith.constant 0 : i32
        %dma_start3A_242 = arith.constant 0 : i32
        %dma_start3A_243 = arith.constant 0 : i32
        %dma_start3A_244 = tpu.memref_slice %arg8[%dma_start3A_241, %dma_start3A_243] : memref<2x2000xi32, #tpu.memory_space<vmem>> -> memref<1x2000xi32, #tpu.memory_space<vmem>>
        %dma_start3A_245 = tpu.memref_squeeze %dma_start3A_244 : memref<1x2000xi32, #tpu.memory_space<vmem>> -> memref<2000xi32, #tpu.memory_space<vmem>>
        %dma_start3A_246 = tpu.memref_slice %arg3[%add3A_240] : memref<3200000xi32, #tpu.memory_space<hbm>> -> memref<2000xi32, #tpu.memory_space<hbm>>
        %dma_start3A_247 = tpu.memref_slice %arg14[%dma_start3A_242] : memref<2x!tpu.dma_semaphore, #tpu.memory_space<semaphore_mem>> -> memref<1x!tpu.dma_semaphore, #tpu.memory_space<semaphore_mem>>
        %dma_start3A_248 = tpu.memref_squeeze %dma_start3A_247 : memref<1x!tpu.dma_semaphore, #tpu.memory_space<semaphore_mem>> -> memref<!tpu.dma_semaphore, #tpu.memory_space<semaphore_mem>>
        %dma_start3A_249 = arith.constant 0 : i32
        %dma_start3A_250 = tpu.memref_slice %arg8[%dma_start3A_241, %dma_start3A_249] : memref<2x2000xi32, #tpu.memory_space<vmem>> -> memref<1x2000xi32, #tpu.memory_space<vmem>>
        %dma_start3A_251 = tpu.memref_squeeze %dma_start3A_250 : memref<1x2000xi32, #tpu.memory_space<vmem>> -> memref<2000xi32, #tpu.memory_space<vmem>>
        %dma_start3A_252 = tpu.memref_slice %arg3[%add3A_240] : memref<3200000xi32, #tpu.memory_space<hbm>> -> memref<2000xi32, #tpu.memory_space<hbm>>
        tpu.enqueue_dma source(%dma_start3A_252 : memref<2000xi32, #tpu.memory_space<hbm>>) target(%dma_start3A_251 : memref<2000xi32, #tpu.memory_space<vmem>>) target_semaphore(%dma_start3A_248 : memref<!tpu.dma_semaphore, #tpu.memory_space<semaphore_mem>>)
        %dma_start3A_253 = arith.constant 0 : i32
        %dma_start3A_254 = arith.constant 0 : i32
        %dma_start3A_255 = arith.constant 0 : i32
        %dma_start3A_256 = tpu.memref_slice %arg9[%dma_start3A_253, %dma_start3A_255] : memref<2x2000xf32, #tpu.memory_space<vmem>> -> memref<1x2000xf32, #tpu.memory_space<vmem>>
        %dma_start3A_257 = tpu.memref_squeeze %dma_start3A_256 : memref<1x2000xf32, #tpu.memory_space<vmem>> -> memref<2000xf32, #tpu.memory_space<vmem>>
        %dma_start3A_258 = tpu.memref_slice %arg4[%add3A_240] : memref<3200000xf32, #tpu.memory_space<hbm>> -> memref<2000xf32, #tpu.memory_space<hbm>>
        %dma_start3A_259 = tpu.memref_slice %arg14[%dma_start3A_254] : memref<2x!tpu.dma_semaphore, #tpu.memory_space<semaphore_mem>> -> memref<1x!tpu.dma_semaphore, #tpu.memory_space<semaphore_mem>>
        %dma_start3A_260 = tpu.memref_squeeze %dma_start3A_259 : memref<1x!tpu.dma_semaphore, #tpu.memory_space<semaphore_mem>> -> memref<!tpu.dma_semaphore, #tpu.memory_space<semaphore_mem>>
        %dma_start3A_261 = arith.constant 0 : i32
        %dma_start3A_262 = tpu.memref_slice %arg9[%dma_start3A_253, %dma_start3A_261] : memref<2x2000xf32, #tpu.memory_space<vmem>> -> memref<1x2000xf32, #tpu.memory_space<vmem>>
        %dma_start3A_263 = tpu.memref_squeeze %dma_start3A_262 : memref<1x2000xf32, #tpu.memory_space<vmem>> -> memref<2000xf32, #tpu.memory_space<vmem>>
        %dma_start3A_264 = tpu.memref_slice %arg4[%add3A_240] : memref<3200000xf32, #tpu.memory_space<hbm>> -> memref<2000xf32, #tpu.memory_space<hbm>>
        tpu.enqueue_dma source(%dma_start3A_264 : memref<2000xf32, #tpu.memory_space<hbm>>) target(%dma_start3A_263 : memref<2000xf32, #tpu.memory_space<vmem>>) target_semaphore(%dma_start3A_260 : memref<!tpu.dma_semaphore, #tpu.memory_space<semaphore_mem>>)
        %dma_start3A_265 = arith.constant 0 : i32
        %dma_start3A_266 = arith.constant 0 : i32
        %dma_start3A_267 = arith.constant 0 : i32
        %dma_start3A_268 = tpu.memref_slice %arg10[%dma_start3A_265, %dma_start3A_267] : memref<2x2000xi32, #tpu.memory_space<vmem>> -> memref<1x2000xi32, #tpu.memory_space<vmem>>
        %dma_start3A_269 = tpu.memref_squeeze %dma_start3A_268 : memref<1x2000xi32, #tpu.memory_space<vmem>> -> memref<2000xi32, #tpu.memory_space<vmem>>
        %dma_start3A_270 = tpu.memref_slice %arg5[%add3A_240] : memref<3200000xi32, #tpu.memory_space<hbm>> -> memref<2000xi32, #tpu.memory_space<hbm>>
        %dma_start3A_271 = tpu.memref_slice %arg14[%dma_start3A_266] : memref<2x!tpu.dma_semaphore, #tpu.memory_space<semaphore_mem>> -> memref<1x!tpu.dma_semaphore, #tpu.memory_space<semaphore_mem>>
        %dma_start3A_272 = tpu.memref_squeeze %dma_start3A_271 : memref<1x!tpu.dma_semaphore, #tpu.memory_space<semaphore_mem>> -> memref<!tpu.dma_semaphore, #tpu.memory_space<semaphore_mem>>
        %dma_start3A_273 = arith.constant 0 : i32
        %dma_start3A_274 = tpu.memref_slice %arg10[%dma_start3A_265, %dma_start3A_273] : memref<2x2000xi32, #tpu.memory_space<vmem>> -> memref<1x2000xi32, #tpu.memory_space<vmem>>
        %dma_start3A_275 = tpu.memref_squeeze %dma_start3A_274 : memref<1x2000xi32, #tpu.memory_space<vmem>> -> memref<2000xi32, #tpu.memory_space<vmem>>
        %dma_start3A_276 = tpu.memref_slice %arg5[%add3A_240] : memref<3200000xi32, #tpu.memory_space<hbm>> -> memref<2000xi32, #tpu.memory_space<hbm>>
        tpu.enqueue_dma source(%dma_start3A_276 : memref<2000xi32, #tpu.memory_space<hbm>>) target(%dma_start3A_275 : memref<2000xi32, #tpu.memory_space<vmem>>) target_semaphore(%dma_start3A_272 : memref<!tpu.dma_semaphore, #tpu.memory_space<semaphore_mem>>)
      } else {
      }
      %mul3A_169 = arith.constant 100000 : i32
      %mul3A_170 = arith.muli %add3A, %mul3A_169 : i32
      %mul3A_171 = arith.constant 2000 : i32
      %mul3A_172 = arith.muli %add3A_163, %mul3A_171 : i32
      %add3A_173 = arith.addi %mul3A_170, %mul3A_172 : i32
      %dma_wait3A_174 = arith.constant 1 : i32
      %dma_wait3A_175 = arith.constant 1 : i32
      %dma_wait3A_176 = arith.constant 0 : i32
      %dma_wait3A_177 = tpu.memref_slice %arg8[%dma_wait3A_174, %dma_wait3A_176] : memref<2x2000xi32, #tpu.memory_space<vmem>> -> memref<1x2000xi32, #tpu.memory_space<vmem>>
      %dma_wait3A_178 = tpu.memref_squeeze %dma_wait3A_177 : memref<1x2000xi32, #tpu.memory_space<vmem>> -> memref<2000xi32, #tpu.memory_space<vmem>>
      %dma_wait3A_179 = tpu.memref_slice %arg3[%add3A_173] : memref<3200000xi32, #tpu.memory_space<hbm>> -> memref<2000xi32, #tpu.memory_space<hbm>>
      %dma_wait3A_180 = tpu.memref_slice %arg14[%dma_wait3A_175] : memref<2x!tpu.dma_semaphore, #tpu.memory_space<semaphore_mem>> -> memref<1x!tpu.dma_semaphore, #tpu.memory_space<semaphore_mem>>
      %dma_wait3A_181 = tpu.memref_squeeze %dma_wait3A_180 : memref<1x!tpu.dma_semaphore, #tpu.memory_space<semaphore_mem>> -> memref<!tpu.dma_semaphore, #tpu.memory_space<semaphore_mem>>
      %dma_wait3A_182 = arith.constant 0 : i32
      %dma_wait3A_183 = tpu.memref_slice %arg8[%dma_wait3A_174, %dma_wait3A_182] : memref<2x2000xi32, #tpu.memory_space<vmem>> -> memref<1x2000xi32, #tpu.memory_space<vmem>>
      %dma_wait3A_184 = tpu.memref_squeeze %dma_wait3A_183 : memref<1x2000xi32, #tpu.memory_space<vmem>> -> memref<2000xi32, #tpu.memory_space<vmem>>
      %dma_wait3A_185 = tpu.memref_slice %arg3[%add3A_173] : memref<3200000xi32, #tpu.memory_space<hbm>> -> memref<2000xi32, #tpu.memory_space<hbm>>
      tpu.wait_dma2 semaphore(%dma_wait3A_181 : memref<!tpu.dma_semaphore, #tpu.memory_space<semaphore_mem>>) src(%dma_wait3A_185 : memref<2000xi32, #tpu.memory_space<hbm>>) dst(%dma_wait3A_184 : memref<2000xi32, #tpu.memory_space<vmem>>)
      %dma_wait3A_186 = arith.constant 1 : i32
      %dma_wait3A_187 = arith.constant 1 : i32
      %dma_wait3A_188 = arith.constant 0 : i32
      %dma_wait3A_189 = tpu.memref_slice %arg9[%dma_wait3A_186, %dma_wait3A_188] : memref<2x2000xf32, #tpu.memory_space<vmem>> -> memref<1x2000xf32, #tpu.memory_space<vmem>>
      %dma_wait3A_190 = tpu.memref_squeeze %dma_wait3A_189 : memref<1x2000xf32, #tpu.memory_space<vmem>> -> memref<2000xf32, #tpu.memory_space<vmem>>
      %dma_wait3A_191 = tpu.memref_slice %arg4[%add3A_173] : memref<3200000xf32, #tpu.memory_space<hbm>> -> memref<2000xf32, #tpu.memory_space<hbm>>
      %dma_wait3A_192 = tpu.memref_slice %arg14[%dma_wait3A_187] : memref<2x!tpu.dma_semaphore, #tpu.memory_space<semaphore_mem>> -> memref<1x!tpu.dma_semaphore, #tpu.memory_space<semaphore_mem>>
      %dma_wait3A_193 = tpu.memref_squeeze %dma_wait3A_192 : memref<1x!tpu.dma_semaphore, #tpu.memory_space<semaphore_mem>> -> memref<!tpu.dma_semaphore, #tpu.memory_space<semaphore_mem>>
      %dma_wait3A_194 = arith.constant 0 : i32
      %dma_wait3A_195 = tpu.memref_slice %arg9[%dma_wait3A_186, %dma_wait3A_194] : memref<2x2000xf32, #tpu.memory_space<vmem>> -> memref<1x2000xf32, #tpu.memory_space<vmem>>
      %dma_wait3A_196 = tpu.memref_squeeze %dma_wait3A_195 : memref<1x2000xf32, #tpu.memory_space<vmem>> -> memref<2000xf32, #tpu.memory_space<vmem>>
      %dma_wait3A_197 = tpu.memref_slice %arg4[%add3A_173] : memref<3200000xf32, #tpu.memory_space<hbm>> -> memref<2000xf32, #tpu.memory_space<hbm>>
      tpu.wait_dma2 semaphore(%dma_wait3A_193 : memref<!tpu.dma_semaphore, #tpu.memory_space<semaphore_mem>>) src(%dma_wait3A_197 : memref<2000xf32, #tpu.memory_space<hbm>>) dst(%dma_wait3A_196 : memref<2000xf32, #tpu.memory_space<vmem>>)
      %dma_wait3A_198 = arith.constant 1 : i32
      %dma_wait3A_199 = arith.constant 1 : i32
      %dma_wait3A_200 = arith.constant 0 : i32
      %dma_wait3A_201 = tpu.memref_slice %arg10[%dma_wait3A_198, %dma_wait3A_200] : memref<2x2000xi32, #tpu.memory_space<vmem>> -> memref<1x2000xi32, #tpu.memory_space<vmem>>
      %dma_wait3A_202 = tpu.memref_squeeze %dma_wait3A_201 : memref<1x2000xi32, #tpu.memory_space<vmem>> -> memref<2000xi32, #tpu.memory_space<vmem>>
      %dma_wait3A_203 = tpu.memref_slice %arg5[%add3A_173] : memref<3200000xi32, #tpu.memory_space<hbm>> -> memref<2000xi32, #tpu.memory_space<hbm>>
      %dma_wait3A_204 = tpu.memref_slice %arg14[%dma_wait3A_199] : memref<2x!tpu.dma_semaphore, #tpu.memory_space<semaphore_mem>> -> memref<1x!tpu.dma_semaphore, #tpu.memory_space<semaphore_mem>>
      %dma_wait3A_205 = tpu.memref_squeeze %dma_wait3A_204 : memref<1x!tpu.dma_semaphore, #tpu.memory_space<semaphore_mem>> -> memref<!tpu.dma_semaphore, #tpu.memory_space<semaphore_mem>>
      %dma_wait3A_206 = arith.constant 0 : i32
      %dma_wait3A_207 = tpu.memref_slice %arg10[%dma_wait3A_198, %dma_wait3A_206] : memref<2x2000xi32, #tpu.memory_space<vmem>> -> memref<1x2000xi32, #tpu.memory_space<vmem>>
      %dma_wait3A_208 = tpu.memref_squeeze %dma_wait3A_207 : memref<1x2000xi32, #tpu.memory_space<vmem>> -> memref<2000xi32, #tpu.memory_space<vmem>>
      %dma_wait3A_209 = tpu.memref_slice %arg5[%add3A_173] : memref<3200000xi32, #tpu.memory_space<hbm>> -> memref<2000xi32, #tpu.memory_space<hbm>>
      tpu.wait_dma2 semaphore(%dma_wait3A_205 : memref<!tpu.dma_semaphore, #tpu.memory_space<semaphore_mem>>) src(%dma_wait3A_209 : memref<2000xi32, #tpu.memory_space<hbm>>) dst(%dma_wait3A_208 : memref<2000xi32, #tpu.memory_space<vmem>>)
      %get3A_210 = arith.constant 1 : i32
      %get3A_211 = arith.constant 0 : i32
      %get3A_212 = tpu.memref_slice %arg10[%get3A_210, %get3A_211] : memref<2x2000xi32, #tpu.memory_space<vmem>> -> memref<1x2000xi32, #tpu.memory_space<vmem>>
      %get3A_213 = tpu.memref_squeeze %get3A_212 : memref<1x2000xi32, #tpu.memory_space<vmem>> -> memref<2000xi32, #tpu.memory_space<vmem>>
      %get3A_214 = arith.constant 1984 : index
      %get3A_215 = tpu.vector_load %get3A_213[%get3A_214] {strides = array<i32>} : memref<2000xi32, #tpu.memory_space<vmem>>, vector<16xi32>,
      %reduce_max3A_216 = arith.constant true
      %reduce_max3A_217 = vector.broadcast %reduce_max3A_216 : i1 to vector<16xi1>
      %reduce_max3A_218 = arith.constant -2147483648 : i32
      %reduce_max3A_219 = vector.broadcast %reduce_max3A_218 : i32 to vector<16xi32>
      %reduce_max3A_220 = arith.xori %get3A_215, %reduce_max3A_219 : vector<16xi32>
      %reduce_max3A_221 = tpu.scan <max>, %reduce_max3A_220 masked %reduce_max3A_217 : vector<16xi32>, vector<16xi1> -> vector<16xi32>
      %reduce_max3A_222 = arith.xori %reduce_max3A_221, %reduce_max3A_219 : vector<16xi32>
      %reduce_max3A_223 = vector.extract %reduce_max3A_222[15] : i32 from vector<16xi32>
      %add3A_224 = arith.constant 8192 : i32
      %add3A_225 = arith.addi %cond3A_161#0, %add3A_224 : i32
      %lt3A_226 = arith.cmpi slt, %reduce_max3A_223, %add3A_225 : i32
      %convert_element_type3A_227 = arith.extui %lt3A_226 : i1 to i32
      %cond3A_228 = arith.constant 1 : i32
      %cond3A_229 = arith.constant 1 : i32
      %cond3A_230 = arith.constant 1 : i32
      %cond3A_231 = arith.constant 0 : i32
      %cond3A_232 = arith.cmpi ne, %convert_element_type3A_227, %cond3A_231 : i32
      %cond3A_233:2 = scf.if %cond3A_232 -> (i32, i32) {
        %parallel_loop3A = arith.constant 0 : i32
        %parallel_loop3A_234 = arith.constant 125 : i32
        %parallel_loop3A_235 = arith.constant 1 : i32
        scf.for %parallel_loop3A_237 = %parallel_loop3A to %parallel_loop3A_234 step %parallel_loop3A_235  : i32 {
          %parallel_loop3A_238 = arith.constant 16 : i32
          %parallel_loop3A_239 = arith.muli %parallel_loop3A_237, %parallel_loop3A_238 : i32
          %parallel_loop3A_240 = tpu.assume_multiple %parallel_loop3A_239, 16 : i32
          %parallel_loop3A_241 = arith.constant 0 : i32
          %parallel_loop3A_242 = tpu.memref_slice %arg10[%cond3A_228, %parallel_loop3A_241] : memref<2x2000xi32, #tpu.memory_space<vmem>> -> memref<1x2000xi32, #tpu.memory_space<vmem>>
          %parallel_loop3A_243 = tpu.memref_squeeze %parallel_loop3A_242 : memref<1x2000xi32, #tpu.memory_space<vmem>> -> memref<2000xi32, #tpu.memory_space<vmem>>
          %parallel_loop3A_244 = arith.index_cast %parallel_loop3A_240 : i32 to index
          %parallel_loop3A_245 = tpu.vector_load %parallel_loop3A_243[%parallel_loop3A_244] {strides = array<i32>} : memref<2000xi32, #tpu.memory_space<vmem>>, vector<16xi32>,
          %parallel_loop3A_246 = arith.constant 0 : i32
          %parallel_loop3A_247 = tpu.memref_slice %arg8[%cond3A_229, %parallel_loop3A_246] : memref<2x2000xi32, #tpu.memory_space<vmem>> -> memref<1x2000xi32, #tpu.memory_space<vmem>>
          %parallel_loop3A_248 = tpu.memref_squeeze %parallel_loop3A_247 : memref<1x2000xi32, #tpu.memory_space<vmem>> -> memref<2000xi32, #tpu.memory_space<vmem>>
          %parallel_loop3A_249 = arith.index_cast %parallel_loop3A_240 : i32 to index
          %parallel_loop3A_250 = tpu.vector_load %parallel_loop3A_248[%parallel_loop3A_249] {strides = array<i32>} : memref<2000xi32, #tpu.memory_space<vmem>>, vector<16xi32>,
          %parallel_loop3A_251 = tpu.vector_load_idx %arg7[%parallel_loop3A_250] : memref<100000xf32, #tpu.memory_space<vmem>>[vector<16xi32>], vector<16xf32>,
          %parallel_loop3A_252 = arith.constant 0 : i32
          %parallel_loop3A_253 = tpu.memref_slice %arg9[%cond3A_230, %parallel_loop3A_252] : memref<2x2000xf32, #tpu.memory_space<vmem>> -> memref<1x2000xf32, #tpu.memory_space<vmem>>
          %parallel_loop3A_254 = tpu.memref_squeeze %parallel_loop3A_253 : memref<1x2000xf32, #tpu.memory_space<vmem>> -> memref<2000xf32, #tpu.memory_space<vmem>>
          %parallel_loop3A_255 = arith.index_cast %parallel_loop3A_240 : i32 to index
          %parallel_loop3A_256 = tpu.vector_load %parallel_loop3A_254[%parallel_loop3A_255] {strides = array<i32>} : memref<2000xf32, #tpu.memory_space<vmem>>, vector<16xf32>,
          %parallel_loop3A_257 = arith.mulf %parallel_loop3A_251, %parallel_loop3A_256 : vector<16xf32>
          tpu.vector_store_idx %arg11[%iota3A], %parallel_loop3A_257 {add = true} : memref<8192xf32, #tpu.memory_space<vmem>>[vector<16xi32>], vector<16xf32>,
        } {sc.loop_unroll_factor = 5 : i64, sc.parallel_access}
        %max3A_236 = arith.maxsi %cond3A_161#1, %reduce_max3A_223 : i32
        scf.yield %cond3A_161#0, %max3A_236 : i32, i32
      } else {
        %scan3A_234 = arith.constant 0 : i32
        %scan3A_235 = arith.constant 125 : i32
        %scan3A_236 = arith.addi %scan3A_234, %scan3A_235 : i32
        %scan3A_237 = arith.constant 1 : i32
        %scan3A_238:2 = scf.for %scan3A_240 = %scan3A_234 to %scan3A_236 step %scan3A_237 iter_args(%scan3A_241 = %cond3A_161#0, %scan3A_242 = %cond3A_161#1) -> (i32, i32)  : i32 {
          %mul3A_243 = arith.constant 16 : i32
          %mul3A_244 = arith.muli %scan3A_240, %mul3A_243 : i32
          %multiple_of3A = tpu.assume_multiple %mul3A_244, 16 : i32
          %get3A_245 = arith.constant 0 : i32
          %get3A_246 = tpu.memref_slice %arg10[%cond3A_228, %get3A_245] : memref<2x2000xi32, #tpu.memory_space<vmem>> -> memref<1x2000xi32, #tpu.memory_space<vmem>>
          %get3A_247 = tpu.memref_squeeze %get3A_246 : memref<1x2000xi32, #tpu.memory_space<vmem>> -> memref<2000xi32, #tpu.memory_space<vmem>>
          %get3A_248 = arith.index_cast %multiple_of3A : i32 to index
          %get3A_249 = tpu.vector_load %get3A_247[%get3A_248] {strides = array<i32>} : memref<2000xi32, #tpu.memory_space<vmem>>, vector<16xi32>,
          %get3A_250 = arith.constant 0 : i32
          %get3A_251 = tpu.memref_slice %arg8[%cond3A_229, %get3A_250] : memref<2x2000xi32, #tpu.memory_space<vmem>> -> memref<1x2000xi32, #tpu.memory_space<vmem>>
          %get3A_252 = tpu.memref_squeeze %get3A_251 : memref<1x2000xi32, #tpu.memory_space<vmem>> -> memref<2000xi32, #tpu.memory_space<vmem>>
          %get3A_253 = arith.index_cast %multiple_of3A : i32 to index
          %get3A_254 = tpu.vector_load %get3A_252[%get3A_253] {strides = array<i32>} : memref<2000xi32, #tpu.memory_space<vmem>>, vector<16xi32>,
          %gather3A = tpu.vector_load_idx %arg7[%get3A_254] : memref<100000xf32, #tpu.memory_space<vmem>>[vector<16xi32>], vector<16xf32>,
          %get3A_255 = arith.constant 0 : i32
          %get3A_256 = tpu.memref_slice %arg9[%cond3A_230, %get3A_255] : memref<2x2000xf32, #tpu.memory_space<vmem>> -> memref<1x2000xf32, #tpu.memory_space<vmem>>
          %get3A_257 = tpu.memref_squeeze %get3A_256 : memref<1x2000xf32, #tpu.memory_space<vmem>> -> memref<2000xf32, #tpu.memory_space<vmem>>
          %get3A_258 = arith.index_cast %multiple_of3A : i32 to index
          %get3A_259 = tpu.vector_load %get3A_257[%get3A_258] {strides = array<i32>} : memref<2000xf32, #tpu.memory_space<vmem>>, vector<16xf32>,
          %mul3A_260 = arith.mulf %gather3A, %get3A_259 : vector<16xf32>
          %broadcast_in_dim3A_261 = arith.constant 1 : i32
          %broadcast_in_dim3A_262 = vector.broadcast %broadcast_in_dim3A_261 : i32 to vector<16xi32>
          %sub3A_263 = vector.broadcast %scan3A_241 : i32 to vector<16xi32>
          %sub3A_264 = arith.subi %get3A_249, %sub3A_263 : vector<16xi32>
          %lt3A_265 = arith.constant 8192 : i32
          %lt3A_266 = vector.broadcast %lt3A_265 : i32 to vector<16xi32>
          %lt3A_267 = arith.cmpi slt, %sub3A_264, %lt3A_266 : vector<16xi32>
          %eq3A = arith.constant 1 : i32
          %eq3A_268 = vector.broadcast %eq3A : i32 to vector<16xi32>
          %eq3A_269 = arith.cmpi eq, %broadcast_in_dim3A_262, %eq3A_268 : vector<16xi32>
          %and3A_270 = arith.andi %lt3A_267, %eq3A_269 : vector<16xi1>
          %jit3A_271 = arith.constant 0 : i32
          %jit3A_272 = arith.constant 8191 : i32
          %max3A_273 = vector.broadcast %jit3A_271 : i32 to vector<16xi32>
          %max3A_274 = arith.maxsi %max3A_273, %sub3A_264 : vector<16xi32>
          %min3A_275 = vector.broadcast %jit3A_272 : i32 to vector<16xi32>
          %min3A_276 = arith.minsi %min3A_275, %max3A_274 : vector<16xi32>
          tpu.vector_store_idx %arg11[%min3A_276], %mul3A_260 masked %and3A_270 {add = true} : memref<8192xf32, #tpu.memory_space<vmem>>[vector<16xi32>], vector<16xf32>, vector<16xi1>
          %broadcast_in_dim3A_277 = vector.broadcast %scan3A_242 : i32 to vector<16xi32>
          %select_n3A_278 = arith.select %and3A_270, %get3A_249, %broadcast_in_dim3A_277 : vector<16xi1>, vector<16xi32>
          %reduce_max3A_279 = arith.constant true
          %reduce_max3A_280 = vector.broadcast %reduce_max3A_279 : i1 to vector<16xi1>
          %reduce_max3A_281 = arith.constant -2147483648 : i32
          %reduce_max3A_282 = vector.broadcast %reduce_max3A_281 : i32 to vector<16xi32>
          %reduce_max3A_283 = arith.xori %select_n3A_278, %reduce_max3A_282 : vector<16xi32>
          %reduce_max3A_284 = tpu.scan <max>, %reduce_max3A_283 masked %reduce_max3A_280 : vector<16xi32>, vector<16xi1> -> vector<16xi32>
          %reduce_max3A_285 = arith.xori %reduce_max3A_284, %reduce_max3A_282 : vector<16xi32>
          %reduce_max3A_286 = vector.extract %reduce_max3A_285[15] : i32 from vector<16xi32>
          %max3A_287 = arith.maxsi %scan3A_242, %reduce_max3A_286 : i32
          %jit3A_288 = arith.constant 0 : i32
          %broadcast_in_dim3A_289 = vector.broadcast %jit3A_288 : i32 to vector<16xi32>
          %select_n3A_290 = arith.select %and3A_270, %broadcast_in_dim3A_289, %broadcast_in_dim3A_262 : vector<16xi1>, vector<16xi32>
          %while3A_291:3 = scf.while (%while3A_292 = %scan3A_241, %while3A_293 = %max3A_287, %while3A_294 = %select_n3A_290) : (i32, i32, vector<16xi32>) -> (i32, i32, vector<16xi32>) {
            %reduce_max3A_295 = arith.constant true
            %reduce_max3A_296 = vector.broadcast %reduce_max3A_295 : i1 to vector<16xi1>
            %reduce_max3A_297 = arith.constant -2147483648 : i32
            %reduce_max3A_298 = vector.broadcast %reduce_max3A_297 : i32 to vector<16xi32>
            %reduce_max3A_299 = arith.xori %while3A_294, %reduce_max3A_298 : vector<16xi32>
            %reduce_max3A_300 = tpu.scan <max>, %reduce_max3A_299 masked %reduce_max3A_296 : vector<16xi32>, vector<16xi1> -> vector<16xi32>
            %reduce_max3A_301 = arith.xori %reduce_max3A_300, %reduce_max3A_298 : vector<16xi32>
            %reduce_max3A_302 = vector.extract %reduce_max3A_301[15] : i32 from vector<16xi32>
            %gt3A = arith.constant 0 : i32
            %gt3A_303 = arith.cmpi sgt, %reduce_max3A_302, %gt3A : i32
            scf.condition(%gt3A_303) %while3A_292, %while3A_293, %while3A_294 : i32, i32, vector<16xi32>
          } do {
          ^bb0(%while3A_292: i32, %while3A_293: i32, %while3A_294: vector<16xi32>):
            %add3A_295 = arith.constant 1 : i32
            %add3A_296 = arith.addi %while3A_293, %add3A_295 : i32
            %sub3A_297 = arith.subi %add3A_296, %while3A_292 : i32
            %jit3A_298 = arith.constant 0 : i32
            %jit3A_299 = arith.constant 8192 : i32
            %max3A_300 = arith.maxsi %jit3A_298, %sub3A_297 : i32
            %min3A_301 = arith.minsi %jit3A_299, %max3A_300 : i32
            %add3A_302 = arith.constant 128 : i32
            %add3A_303 = arith.addi %min3A_301, %add3A_302 : i32
            %sub3A_304 = arith.constant 1 : i32
            %sub3A_305 = arith.subi %add3A_303, %sub3A_304 : i32
            %jit3A_306 = arith.constant 128 : i32
            %div3A_307 = arith.divsi %sub3A_305, %jit3A_306 : i32
            %sign3A_308 = arith.constant 0 : i32
            %sign3A_309 = arith.cmpi sgt, %sub3A_305, %sign3A_308 : i32
            %sign3A_310 = arith.extui %sign3A_309 : i1 to i32
            %sign3A_311 = arith.constant 0 : i32
            %sign3A_312 = arith.cmpi slt, %sub3A_305, %sign3A_311 : i32
            %sign3A_313 = arith.extui %sign3A_312 : i1 to i32
            %sign3A_314 = arith.subi %sign3A_310, %sign3A_313 : i32
            %sign3A_315 = arith.constant 0 : i32
            %sign3A_316 = arith.cmpi sgt, %jit3A_306, %sign3A_315 : i32
            %sign3A_317 = arith.extui %sign3A_316 : i1 to i32
            %sign3A_318 = arith.constant 0 : i32
            %sign3A_319 = arith.cmpi slt, %jit3A_306, %sign3A_318 : i32
            %sign3A_320 = arith.extui %sign3A_319 : i1 to i32
            %sign3A_321 = arith.subi %sign3A_317, %sign3A_320 : i32
            %ne3A_322 = arith.cmpi ne, %sign3A_314, %sign3A_321 : i32
            %rem3A_323 = arith.remsi %sub3A_305, %jit3A_306 : i32
            %ne3A_324 = arith.constant 0 : i32
            %ne3A_325 = arith.cmpi ne, %rem3A_323, %ne3A_324 : i32
            %and3A_326 = arith.andi %ne3A_322, %ne3A_325 : i1
            %sub3A_327 = arith.constant 1 : i32
            %sub3A_328 = arith.subi %div3A_307, %sub3A_327 : i32
            %select_n3A_329 = arith.select %and3A_326, %sub3A_328, %div3A_307 : i32
            %while3A_330 = arith.constant 0 : i32
            %while3A_331 = arith.constant 0 : i32
            %while3A_332 = arith.subi %select_n3A_329, %while3A_331 : i32
            %while3A_333 = arith.addi %while3A_331, %while3A_332 : i32
            %while3A_334 = arith.constant 1 : i32
            %while3A_335 = arith.divsi %while3A_332, %while3A_334 : i32
            %while3A_336 = arith.muli %while3A_335, %while3A_334 : i32
            %while3A_337 = arith.addi %while3A_331, %while3A_336 : i32
            %while3A_338 = arith.constant 1 : i32
            scf.for %while3A_384 = %while3A_331 to %while3A_337 step %while3A_338  : i32 {
              %mul3A_385 = arith.constant 128 : i32
              %mul3A_386 = arith.muli %while3A_384, %mul3A_385 : i32
              %multiple_of3A_387 = tpu.assume_multiple %mul3A_386, 128 : i32
              %mul3A_388 = arith.constant 128 : i32
              %mul3A_389 = arith.muli %while3A_384, %mul3A_388 : i32
              %add3A_390 = arith.addi %while3A_292, %mul3A_389 : i32
              %add3A_391 = arith.constant 0 : i32
              %add3A_392 = arith.addi %add3A_390, %add3A_391 : i32
              %add3A_393 = vector.broadcast %add3A_392 : i32 to vector<16xi32>
              %add3A_394 = arith.addi %add3A_393, %iota3A : vector<16xi32>
              %jit3A_395 = arith.constant 0 : i32
              %jit3A_396 = arith.constant 102399 : i32
              %max3A_397 = vector.broadcast %jit3A_395 : i32 to vector<16xi32>
              %max3A_398 = arith.maxsi %max3A_397, %add3A_394 : vector<16xi32>
              %min3A_399 = vector.broadcast %jit3A_396 : i32 to vector<16xi32>
              %min3A_400 = arith.minsi %min3A_399, %max3A_398 : vector<16xi32>
              %swap3A = arith.constant 0 : index
              %swap3A_401 = tpu.vector_load %arg12[%swap3A] {strides = array<i32>} : memref<128xi32, #tpu.memory_space<vmem>>, vector<16xi32>,
              tpu.vector_store %arg12[%swap3A], %min3A_400 {strides = array<i32>} : memref<128xi32, #tpu.memory_space<vmem>>, vector<16xi32>,
              %mul3A_402 = arith.constant 128 : i32
              %mul3A_403 = arith.muli %while3A_384, %mul3A_402 : i32
              %add3A_404 = arith.addi %while3A_292, %mul3A_403 : i32
              %add3A_405 = arith.constant 16 : i32
              %add3A_406 = arith.addi %add3A_404, %add3A_405 : i32
              %add3A_407 = vector.broadcast %add3A_406 : i32 to vector<16xi32>
              %add3A_408 = arith.addi %add3A_407, %iota3A : vector<16xi32>
              %jit3A_409 = arith.constant 0 : i32
              %jit3A_410 = arith.constant 102399 : i32
              %max3A_411 = vector.broadcast %jit3A_409 : i32 to vector<16xi32>
              %max3A_412 = arith.maxsi %max3A_411, %add3A_408 : vector<16xi32>
              %min3A_413 = vector.broadcast %jit3A_410 : i32 to vector<16xi32>
              %min3A_414 = arith.minsi %min3A_413, %max3A_412 : vector<16xi32>
              %swap3A_415 = arith.constant 16 : index
              %swap3A_416 = tpu.vector_load %arg12[%swap3A_415] {strides = array<i32>} : memref<128xi32, #tpu.memory_space<vmem>>, vector<16xi32>,
              tpu.vector_store %arg12[%swap3A_415], %min3A_414 {strides = array<i32>} : memref<128xi32, #tpu.memory_space<vmem>>, vector<16xi32>,
              %mul3A_417 = arith.constant 128 : i32
              %mul3A_418 = arith.muli %while3A_384, %mul3A_417 : i32
              %add3A_419 = arith.addi %while3A_292, %mul3A_418 : i32
              %add3A_420 = arith.constant 32 : i32
              %add3A_421 = arith.addi %add3A_419, %add3A_420 : i32
              %add3A_422 = vector.broadcast %add3A_421 : i32 to vector<16xi32>
              %add3A_423 = arith.addi %add3A_422, %iota3A : vector<16xi32>
              %jit3A_424 = arith.constant 0 : i32
              %jit3A_425 = arith.constant 102399 : i32
              %max3A_426 = vector.broadcast %jit3A_424 : i32 to vector<16xi32>
              %max3A_427 = arith.maxsi %max3A_426, %add3A_423 : vector<16xi32>
              %min3A_428 = vector.broadcast %jit3A_425 : i32 to vector<16xi32>
              %min3A_429 = arith.minsi %min3A_428, %max3A_427 : vector<16xi32>
              %swap3A_430 = arith.constant 32 : index
              %swap3A_431 = tpu.vector_load %arg12[%swap3A_430] {strides = array<i32>} : memref<128xi32, #tpu.memory_space<vmem>>, vector<16xi32>,
              tpu.vector_store %arg12[%swap3A_430], %min3A_429 {strides = array<i32>} : memref<128xi32, #tpu.memory_space<vmem>>, vector<16xi32>,
              %mul3A_432 = arith.constant 128 : i32
              %mul3A_433 = arith.muli %while3A_384, %mul3A_432 : i32
              %add3A_434 = arith.addi %while3A_292, %mul3A_433 : i32
              %add3A_435 = arith.constant 48 : i32
              %add3A_436 = arith.addi %add3A_434, %add3A_435 : i32
              %add3A_437 = vector.broadcast %add3A_436 : i32 to vector<16xi32>
              %add3A_438 = arith.addi %add3A_437, %iota3A : vector<16xi32>
              %jit3A_439 = arith.constant 0 : i32
              %jit3A_440 = arith.constant 102399 : i32
              %max3A_441 = vector.broadcast %jit3A_439 : i32 to vector<16xi32>
              %max3A_442 = arith.maxsi %max3A_441, %add3A_438 : vector<16xi32>
              %min3A_443 = vector.broadcast %jit3A_440 : i32 to vector<16xi32>
              %min3A_444 = arith.minsi %min3A_443, %max3A_442 : vector<16xi32>
              %swap3A_445 = arith.constant 48 : index
              %swap3A_446 = tpu.vector_load %arg12[%swap3A_445] {strides = array<i32>} : memref<128xi32, #tpu.memory_space<vmem>>, vector<16xi32>,
              tpu.vector_store %arg12[%swap3A_445], %min3A_444 {strides = array<i32>} : memref<128xi32, #tpu.memory_space<vmem>>, vector<16xi32>,
              %mul3A_447 = arith.constant 128 : i32
              %mul3A_448 = arith.muli %while3A_384, %mul3A_447 : i32
              %add3A_449 = arith.addi %while3A_292, %mul3A_448 : i32
              %add3A_450 = arith.constant 64 : i32
              %add3A_451 = arith.addi %add3A_449, %add3A_450 : i32
              %add3A_452 = vector.broadcast %add3A_451 : i32 to vector<16xi32>
              %add3A_453 = arith.addi %add3A_452, %iota3A : vector<16xi32>
              %jit3A_454 = arith.constant 0 : i32
              %jit3A_455 = arith.constant 102399 : i32
              %max3A_456 = vector.broadcast %jit3A_454 : i32 to vector<16xi32>
              %max3A_457 = arith.maxsi %max3A_456, %add3A_453 : vector<16xi32>
              %min3A_458 = vector.broadcast %jit3A_455 : i32 to vector<16xi32>
              %min3A_459 = arith.minsi %min3A_458, %max3A_457 : vector<16xi32>
              %swap3A_460 = arith.constant 64 : index
              %swap3A_461 = tpu.vector_load %arg12[%swap3A_460] {strides = array<i32>} : memref<128xi32, #tpu.memory_space<vmem>>, vector<16xi32>,
              tpu.vector_store %arg12[%swap3A_460], %min3A_459 {strides = array<i32>} : memref<128xi32, #tpu.memory_space<vmem>>, vector<16xi32>,
              %mul3A_462 = arith.constant 128 : i32
              %mul3A_463 = arith.muli %while3A_384, %mul3A_462 : i32
              %add3A_464 = arith.addi %while3A_292, %mul3A_463 : i32
              %add3A_465 = arith.constant 80 : i32
              %add3A_466 = arith.addi %add3A_464, %add3A_465 : i32
              %add3A_467 = vector.broadcast %add3A_466 : i32 to vector<16xi32>
              %add3A_468 = arith.addi %add3A_467, %iota3A : vector<16xi32>
              %jit3A_469 = arith.constant 0 : i32
              %jit3A_470 = arith.constant 102399 : i32
              %max3A_471 = vector.broadcast %jit3A_469 : i32 to vector<16xi32>
              %max3A_472 = arith.maxsi %max3A_471, %add3A_468 : vector<16xi32>
              %min3A_473 = vector.broadcast %jit3A_470 : i32 to vector<16xi32>
              %min3A_474 = arith.minsi %min3A_473, %max3A_472 : vector<16xi32>
              %swap3A_475 = arith.constant 80 : index
              %swap3A_476 = tpu.vector_load %arg12[%swap3A_475] {strides = array<i32>} : memref<128xi32, #tpu.memory_space<vmem>>, vector<16xi32>,
              tpu.vector_store %arg12[%swap3A_475], %min3A_474 {strides = array<i32>} : memref<128xi32, #tpu.memory_space<vmem>>, vector<16xi32>,
              %mul3A_477 = arith.constant 128 : i32
              %mul3A_478 = arith.muli %while3A_384, %mul3A_477 : i32
              %add3A_479 = arith.addi %while3A_292, %mul3A_478 : i32
              %add3A_480 = arith.constant 96 : i32
              %add3A_481 = arith.addi %add3A_479, %add3A_480 : i32
              %add3A_482 = vector.broadcast %add3A_481 : i32 to vector<16xi32>
              %add3A_483 = arith.addi %add3A_482, %iota3A : vector<16xi32>
              %jit3A_484 = arith.constant 0 : i32
              %jit3A_485 = arith.constant 102399 : i32
              %max3A_486 = vector.broadcast %jit3A_484 : i32 to vector<16xi32>
              %max3A_487 = arith.maxsi %max3A_486, %add3A_483 : vector<16xi32>
              %min3A_488 = vector.broadcast %jit3A_485 : i32 to vector<16xi32>
              %min3A_489 = arith.minsi %min3A_488, %max3A_487 : vector<16xi32>
              %swap3A_490 = arith.constant 96 : index
              %swap3A_491 = tpu.vector_load %arg12[%swap3A_490] {strides = array<i32>} : memref<128xi32, #tpu.memory_space<vmem>>, vector<16xi32>,
              tpu.vector_store %arg12[%swap3A_490], %min3A_489 {strides = array<i32>} : memref<128xi32, #tpu.memory_space<vmem>>, vector<16xi32>,
              %mul3A_492 = arith.constant 128 : i32
              %mul3A_493 = arith.muli %while3A_384, %mul3A_492 : i32
              %add3A_494 = arith.addi %while3A_292, %mul3A_493 : i32
              %add3A_495 = arith.constant 112 : i32
              %add3A_496 = arith.addi %add3A_494, %add3A_495 : i32
              %add3A_497 = vector.broadcast %add3A_496 : i32 to vector<16xi32>
              %add3A_498 = arith.addi %add3A_497, %iota3A : vector<16xi32>
              %jit3A_499 = arith.constant 0 : i32
              %jit3A_500 = arith.constant 102399 : i32
              %max3A_501 = vector.broadcast %jit3A_499 : i32 to vector<16xi32>
              %max3A_502 = arith.maxsi %max3A_501, %add3A_498 : vector<16xi32>
              %min3A_503 = vector.broadcast %jit3A_500 : i32 to vector<16xi32>
              %min3A_504 = arith.minsi %min3A_503, %max3A_502 : vector<16xi32>
              %swap3A_505 = arith.constant 112 : index
              %swap3A_506 = tpu.vector_load %arg12[%swap3A_505] {strides = array<i32>} : memref<128xi32, #tpu.memory_space<vmem>>, vector<16xi32>,
              tpu.vector_store %arg12[%swap3A_505], %min3A_504 {strides = array<i32>} : memref<128xi32, #tpu.memory_space<vmem>>, vector<16xi32>,
              "tpu.region"() ({
                %run_scoped3A = tpu.sem_alloc : memref<!tpu.dma_semaphore, #tpu.memory_space<semaphore_mem>>
                %dma_start3A_539 = tpu.memref_slice %arg11[%multiple_of3A_387] : memref<8192xf32, #tpu.memory_space<vmem>> -> memref<128xf32, #tpu.memory_space<vmem>>
                %dma_start3A_540 = arith.constant 0 : i32
                %dma_start3A_541 = tpu.memref_slice %arg13[%dma_start3A_540] : memref<102400xf32, #tpu.memory_space<vmem_shared>> -> memref<102400xf32, #tpu.memory_space<vmem_shared>>
                tpu.enqueue_indirect_dma source(%dma_start3A_539 : memref<128xf32, #tpu.memory_space<vmem>>) target(%dma_start3A_541 : memref<102400xf32, #tpu.memory_space<vmem_shared>>) offsets(%arg12 : memref<128xi32, #tpu.memory_space<vmem>>) semaphore(%run_scoped3A : memref<!tpu.dma_semaphore, #tpu.memory_space<semaphore_mem>>) {add = true}
                %dma_wait3A_542 = tpu.memref_slice %arg11[%multiple_of3A_387] : memref<8192xf32, #tpu.memory_space<vmem>> -> memref<128xf32, #tpu.memory_space<vmem>>
                %dma_wait3A_543 = arith.constant 0 : i32
                %dma_wait3A_544 = tpu.memref_slice %arg13[%dma_wait3A_543] : memref<102400xf32, #tpu.memory_space<vmem_shared>> -> memref<102400xf32, #tpu.memory_space<vmem_shared>>
                tpu.wait_indirect_dma semaphore(%run_scoped3A : memref<!tpu.dma_semaphore, #tpu.memory_space<semaphore_mem>>) src(%dma_wait3A_542 : memref<128xf32, #tpu.memory_space<vmem>>) dst(%dma_wait3A_544 : memref<102400xf32, #tpu.memory_space<vmem_shared>>)
                tpu.yield
              }) : () -> ()
              %add3A_507 = arith.constant 0 : i32
              %add3A_508 = arith.addi %multiple_of3A_387, %add3A_507 : i32
              %swap3A_509 = arith.index_cast %add3A_508 : i32 to index
              %swap3A_510 = tpu.vector_load %arg11[%swap3A_509] {strides = array<i32>} : memref<8192xf32, #tpu.memory_space<vmem>>, vector<16xf32>,
              tpu.vector_store %arg11[%swap3A_509], %broadcast_in_dim3A_1 {strides = array<i32>} : memref<8192xf32, #tpu.memory_space<vmem>>, vector<16xf32>,
              %add3A_511 = arith.constant 16 : i32
              %add3A_512 = arith.addi %multiple_of3A_387, %add3A_511 : i32
              %swap3A_513 = arith.index_cast %add3A_512 : i32 to index
              %swap3A_514 = tpu.vector_load %arg11[%swap3A_513] {strides = array<i32>} : memref<8192xf32, #tpu.memory_space<vmem>>, vector<16xf32>,
              tpu.vector_store %arg11[%swap3A_513], %broadcast_in_dim3A_1 {strides = array<i32>} : memref<8192xf32, #tpu.memory_space<vmem>>, vector<16xf32>,
              %add3A_515 = arith.constant 32 : i32
              %add3A_516 = arith.addi %multiple_of3A_387, %add3A_515 : i32
              %swap3A_517 = arith.index_cast %add3A_516 : i32 to index
              %swap3A_518 = tpu.vector_load %arg11[%swap3A_517] {strides = array<i32>} : memref<8192xf32, #tpu.memory_space<vmem>>, vector<16xf32>,
              tpu.vector_store %arg11[%swap3A_517], %broadcast_in_dim3A_1 {strides = array<i32>} : memref<8192xf32, #tpu.memory_space<vmem>>, vector<16xf32>,
              %add3A_519 = arith.constant 48 : i32
              %add3A_520 = arith.addi %multiple_of3A_387, %add3A_519 : i32
              %swap3A_521 = arith.index_cast %add3A_520 : i32 to index
              %swap3A_522 = tpu.vector_load %arg11[%swap3A_521] {strides = array<i32>} : memref<8192xf32, #tpu.memory_space<vmem>>, vector<16xf32>,
              tpu.vector_store %arg11[%swap3A_521], %broadcast_in_dim3A_1 {strides = array<i32>} : memref<8192xf32, #tpu.memory_space<vmem>>, vector<16xf32>,
              %add3A_523 = arith.constant 64 : i32
              %add3A_524 = arith.addi %multiple_of3A_387, %add3A_523 : i32
              %swap3A_525 = arith.index_cast %add3A_524 : i32 to index
              %swap3A_526 = tpu.vector_load %arg11[%swap3A_525] {strides = array<i32>} : memref<8192xf32, #tpu.memory_space<vmem>>, vector<16xf32>,
              tpu.vector_store %arg11[%swap3A_525], %broadcast_in_dim3A_1 {strides = array<i32>} : memref<8192xf32, #tpu.memory_space<vmem>>, vector<16xf32>,
              %add3A_527 = arith.constant 80 : i32
              %add3A_528 = arith.addi %multiple_of3A_387, %add3A_527 : i32
              %swap3A_529 = arith.index_cast %add3A_528 : i32 to index
              %swap3A_530 = tpu.vector_load %arg11[%swap3A_529] {strides = array<i32>} : memref<8192xf32, #tpu.memory_space<vmem>>, vector<16xf32>,
              tpu.vector_store %arg11[%swap3A_529], %broadcast_in_dim3A_1 {strides = array<i32>} : memref<8192xf32, #tpu.memory_space<vmem>>, vector<16xf32>,
              %add3A_531 = arith.constant 96 : i32
              %add3A_532 = arith.addi %multiple_of3A_387, %add3A_531 : i32
              %swap3A_533 = arith.index_cast %add3A_532 : i32 to index
              %swap3A_534 = tpu.vector_load %arg11[%swap3A_533] {strides = array<i32>} : memref<8192xf32, #tpu.memory_space<vmem>>, vector<16xf32>,
              tpu.vector_store %arg11[%swap3A_533], %broadcast_in_dim3A_1 {strides = array<i32>} : memref<8192xf32, #tpu.memory_space<vmem>>, vector<16xf32>,
              %add3A_535 = arith.constant 112 : i32
              %add3A_536 = arith.addi %multiple_of3A_387, %add3A_535 : i32
              %swap3A_537 = arith.index_cast %add3A_536 : i32 to index
              %swap3A_538 = tpu.vector_load %arg11[%swap3A_537] {strides = array<i32>} : memref<8192xf32, #tpu.memory_space<vmem>>, vector<16xf32>,
              tpu.vector_store %arg11[%swap3A_537], %broadcast_in_dim3A_1 {strides = array<i32>} : memref<8192xf32, #tpu.memory_space<vmem>>, vector<16xf32>,
            }
            %while3A_339 = arith.constant 1 : i32
            scf.for %while3A_384 = %while3A_337 to %while3A_333 step %while3A_339  : i32 {
              %mul3A_385 = arith.constant 128 : i32
              %mul3A_386 = arith.muli %while3A_384, %mul3A_385 : i32
              %multiple_of3A_387 = tpu.assume_multiple %mul3A_386, 128 : i32
              %mul3A_388 = arith.constant 128 : i32
              %mul3A_389 = arith.muli %while3A_384, %mul3A_388 : i32
              %add3A_390 = arith.addi %while3A_292, %mul3A_389 : i32
              %add3A_391 = arith.constant 0 : i32
              %add3A_392 = arith.addi %add3A_390, %add3A_391 : i32
              %add3A_393 = vector.broadcast %add3A_392 : i32 to vector<16xi32>
              %add3A_394 = arith.addi %add3A_393, %iota3A : vector<16xi32>
              %jit3A_395 = arith.constant 0 : i32
              %jit3A_396 = arith.constant 102399 : i32
              %max3A_397 = vector.broadcast %jit3A_395 : i32 to vector<16xi32>
              %max3A_398 = arith.maxsi %max3A_397, %add3A_394 : vector<16xi32>
              %min3A_399 = vector.broadcast %jit3A_396 : i32 to vector<16xi32>
              %min3A_400 = arith.minsi %min3A_399, %max3A_398 : vector<16xi32>
              %swap3A = arith.constant 0 : index
              %swap3A_401 = tpu.vector_load %arg12[%swap3A] {strides = array<i32>} : memref<128xi32, #tpu.memory_space<vmem>>, vector<16xi32>,
              tpu.vector_store %arg12[%swap3A], %min3A_400 {strides = array<i32>} : memref<128xi32, #tpu.memory_space<vmem>>, vector<16xi32>,
              %mul3A_402 = arith.constant 128 : i32
              %mul3A_403 = arith.muli %while3A_384, %mul3A_402 : i32
              %add3A_404 = arith.addi %while3A_292, %mul3A_403 : i32
              %add3A_405 = arith.constant 16 : i32
              %add3A_406 = arith.addi %add3A_404, %add3A_405 : i32
              %add3A_407 = vector.broadcast %add3A_406 : i32 to vector<16xi32>
              %add3A_408 = arith.addi %add3A_407, %iota3A : vector<16xi32>
              %jit3A_409 = arith.constant 0 : i32
              %jit3A_410 = arith.constant 102399 : i32
              %max3A_411 = vector.broadcast %jit3A_409 : i32 to vector<16xi32>
              %max3A_412 = arith.maxsi %max3A_411, %add3A_408 : vector<16xi32>
              %min3A_413 = vector.broadcast %jit3A_410 : i32 to vector<16xi32>
              %min3A_414 = arith.minsi %min3A_413, %max3A_412 : vector<16xi32>
              %swap3A_415 = arith.constant 16 : index
              %swap3A_416 = tpu.vector_load %arg12[%swap3A_415] {strides = array<i32>} : memref<128xi32, #tpu.memory_space<vmem>>, vector<16xi32>,
              tpu.vector_store %arg12[%swap3A_415], %min3A_414 {strides = array<i32>} : memref<128xi32, #tpu.memory_space<vmem>>, vector<16xi32>,
              %mul3A_417 = arith.constant 128 : i32
              %mul3A_418 = arith.muli %while3A_384, %mul3A_417 : i32
              %add3A_419 = arith.addi %while3A_292, %mul3A_418 : i32
              %add3A_420 = arith.constant 32 : i32
              %add3A_421 = arith.addi %add3A_419, %add3A_420 : i32
              %add3A_422 = vector.broadcast %add3A_421 : i32 to vector<16xi32>
              %add3A_423 = arith.addi %add3A_422, %iota3A : vector<16xi32>
              %jit3A_424 = arith.constant 0 : i32
              %jit3A_425 = arith.constant 102399 : i32
              %max3A_426 = vector.broadcast %jit3A_424 : i32 to vector<16xi32>
              %max3A_427 = arith.maxsi %max3A_426, %add3A_423 : vector<16xi32>
              %min3A_428 = vector.broadcast %jit3A_425 : i32 to vector<16xi32>
              %min3A_429 = arith.minsi %min3A_428, %max3A_427 : vector<16xi32>
              %swap3A_430 = arith.constant 32 : index
              %swap3A_431 = tpu.vector_load %arg12[%swap3A_430] {strides = array<i32>} : memref<128xi32, #tpu.memory_space<vmem>>, vector<16xi32>,
              tpu.vector_store %arg12[%swap3A_430], %min3A_429 {strides = array<i32>} : memref<128xi32, #tpu.memory_space<vmem>>, vector<16xi32>,
              %mul3A_432 = arith.constant 128 : i32
              %mul3A_433 = arith.muli %while3A_384, %mul3A_432 : i32
              %add3A_434 = arith.addi %while3A_292, %mul3A_433 : i32
              %add3A_435 = arith.constant 48 : i32
              %add3A_436 = arith.addi %add3A_434, %add3A_435 : i32
              %add3A_437 = vector.broadcast %add3A_436 : i32 to vector<16xi32>
              %add3A_438 = arith.addi %add3A_437, %iota3A : vector<16xi32>
              %jit3A_439 = arith.constant 0 : i32
              %jit3A_440 = arith.constant 102399 : i32
              %max3A_441 = vector.broadcast %jit3A_439 : i32 to vector<16xi32>
              %max3A_442 = arith.maxsi %max3A_441, %add3A_438 : vector<16xi32>
              %min3A_443 = vector.broadcast %jit3A_440 : i32 to vector<16xi32>
              %min3A_444 = arith.minsi %min3A_443, %max3A_442 : vector<16xi32>
              %swap3A_445 = arith.constant 48 : index
              %swap3A_446 = tpu.vector_load %arg12[%swap3A_445] {strides = array<i32>} : memref<128xi32, #tpu.memory_space<vmem>>, vector<16xi32>,
              tpu.vector_store %arg12[%swap3A_445], %min3A_444 {strides = array<i32>} : memref<128xi32, #tpu.memory_space<vmem>>, vector<16xi32>,
              %mul3A_447 = arith.constant 128 : i32
              %mul3A_448 = arith.muli %while3A_384, %mul3A_447 : i32
              %add3A_449 = arith.addi %while3A_292, %mul3A_448 : i32
              %add3A_450 = arith.constant 64 : i32
              %add3A_451 = arith.addi %add3A_449, %add3A_450 : i32
              %add3A_452 = vector.broadcast %add3A_451 : i32 to vector<16xi32>
              %add3A_453 = arith.addi %add3A_452, %iota3A : vector<16xi32>
              %jit3A_454 = arith.constant 0 : i32
              %jit3A_455 = arith.constant 102399 : i32
              %max3A_456 = vector.broadcast %jit3A_454 : i32 to vector<16xi32>
              %max3A_457 = arith.maxsi %max3A_456, %add3A_453 : vector<16xi32>
              %min3A_458 = vector.broadcast %jit3A_455 : i32 to vector<16xi32>
              %min3A_459 = arith.minsi %min3A_458, %max3A_457 : vector<16xi32>
              %swap3A_460 = arith.constant 64 : index
              %swap3A_461 = tpu.vector_load %arg12[%swap3A_460] {strides = array<i32>} : memref<128xi32, #tpu.memory_space<vmem>>, vector<16xi32>,
              tpu.vector_store %arg12[%swap3A_460], %min3A_459 {strides = array<i32>} : memref<128xi32, #tpu.memory_space<vmem>>, vector<16xi32>,
              %mul3A_462 = arith.constant 128 : i32
              %mul3A_463 = arith.muli %while3A_384, %mul3A_462 : i32
              %add3A_464 = arith.addi %while3A_292, %mul3A_463 : i32
              %add3A_465 = arith.constant 80 : i32
              %add3A_466 = arith.addi %add3A_464, %add3A_465 : i32
              %add3A_467 = vector.broadcast %add3A_466 : i32 to vector<16xi32>
              %add3A_468 = arith.addi %add3A_467, %iota3A : vector<16xi32>
              %jit3A_469 = arith.constant 0 : i32
              %jit3A_470 = arith.constant 102399 : i32
              %max3A_471 = vector.broadcast %jit3A_469 : i32 to vector<16xi32>
              %max3A_472 = arith.maxsi %max3A_471, %add3A_468 : vector<16xi32>
              %min3A_473 = vector.broadcast %jit3A_470 : i32 to vector<16xi32>
              %min3A_474 = arith.minsi %min3A_473, %max3A_472 : vector<16xi32>
              %swap3A_475 = arith.constant 80 : index
              %swap3A_476 = tpu.vector_load %arg12[%swap3A_475] {strides = array<i32>} : memref<128xi32, #tpu.memory_space<vmem>>, vector<16xi32>,
              tpu.vector_store %arg12[%swap3A_475], %min3A_474 {strides = array<i32>} : memref<128xi32, #tpu.memory_space<vmem>>, vector<16xi32>,
              %mul3A_477 = arith.constant 128 : i32
              %mul3A_478 = arith.muli %while3A_384, %mul3A_477 : i32
              %add3A_479 = arith.addi %while3A_292, %mul3A_478 : i32
              %add3A_480 = arith.constant 96 : i32
              %add3A_481 = arith.addi %add3A_479, %add3A_480 : i32
              %add3A_482 = vector.broadcast %add3A_481 : i32 to vector<16xi32>
              %add3A_483 = arith.addi %add3A_482, %iota3A : vector<16xi32>
              %jit3A_484 = arith.constant 0 : i32
              %jit3A_485 = arith.constant 102399 : i32
              %max3A_486 = vector.broadcast %jit3A_484 : i32 to vector<16xi32>
              %max3A_487 = arith.maxsi %max3A_486, %add3A_483 : vector<16xi32>
              %min3A_488 = vector.broadcast %jit3A_485 : i32 to vector<16xi32>
              %min3A_489 = arith.minsi %min3A_488, %max3A_487 : vector<16xi32>
              %swap3A_490 = arith.constant 96 : index
              %swap3A_491 = tpu.vector_load %arg12[%swap3A_490] {strides = array<i32>} : memref<128xi32, #tpu.memory_space<vmem>>, vector<16xi32>,
              tpu.vector_store %arg12[%swap3A_490], %min3A_489 {strides = array<i32>} : memref<128xi32, #tpu.memory_space<vmem>>, vector<16xi32>,
              %mul3A_492 = arith.constant 128 : i32
              %mul3A_493 = arith.muli %while3A_384, %mul3A_492 : i32
              %add3A_494 = arith.addi %while3A_292, %mul3A_493 : i32
              %add3A_495 = arith.constant 112 : i32
              %add3A_496 = arith.addi %add3A_494, %add3A_495 : i32
              %add3A_497 = vector.broadcast %add3A_496 : i32 to vector<16xi32>
              %add3A_498 = arith.addi %add3A_497, %iota3A : vector<16xi32>
              %jit3A_499 = arith.constant 0 : i32
              %jit3A_500 = arith.constant 102399 : i32
              %max3A_501 = vector.broadcast %jit3A_499 : i32 to vector<16xi32>
              %max3A_502 = arith.maxsi %max3A_501, %add3A_498 : vector<16xi32>
              %min3A_503 = vector.broadcast %jit3A_500 : i32 to vector<16xi32>
              %min3A_504 = arith.minsi %min3A_503, %max3A_502 : vector<16xi32>
              %swap3A_505 = arith.constant 112 : index
              %swap3A_506 = tpu.vector_load %arg12[%swap3A_505] {strides = array<i32>} : memref<128xi32, #tpu.memory_space<vmem>>, vector<16xi32>,
              tpu.vector_store %arg12[%swap3A_505], %min3A_504 {strides = array<i32>} : memref<128xi32, #tpu.memory_space<vmem>>, vector<16xi32>,
              "tpu.region"() ({
                %run_scoped3A = tpu.sem_alloc : memref<!tpu.dma_semaphore, #tpu.memory_space<semaphore_mem>>
                %dma_start3A_539 = tpu.memref_slice %arg11[%multiple_of3A_387] : memref<8192xf32, #tpu.memory_space<vmem>> -> memref<128xf32, #tpu.memory_space<vmem>>
                %dma_start3A_540 = arith.constant 0 : i32
                %dma_start3A_541 = tpu.memref_slice %arg13[%dma_start3A_540] : memref<102400xf32, #tpu.memory_space<vmem_shared>> -> memref<102400xf32, #tpu.memory_space<vmem_shared>>
                tpu.enqueue_indirect_dma source(%dma_start3A_539 : memref<128xf32, #tpu.memory_space<vmem>>) target(%dma_start3A_541 : memref<102400xf32, #tpu.memory_space<vmem_shared>>) offsets(%arg12 : memref<128xi32, #tpu.memory_space<vmem>>) semaphore(%run_scoped3A : memref<!tpu.dma_semaphore, #tpu.memory_space<semaphore_mem>>) {add = true}
                %dma_wait3A_542 = tpu.memref_slice %arg11[%multiple_of3A_387] : memref<8192xf32, #tpu.memory_space<vmem>> -> memref<128xf32, #tpu.memory_space<vmem>>
                %dma_wait3A_543 = arith.constant 0 : i32
                %dma_wait3A_544 = tpu.memref_slice %arg13[%dma_wait3A_543] : memref<102400xf32, #tpu.memory_space<vmem_shared>> -> memref<102400xf32, #tpu.memory_space<vmem_shared>>
                tpu.wait_indirect_dma semaphore(%run_scoped3A : memref<!tpu.dma_semaphore, #tpu.memory_space<semaphore_mem>>) src(%dma_wait3A_542 : memref<128xf32, #tpu.memory_space<vmem>>) dst(%dma_wait3A_544 : memref<102400xf32, #tpu.memory_space<vmem_shared>>)
                tpu.yield
              }) : () -> ()
              %add3A_507 = arith.constant 0 : i32
              %add3A_508 = arith.addi %multiple_of3A_387, %add3A_507 : i32
              %swap3A_509 = arith.index_cast %add3A_508 : i32 to index
              %swap3A_510 = tpu.vector_load %arg11[%swap3A_509] {strides = array<i32>} : memref<8192xf32, #tpu.memory_space<vmem>>, vector<16xf32>,
              tpu.vector_store %arg11[%swap3A_509], %broadcast_in_dim3A_1 {strides = array<i32>} : memref<8192xf32, #tpu.memory_space<vmem>>, vector<16xf32>,
              %add3A_511 = arith.constant 16 : i32
              %add3A_512 = arith.addi %multiple_of3A_387, %add3A_511 : i32
              %swap3A_513 = arith.index_cast %add3A_512 : i32 to index
              %swap3A_514 = tpu.vector_load %arg11[%swap3A_513] {strides = array<i32>} : memref<8192xf32, #tpu.memory_space<vmem>>, vector<16xf32>,
              tpu.vector_store %arg11[%swap3A_513], %broadcast_in_dim3A_1 {strides = array<i32>} : memref<8192xf32, #tpu.memory_space<vmem>>, vector<16xf32>,
              %add3A_515 = arith.constant 32 : i32
              %add3A_516 = arith.addi %multiple_of3A_387, %add3A_515 : i32
              %swap3A_517 = arith.index_cast %add3A_516 : i32 to index
              %swap3A_518 = tpu.vector_load %arg11[%swap3A_517] {strides = array<i32>} : memref<8192xf32, #tpu.memory_space<vmem>>, vector<16xf32>,
              tpu.vector_store %arg11[%swap3A_517], %broadcast_in_dim3A_1 {strides = array<i32>} : memref<8192xf32, #tpu.memory_space<vmem>>, vector<16xf32>,
              %add3A_519 = arith.constant 48 : i32
              %add3A_520 = arith.addi %multiple_of3A_387, %add3A_519 : i32
              %swap3A_521 = arith.index_cast %add3A_520 : i32 to index
              %swap3A_522 = tpu.vector_load %arg11[%swap3A_521] {strides = array<i32>} : memref<8192xf32, #tpu.memory_space<vmem>>, vector<16xf32>,
              tpu.vector_store %arg11[%swap3A_521], %broadcast_in_dim3A_1 {strides = array<i32>} : memref<8192xf32, #tpu.memory_space<vmem>>, vector<16xf32>,
              %add3A_523 = arith.constant 64 : i32
              %add3A_524 = arith.addi %multiple_of3A_387, %add3A_523 : i32
              %swap3A_525 = arith.index_cast %add3A_524 : i32 to index
              %swap3A_526 = tpu.vector_load %arg11[%swap3A_525] {strides = array<i32>} : memref<8192xf32, #tpu.memory_space<vmem>>, vector<16xf32>,
              tpu.vector_store %arg11[%swap3A_525], %broadcast_in_dim3A_1 {strides = array<i32>} : memref<8192xf32, #tpu.memory_space<vmem>>, vector<16xf32>,
              %add3A_527 = arith.constant 80 : i32
              %add3A_528 = arith.addi %multiple_of3A_387, %add3A_527 : i32
              %swap3A_529 = arith.index_cast %add3A_528 : i32 to index
              %swap3A_530 = tpu.vector_load %arg11[%swap3A_529] {strides = array<i32>} : memref<8192xf32, #tpu.memory_space<vmem>>, vector<16xf32>,
              tpu.vector_store %arg11[%swap3A_529], %broadcast_in_dim3A_1 {strides = array<i32>} : memref<8192xf32, #tpu.memory_space<vmem>>, vector<16xf32>,
              %add3A_531 = arith.constant 96 : i32
              %add3A_532 = arith.addi %multiple_of3A_387, %add3A_531 : i32
              %swap3A_533 = arith.index_cast %add3A_532 : i32 to index
              %swap3A_534 = tpu.vector_load %arg11[%swap3A_533] {strides = array<i32>} : memref<8192xf32, #tpu.memory_space<vmem>>, vector<16xf32>,
              tpu.vector_store %arg11[%swap3A_533], %broadcast_in_dim3A_1 {strides = array<i32>} : memref<8192xf32, #tpu.memory_space<vmem>>, vector<16xf32>,
              %add3A_535 = arith.constant 112 : i32
              %add3A_536 = arith.addi %multiple_of3A_387, %add3A_535 : i32
              %swap3A_537 = arith.index_cast %add3A_536 : i32 to index
              %swap3A_538 = tpu.vector_load %arg11[%swap3A_537] {strides = array<i32>} : memref<8192xf32, #tpu.memory_space<vmem>>, vector<16xf32>,
              tpu.vector_store %arg11[%swap3A_537], %broadcast_in_dim3A_1 {strides = array<i32>} : memref<8192xf32, #tpu.memory_space<vmem>>, vector<16xf32>,
            }
            %eq3A_340 = arith.constant 1 : i32
            %eq3A_341 = vector.broadcast %eq3A_340 : i32 to vector<16xi32>
            %eq3A_342 = arith.cmpi eq, %while3A_294, %eq3A_341 : vector<16xi32>
            %jit3A_343 = arith.constant 1073741824 : i32
            %broadcast_in_dim3A_344 = vector.broadcast %jit3A_343 : i32 to vector<16xi32>
            %select_n3A_345 = arith.select %eq3A_342, %get3A_249, %broadcast_in_dim3A_344 : vector<16xi1>, vector<16xi32>
            %reduce_min3A = arith.constant true
            %reduce_min3A_346 = vector.broadcast %reduce_min3A : i1 to vector<16xi1>
            %reduce_min3A_347 = arith.constant -2147483648 : i32
            %reduce_min3A_348 = vector.broadcast %reduce_min3A_347 : i32 to vector<16xi32>
            %reduce_min3A_349 = arith.xori %select_n3A_345, %reduce_min3A_348 : vector<16xi32>
            %reduce_min3A_350 = tpu.scan <min>, %reduce_min3A_349 masked %reduce_min3A_346 : vector<16xi32>, vector<16xi1> -> vector<16xi32>
            %reduce_min3A_351 = arith.xori %reduce_min3A_350, %reduce_min3A_348 : vector<16xi32>
            %reduce_min3A_352 = vector.extract %reduce_min3A_351[15] : i32 from vector<16xi32>
            %sub3A_353 = arith.constant 1 : i32
            %sub3A_354 = arith.subi %reduce_min3A_352, %sub3A_353 : i32
            %sub3A_355 = vector.broadcast %reduce_min3A_352 : i32 to vector<16xi32>
            %sub3A_356 = arith.subi %get3A_249, %sub3A_355 : vector<16xi32>
            %lt3A_357 = arith.constant 8192 : i32
            %lt3A_358 = vector.broadcast %lt3A_357 : i32 to vector<16xi32>
            %lt3A_359 = arith.cmpi slt, %sub3A_356, %lt3A_358 : vector<16xi32>
            %eq3A_360 = arith.constant 1 : i32
            %eq3A_361 = vector.broadcast %eq3A_360 : i32 to vector<16xi32>
            %eq3A_362 = arith.cmpi eq, %while3A_294, %eq3A_361 : vector<16xi32>
            %and3A_363 = arith.andi %lt3A_359, %eq3A_362 : vector<16xi1>
            %jit3A_364 = arith.constant 0 : i32
            %jit3A_365 = arith.constant 8191 : i32
            %max3A_366 = vector.broadcast %jit3A_364 : i32 to vector<16xi32>
            %max3A_367 = arith.maxsi %max3A_366, %sub3A_356 : vector<16xi32>
            %min3A_368 = vector.broadcast %jit3A_365 : i32 to vector<16xi32>
            %min3A_369 = arith.minsi %min3A_368, %max3A_367 : vector<16xi32>
            tpu.vector_store_idx %arg11[%min3A_369], %mul3A_260 masked %and3A_363 {add = true} : memref<8192xf32, #tpu.memory_space<vmem>>[vector<16xi32>], vector<16xf32>, vector<16xi1>
            %broadcast_in_dim3A_370 = vector.broadcast %sub3A_354 : i32 to vector<16xi32>
            %select_n3A_371 = arith.select %and3A_363, %get3A_249, %broadcast_in_dim3A_370 : vector<16xi1>, vector<16xi32>
            %reduce_max3A_372 = arith.constant true
            %reduce_max3A_373 = vector.broadcast %reduce_max3A_372 : i1 to vector<16xi1>
            %reduce_max3A_374 = arith.constant -2147483648 : i32
            %reduce_max3A_375 = vector.broadcast %reduce_max3A_374 : i32 to vector<16xi32>
            %reduce_max3A_376 = arith.xori %select_n3A_371, %reduce_max3A_375 : vector<16xi32>
            %reduce_max3A_377 = tpu.scan <max>, %reduce_max3A_376 masked %reduce_max3A_373 : vector<16xi32>, vector<16xi1> -> vector<16xi32>
            %reduce_max3A_378 = arith.xori %reduce_max3A_377, %reduce_max3A_375 : vector<16xi32>
            %reduce_max3A_379 = vector.extract %reduce_max3A_378[15] : i32 from vector<16xi32>
            %max3A_380 = arith.maxsi %sub3A_354, %reduce_max3A_379 : i32
            %jit3A_381 = arith.constant 0 : i32
            %broadcast_in_dim3A_382 = vector.broadcast %jit3A_381 : i32 to vector<16xi32>
            %select_n3A_383 = arith.select %and3A_363, %broadcast_in_dim3A_382, %while3A_294 : vector<16xi1>, vector<16xi32>
            scf.yield %reduce_min3A_352, %max3A_380, %select_n3A_383 : i32, i32, vector<16xi32>
          }
          scf.yield %while3A_291#0, %while3A_291#1 : i32, i32
        }
        %scan3A_239 = arith.constant 125 : i32
        scf.yield %scan3A_238#0, %scan3A_238#1 : i32, i32
      }
      scf.yield %cond3A_233#0, %cond3A_233#1 : i32, i32
    }
    %scan3A_53 = arith.constant 25 : i32
    %add3A_54 = arith.constant 1 : i32
    %add3A_55 = arith.addi %scan3A_52#1, %add3A_54 : i32
    %sub3A = arith.subi %add3A_55, %scan3A_52#0 : i32
    %jit3A = arith.constant 0 : i32
    %jit3A_56 = arith.constant 8192 : i32
    %max3A = arith.maxsi %jit3A, %sub3A : i32
    %min3A = arith.minsi %jit3A_56, %max3A : i32
    %add3A_57 = arith.constant 128 : i32
    %add3A_58 = arith.addi %min3A, %add3A_57 : i32
    %sub3A_59 = arith.constant 1 : i32
    %sub3A_60 = arith.subi %add3A_58, %sub3A_59 : i32
    %jit3A_61 = arith.constant 128 : i32
    %div3A = arith.divsi %sub3A_60, %jit3A_61 : i32
    %sign3A = arith.constant 0 : i32
    %sign3A_62 = arith.cmpi sgt, %sub3A_60, %sign3A : i32
    %sign3A_63 = arith.extui %sign3A_62 : i1 to i32
    %sign3A_64 = arith.constant 0 : i32
    %sign3A_65 = arith.cmpi slt, %sub3A_60, %sign3A_64 : i32
    %sign3A_66 = arith.extui %sign3A_65 : i1 to i32
    %sign3A_67 = arith.subi %sign3A_63, %sign3A_66 : i32
    %sign3A_68 = arith.constant 0 : i32
    %sign3A_69 = arith.cmpi sgt, %jit3A_61, %sign3A_68 : i32
    %sign3A_70 = arith.extui %sign3A_69 : i1 to i32
    %sign3A_71 = arith.constant 0 : i32
    %sign3A_72 = arith.cmpi slt, %jit3A_61, %sign3A_71 : i32
    %sign3A_73 = arith.extui %sign3A_72 : i1 to i32
    %sign3A_74 = arith.subi %sign3A_70, %sign3A_73 : i32
    %ne3A = arith.cmpi ne, %sign3A_67, %sign3A_74 : i32
    %rem3A = arith.remsi %sub3A_60, %jit3A_61 : i32
    %ne3A_75 = arith.constant 0 : i32
    %ne3A_76 = arith.cmpi ne, %rem3A, %ne3A_75 : i32
    %and3A = arith.andi %ne3A, %ne3A_76 : i1
    %sub3A_77 = arith.constant 1 : i32
    %sub3A_78 = arith.subi %div3A, %sub3A_77 : i32
    %select_n3A = arith.select %and3A, %sub3A_78, %div3A : i32
    %while3A = arith.constant 0 : i32
    %while3A_79 = arith.constant 0 : i32
    %while3A_80 = arith.subi %select_n3A, %while3A_79 : i32
    %while3A_81 = arith.addi %while3A_79, %while3A_80 : i32
    %while3A_82 = arith.constant 1 : i32
    %while3A_83 = arith.divsi %while3A_80, %while3A_82 : i32
    %while3A_84 = arith.muli %while3A_83, %while3A_82 : i32
    %while3A_85 = arith.addi %while3A_79, %while3A_84 : i32
    %while3A_86 = arith.constant 1 : i32
    scf.for %while3A_93 = %while3A_79 to %while3A_85 step %while3A_86  : i32 {
      %mul3A_94 = arith.constant 128 : i32
      %mul3A_95 = arith.muli %while3A_93, %mul3A_94 : i32
      %multiple_of3A = tpu.assume_multiple %mul3A_95, 128 : i32
      %mul3A_96 = arith.constant 128 : i32
      %mul3A_97 = arith.muli %while3A_93, %mul3A_96 : i32
      %add3A_98 = arith.addi %scan3A_52#0, %mul3A_97 : i32
      %add3A_99 = arith.constant 0 : i32
      %add3A_100 = arith.addi %add3A_98, %add3A_99 : i32
      %add3A_101 = vector.broadcast %add3A_100 : i32 to vector<16xi32>
      %add3A_102 = arith.addi %add3A_101, %iota3A : vector<16xi32>
      %jit3A_103 = arith.constant 0 : i32
      %jit3A_104 = arith.constant 102399 : i32
      %max3A_105 = vector.broadcast %jit3A_103 : i32 to vector<16xi32>
      %max3A_106 = arith.maxsi %max3A_105, %add3A_102 : vector<16xi32>
      %min3A_107 = vector.broadcast %jit3A_104 : i32 to vector<16xi32>
      %min3A_108 = arith.minsi %min3A_107, %max3A_106 : vector<16xi32>
      %swap3A = arith.constant 0 : index
      %swap3A_109 = tpu.vector_load %arg12[%swap3A] {strides = array<i32>} : memref<128xi32, #tpu.memory_space<vmem>>, vector<16xi32>,
      tpu.vector_store %arg12[%swap3A], %min3A_108 {strides = array<i32>} : memref<128xi32, #tpu.memory_space<vmem>>, vector<16xi32>,
      %mul3A_110 = arith.constant 128 : i32
      %mul3A_111 = arith.muli %while3A_93, %mul3A_110 : i32
      %add3A_112 = arith.addi %scan3A_52#0, %mul3A_111 : i32
      %add3A_113 = arith.constant 16 : i32
      %add3A_114 = arith.addi %add3A_112, %add3A_113 : i32
      %add3A_115 = vector.broadcast %add3A_114 : i32 to vector<16xi32>
      %add3A_116 = arith.addi %add3A_115, %iota3A : vector<16xi32>
      %jit3A_117 = arith.constant 0 : i32
      %jit3A_118 = arith.constant 102399 : i32
      %max3A_119 = vector.broadcast %jit3A_117 : i32 to vector<16xi32>
      %max3A_120 = arith.maxsi %max3A_119, %add3A_116 : vector<16xi32>
      %min3A_121 = vector.broadcast %jit3A_118 : i32 to vector<16xi32>
      %min3A_122 = arith.minsi %min3A_121, %max3A_120 : vector<16xi32>
      %swap3A_123 = arith.constant 16 : index
      %swap3A_124 = tpu.vector_load %arg12[%swap3A_123] {strides = array<i32>} : memref<128xi32, #tpu.memory_space<vmem>>, vector<16xi32>,
      tpu.vector_store %arg12[%swap3A_123], %min3A_122 {strides = array<i32>} : memref<128xi32, #tpu.memory_space<vmem>>, vector<16xi32>,
      %mul3A_125 = arith.constant 128 : i32
      %mul3A_126 = arith.muli %while3A_93, %mul3A_125 : i32
      %add3A_127 = arith.addi %scan3A_52#0, %mul3A_126 : i32
      %add3A_128 = arith.constant 32 : i32
      %add3A_129 = arith.addi %add3A_127, %add3A_128 : i32
      %add3A_130 = vector.broadcast %add3A_129 : i32 to vector<16xi32>
      %add3A_131 = arith.addi %add3A_130, %iota3A : vector<16xi32>
      %jit3A_132 = arith.constant 0 : i32
      %jit3A_133 = arith.constant 102399 : i32
      %max3A_134 = vector.broadcast %jit3A_132 : i32 to vector<16xi32>
      %max3A_135 = arith.maxsi %max3A_134, %add3A_131 : vector<16xi32>
      %min3A_136 = vector.broadcast %jit3A_133 : i32 to vector<16xi32>
      %min3A_137 = arith.minsi %min3A_136, %max3A_135 : vector<16xi32>
      %swap3A_138 = arith.constant 32 : index
      %swap3A_139 = tpu.vector_load %arg12[%swap3A_138] {strides = array<i32>} : memref<128xi32, #tpu.memory_space<vmem>>, vector<16xi32>,
      tpu.vector_store %arg12[%swap3A_138], %min3A_137 {strides = array<i32>} : memref<128xi32, #tpu.memory_space<vmem>>, vector<16xi32>,
      %mul3A_140 = arith.constant 128 : i32
      %mul3A_141 = arith.muli %while3A_93, %mul3A_140 : i32
      %add3A_142 = arith.addi %scan3A_52#0, %mul3A_141 : i32
      %add3A_143 = arith.constant 48 : i32
      %add3A_144 = arith.addi %add3A_142, %add3A_143 : i32
      %add3A_145 = vector.broadcast %add3A_144 : i32 to vector<16xi32>
      %add3A_146 = arith.addi %add3A_145, %iota3A : vector<16xi32>
      %jit3A_147 = arith.constant 0 : i32
      %jit3A_148 = arith.constant 102399 : i32
      %max3A_149 = vector.broadcast %jit3A_147 : i32 to vector<16xi32>
      %max3A_150 = arith.maxsi %max3A_149, %add3A_146 : vector<16xi32>
      %min3A_151 = vector.broadcast %jit3A_148 : i32 to vector<16xi32>
      %min3A_152 = arith.minsi %min3A_151, %max3A_150 : vector<16xi32>
      %swap3A_153 = arith.constant 48 : index
      %swap3A_154 = tpu.vector_load %arg12[%swap3A_153] {strides = array<i32>} : memref<128xi32, #tpu.memory_space<vmem>>, vector<16xi32>,
      tpu.vector_store %arg12[%swap3A_153], %min3A_152 {strides = array<i32>} : memref<128xi32, #tpu.memory_space<vmem>>, vector<16xi32>,
      %mul3A_155 = arith.constant 128 : i32
      %mul3A_156 = arith.muli %while3A_93, %mul3A_155 : i32
      %add3A_157 = arith.addi %scan3A_52#0, %mul3A_156 : i32
      %add3A_158 = arith.constant 64 : i32
      %add3A_159 = arith.addi %add3A_157, %add3A_158 : i32
      %add3A_160 = vector.broadcast %add3A_159 : i32 to vector<16xi32>
      %add3A_161 = arith.addi %add3A_160, %iota3A : vector<16xi32>
      %jit3A_162 = arith.constant 0 : i32
      %jit3A_163 = arith.constant 102399 : i32
      %max3A_164 = vector.broadcast %jit3A_162 : i32 to vector<16xi32>
      %max3A_165 = arith.maxsi %max3A_164, %add3A_161 : vector<16xi32>
      %min3A_166 = vector.broadcast %jit3A_163 : i32 to vector<16xi32>
      %min3A_167 = arith.minsi %min3A_166, %max3A_165 : vector<16xi32>
      %swap3A_168 = arith.constant 64 : index
      %swap3A_169 = tpu.vector_load %arg12[%swap3A_168] {strides = array<i32>} : memref<128xi32, #tpu.memory_space<vmem>>, vector<16xi32>,
      tpu.vector_store %arg12[%swap3A_168], %min3A_167 {strides = array<i32>} : memref<128xi32, #tpu.memory_space<vmem>>, vector<16xi32>,
      %mul3A_170 = arith.constant 128 : i32
      %mul3A_171 = arith.muli %while3A_93, %mul3A_170 : i32
      %add3A_172 = arith.addi %scan3A_52#0, %mul3A_171 : i32
      %add3A_173 = arith.constant 80 : i32
      %add3A_174 = arith.addi %add3A_172, %add3A_173 : i32
      %add3A_175 = vector.broadcast %add3A_174 : i32 to vector<16xi32>
      %add3A_176 = arith.addi %add3A_175, %iota3A : vector<16xi32>
      %jit3A_177 = arith.constant 0 : i32
      %jit3A_178 = arith.constant 102399 : i32
      %max3A_179 = vector.broadcast %jit3A_177 : i32 to vector<16xi32>
      %max3A_180 = arith.maxsi %max3A_179, %add3A_176 : vector<16xi32>
      %min3A_181 = vector.broadcast %jit3A_178 : i32 to vector<16xi32>
      %min3A_182 = arith.minsi %min3A_181, %max3A_180 : vector<16xi32>
      %swap3A_183 = arith.constant 80 : index
      %swap3A_184 = tpu.vector_load %arg12[%swap3A_183] {strides = array<i32>} : memref<128xi32, #tpu.memory_space<vmem>>, vector<16xi32>,
      tpu.vector_store %arg12[%swap3A_183], %min3A_182 {strides = array<i32>} : memref<128xi32, #tpu.memory_space<vmem>>, vector<16xi32>,
      %mul3A_185 = arith.constant 128 : i32
      %mul3A_186 = arith.muli %while3A_93, %mul3A_185 : i32
      %add3A_187 = arith.addi %scan3A_52#0, %mul3A_186 : i32
      %add3A_188 = arith.constant 96 : i32
      %add3A_189 = arith.addi %add3A_187, %add3A_188 : i32
      %add3A_190 = vector.broadcast %add3A_189 : i32 to vector<16xi32>
      %add3A_191 = arith.addi %add3A_190, %iota3A : vector<16xi32>
      %jit3A_192 = arith.constant 0 : i32
      %jit3A_193 = arith.constant 102399 : i32
      %max3A_194 = vector.broadcast %jit3A_192 : i32 to vector<16xi32>
      %max3A_195 = arith.maxsi %max3A_194, %add3A_191 : vector<16xi32>
      %min3A_196 = vector.broadcast %jit3A_193 : i32 to vector<16xi32>
      %min3A_197 = arith.minsi %min3A_196, %max3A_195 : vector<16xi32>
      %swap3A_198 = arith.constant 96 : index
      %swap3A_199 = tpu.vector_load %arg12[%swap3A_198] {strides = array<i32>} : memref<128xi32, #tpu.memory_space<vmem>>, vector<16xi32>,
      tpu.vector_store %arg12[%swap3A_198], %min3A_197 {strides = array<i32>} : memref<128xi32, #tpu.memory_space<vmem>>, vector<16xi32>,
      %mul3A_200 = arith.constant 128 : i32
      %mul3A_201 = arith.muli %while3A_93, %mul3A_200 : i32
      %add3A_202 = arith.addi %scan3A_52#0, %mul3A_201 : i32
      %add3A_203 = arith.constant 112 : i32
      %add3A_204 = arith.addi %add3A_202, %add3A_203 : i32
      %add3A_205 = vector.broadcast %add3A_204 : i32 to vector<16xi32>
      %add3A_206 = arith.addi %add3A_205, %iota3A : vector<16xi32>
      %jit3A_207 = arith.constant 0 : i32
      %jit3A_208 = arith.constant 102399 : i32
      %max3A_209 = vector.broadcast %jit3A_207 : i32 to vector<16xi32>
      %max3A_210 = arith.maxsi %max3A_209, %add3A_206 : vector<16xi32>
      %min3A_211 = vector.broadcast %jit3A_208 : i32 to vector<16xi32>
      %min3A_212 = arith.minsi %min3A_211, %max3A_210 : vector<16xi32>
      %swap3A_213 = arith.constant 112 : index
      %swap3A_214 = tpu.vector_load %arg12[%swap3A_213] {strides = array<i32>} : memref<128xi32, #tpu.memory_space<vmem>>, vector<16xi32>,
      tpu.vector_store %arg12[%swap3A_213], %min3A_212 {strides = array<i32>} : memref<128xi32, #tpu.memory_space<vmem>>, vector<16xi32>,
      "tpu.region"() ({
        %run_scoped3A = tpu.sem_alloc : memref<!tpu.dma_semaphore, #tpu.memory_space<semaphore_mem>>
        %dma_start3A_247 = tpu.memref_slice %arg11[%multiple_of3A] : memref<8192xf32, #tpu.memory_space<vmem>> -> memref<128xf32, #tpu.memory_space<vmem>>
        %dma_start3A_248 = arith.constant 0 : i32
        %dma_start3A_249 = tpu.memref_slice %arg13[%dma_start3A_248] : memref<102400xf32, #tpu.memory_space<vmem_shared>> -> memref<102400xf32, #tpu.memory_space<vmem_shared>>
        tpu.enqueue_indirect_dma source(%dma_start3A_247 : memref<128xf32, #tpu.memory_space<vmem>>) target(%dma_start3A_249 : memref<102400xf32, #tpu.memory_space<vmem_shared>>) offsets(%arg12 : memref<128xi32, #tpu.memory_space<vmem>>) semaphore(%run_scoped3A : memref<!tpu.dma_semaphore, #tpu.memory_space<semaphore_mem>>) {add = true}
        %dma_wait3A = tpu.memref_slice %arg11[%multiple_of3A] : memref<8192xf32, #tpu.memory_space<vmem>> -> memref<128xf32, #tpu.memory_space<vmem>>
        %dma_wait3A_250 = arith.constant 0 : i32
        %dma_wait3A_251 = tpu.memref_slice %arg13[%dma_wait3A_250] : memref<102400xf32, #tpu.memory_space<vmem_shared>> -> memref<102400xf32, #tpu.memory_space<vmem_shared>>
        tpu.wait_indirect_dma semaphore(%run_scoped3A : memref<!tpu.dma_semaphore, #tpu.memory_space<semaphore_mem>>) src(%dma_wait3A : memref<128xf32, #tpu.memory_space<vmem>>) dst(%dma_wait3A_251 : memref<102400xf32, #tpu.memory_space<vmem_shared>>)
        tpu.yield
      }) : () -> ()
      %add3A_215 = arith.constant 0 : i32
      %add3A_216 = arith.addi %multiple_of3A, %add3A_215 : i32
      %swap3A_217 = arith.index_cast %add3A_216 : i32 to index
      %swap3A_218 = tpu.vector_load %arg11[%swap3A_217] {strides = array<i32>} : memref<8192xf32, #tpu.memory_space<vmem>>, vector<16xf32>,
      tpu.vector_store %arg11[%swap3A_217], %broadcast_in_dim3A_1 {strides = array<i32>} : memref<8192xf32, #tpu.memory_space<vmem>>, vector<16xf32>,
      %add3A_219 = arith.constant 16 : i32
      %add3A_220 = arith.addi %multiple_of3A, %add3A_219 : i32
      %swap3A_221 = arith.index_cast %add3A_220 : i32 to index
      %swap3A_222 = tpu.vector_load %arg11[%swap3A_221] {strides = array<i32>} : memref<8192xf32, #tpu.memory_space<vmem>>, vector<16xf32>,
      tpu.vector_store %arg11[%swap3A_221], %broadcast_in_dim3A_1 {strides = array<i32>} : memref<8192xf32, #tpu.memory_space<vmem>>, vector<16xf32>,
      %add3A_223 = arith.constant 32 : i32
      %add3A_224 = arith.addi %multiple_of3A, %add3A_223 : i32
      %swap3A_225 = arith.index_cast %add3A_224 : i32 to index
      %swap3A_226 = tpu.vector_load %arg11[%swap3A_225] {strides = array<i32>} : memref<8192xf32, #tpu.memory_space<vmem>>, vector<16xf32>,
      tpu.vector_store %arg11[%swap3A_225], %broadcast_in_dim3A_1 {strides = array<i32>} : memref<8192xf32, #tpu.memory_space<vmem>>, vector<16xf32>,
      %add3A_227 = arith.constant 48 : i32
      %add3A_228 = arith.addi %multiple_of3A, %add3A_227 : i32
      %swap3A_229 = arith.index_cast %add3A_228 : i32 to index
      %swap3A_230 = tpu.vector_load %arg11[%swap3A_229] {strides = array<i32>} : memref<8192xf32, #tpu.memory_space<vmem>>, vector<16xf32>,
      tpu.vector_store %arg11[%swap3A_229], %broadcast_in_dim3A_1 {strides = array<i32>} : memref<8192xf32, #tpu.memory_space<vmem>>, vector<16xf32>,
      %add3A_231 = arith.constant 64 : i32
      %add3A_232 = arith.addi %multiple_of3A, %add3A_231 : i32
      %swap3A_233 = arith.index_cast %add3A_232 : i32 to index
      %swap3A_234 = tpu.vector_load %arg11[%swap3A_233] {strides = array<i32>} : memref<8192xf32, #tpu.memory_space<vmem>>, vector<16xf32>,
      tpu.vector_store %arg11[%swap3A_233], %broadcast_in_dim3A_1 {strides = array<i32>} : memref<8192xf32, #tpu.memory_space<vmem>>, vector<16xf32>,
      %add3A_235 = arith.constant 80 : i32
      %add3A_236 = arith.addi %multiple_of3A, %add3A_235 : i32
      %swap3A_237 = arith.index_cast %add3A_236 : i32 to index
      %swap3A_238 = tpu.vector_load %arg11[%swap3A_237] {strides = array<i32>} : memref<8192xf32, #tpu.memory_space<vmem>>, vector<16xf32>,
      tpu.vector_store %arg11[%swap3A_237], %broadcast_in_dim3A_1 {strides = array<i32>} : memref<8192xf32, #tpu.memory_space<vmem>>, vector<16xf32>,
      %add3A_239 = arith.constant 96 : i32
      %add3A_240 = arith.addi %multiple_of3A, %add3A_239 : i32
      %swap3A_241 = arith.index_cast %add3A_240 : i32 to index
      %swap3A_242 = tpu.vector_load %arg11[%swap3A_241] {strides = array<i32>} : memref<8192xf32, #tpu.memory_space<vmem>>, vector<16xf32>,
      tpu.vector_store %arg11[%swap3A_241], %broadcast_in_dim3A_1 {strides = array<i32>} : memref<8192xf32, #tpu.memory_space<vmem>>, vector<16xf32>,
      %add3A_243 = arith.constant 112 : i32
      %add3A_244 = arith.addi %multiple_of3A, %add3A_243 : i32
      %swap3A_245 = arith.index_cast %add3A_244 : i32 to index
      %swap3A_246 = tpu.vector_load %arg11[%swap3A_245] {strides = array<i32>} : memref<8192xf32, #tpu.memory_space<vmem>>, vector<16xf32>,
      tpu.vector_store %arg11[%swap3A_245], %broadcast_in_dim3A_1 {strides = array<i32>} : memref<8192xf32, #tpu.memory_space<vmem>>, vector<16xf32>,
    }
    %while3A_87 = arith.constant 1 : i32
    scf.for %while3A_93 = %while3A_85 to %while3A_81 step %while3A_87  : i32 {
      %mul3A_94 = arith.constant 128 : i32
      %mul3A_95 = arith.muli %while3A_93, %mul3A_94 : i32
      %multiple_of3A = tpu.assume_multiple %mul3A_95, 128 : i32
      %mul3A_96 = arith.constant 128 : i32
      %mul3A_97 = arith.muli %while3A_93, %mul3A_96 : i32
      %add3A_98 = arith.addi %scan3A_52#0, %mul3A_97 : i32
      %add3A_99 = arith.constant 0 : i32
      %add3A_100 = arith.addi %add3A_98, %add3A_99 : i32
      %add3A_101 = vector.broadcast %add3A_100 : i32 to vector<16xi32>
      %add3A_102 = arith.addi %add3A_101, %iota3A : vector<16xi32>
      %jit3A_103 = arith.constant 0 : i32
      %jit3A_104 = arith.constant 102399 : i32
      %max3A_105 = vector.broadcast %jit3A_103 : i32 to vector<16xi32>
      %max3A_106 = arith.maxsi %max3A_105, %add3A_102 : vector<16xi32>
      %min3A_107 = vector.broadcast %jit3A_104 : i32 to vector<16xi32>
      %min3A_108 = arith.minsi %min3A_107, %max3A_106 : vector<16xi32>
      %swap3A = arith.constant 0 : index
      %swap3A_109 = tpu.vector_load %arg12[%swap3A] {strides = array<i32>} : memref<128xi32, #tpu.memory_space<vmem>>, vector<16xi32>,
      tpu.vector_store %arg12[%swap3A], %min3A_108 {strides = array<i32>} : memref<128xi32, #tpu.memory_space<vmem>>, vector<16xi32>,
      %mul3A_110 = arith.constant 128 : i32
      %mul3A_111 = arith.muli %while3A_93, %mul3A_110 : i32
      %add3A_112 = arith.addi %scan3A_52#0, %mul3A_111 : i32
      %add3A_113 = arith.constant 16 : i32
      %add3A_114 = arith.addi %add3A_112, %add3A_113 : i32
      %add3A_115 = vector.broadcast %add3A_114 : i32 to vector<16xi32>
      %add3A_116 = arith.addi %add3A_115, %iota3A : vector<16xi32>
      %jit3A_117 = arith.constant 0 : i32
      %jit3A_118 = arith.constant 102399 : i32
      %max3A_119 = vector.broadcast %jit3A_117 : i32 to vector<16xi32>
      %max3A_120 = arith.maxsi %max3A_119, %add3A_116 : vector<16xi32>
      %min3A_121 = vector.broadcast %jit3A_118 : i32 to vector<16xi32>
      %min3A_122 = arith.minsi %min3A_121, %max3A_120 : vector<16xi32>
      %swap3A_123 = arith.constant 16 : index
      %swap3A_124 = tpu.vector_load %arg12[%swap3A_123] {strides = array<i32>} : memref<128xi32, #tpu.memory_space<vmem>>, vector<16xi32>,
      tpu.vector_store %arg12[%swap3A_123], %min3A_122 {strides = array<i32>} : memref<128xi32, #tpu.memory_space<vmem>>, vector<16xi32>,
      %mul3A_125 = arith.constant 128 : i32
      %mul3A_126 = arith.muli %while3A_93, %mul3A_125 : i32
      %add3A_127 = arith.addi %scan3A_52#0, %mul3A_126 : i32
      %add3A_128 = arith.constant 32 : i32
      %add3A_129 = arith.addi %add3A_127, %add3A_128 : i32
      %add3A_130 = vector.broadcast %add3A_129 : i32 to vector<16xi32>
      %add3A_131 = arith.addi %add3A_130, %iota3A : vector<16xi32>
      %jit3A_132 = arith.constant 0 : i32
      %jit3A_133 = arith.constant 102399 : i32
      %max3A_134 = vector.broadcast %jit3A_132 : i32 to vector<16xi32>
      %max3A_135 = arith.maxsi %max3A_134, %add3A_131 : vector<16xi32>
      %min3A_136 = vector.broadcast %jit3A_133 : i32 to vector<16xi32>
      %min3A_137 = arith.minsi %min3A_136, %max3A_135 : vector<16xi32>
      %swap3A_138 = arith.constant 32 : index
      %swap3A_139 = tpu.vector_load %arg12[%swap3A_138] {strides = array<i32>} : memref<128xi32, #tpu.memory_space<vmem>>, vector<16xi32>,
      tpu.vector_store %arg12[%swap3A_138], %min3A_137 {strides = array<i32>} : memref<128xi32, #tpu.memory_space<vmem>>, vector<16xi32>,
      %mul3A_140 = arith.constant 128 : i32
      %mul3A_141 = arith.muli %while3A_93, %mul3A_140 : i32
      %add3A_142 = arith.addi %scan3A_52#0, %mul3A_141 : i32
      %add3A_143 = arith.constant 48 : i32
      %add3A_144 = arith.addi %add3A_142, %add3A_143 : i32
      %add3A_145 = vector.broadcast %add3A_144 : i32 to vector<16xi32>
      %add3A_146 = arith.addi %add3A_145, %iota3A : vector<16xi32>
      %jit3A_147 = arith.constant 0 : i32
      %jit3A_148 = arith.constant 102399 : i32
      %max3A_149 = vector.broadcast %jit3A_147 : i32 to vector<16xi32>
      %max3A_150 = arith.maxsi %max3A_149, %add3A_146 : vector<16xi32>
      %min3A_151 = vector.broadcast %jit3A_148 : i32 to vector<16xi32>
      %min3A_152 = arith.minsi %min3A_151, %max3A_150 : vector<16xi32>
      %swap3A_153 = arith.constant 48 : index
      %swap3A_154 = tpu.vector_load %arg12[%swap3A_153] {strides = array<i32>} : memref<128xi32, #tpu.memory_space<vmem>>, vector<16xi32>,
      tpu.vector_store %arg12[%swap3A_153], %min3A_152 {strides = array<i32>} : memref<128xi32, #tpu.memory_space<vmem>>, vector<16xi32>,
      %mul3A_155 = arith.constant 128 : i32
      %mul3A_156 = arith.muli %while3A_93, %mul3A_155 : i32
      %add3A_157 = arith.addi %scan3A_52#0, %mul3A_156 : i32
      %add3A_158 = arith.constant 64 : i32
      %add3A_159 = arith.addi %add3A_157, %add3A_158 : i32
      %add3A_160 = vector.broadcast %add3A_159 : i32 to vector<16xi32>
      %add3A_161 = arith.addi %add3A_160, %iota3A : vector<16xi32>
      %jit3A_162 = arith.constant 0 : i32
      %jit3A_163 = arith.constant 102399 : i32
      %max3A_164 = vector.broadcast %jit3A_162 : i32 to vector<16xi32>
      %max3A_165 = arith.maxsi %max3A_164, %add3A_161 : vector<16xi32>
      %min3A_166 = vector.broadcast %jit3A_163 : i32 to vector<16xi32>
      %min3A_167 = arith.minsi %min3A_166, %max3A_165 : vector<16xi32>
      %swap3A_168 = arith.constant 64 : index
      %swap3A_169 = tpu.vector_load %arg12[%swap3A_168] {strides = array<i32>} : memref<128xi32, #tpu.memory_space<vmem>>, vector<16xi32>,
      tpu.vector_store %arg12[%swap3A_168], %min3A_167 {strides = array<i32>} : memref<128xi32, #tpu.memory_space<vmem>>, vector<16xi32>,
      %mul3A_170 = arith.constant 128 : i32
      %mul3A_171 = arith.muli %while3A_93, %mul3A_170 : i32
      %add3A_172 = arith.addi %scan3A_52#0, %mul3A_171 : i32
      %add3A_173 = arith.constant 80 : i32
      %add3A_174 = arith.addi %add3A_172, %add3A_173 : i32
      %add3A_175 = vector.broadcast %add3A_174 : i32 to vector<16xi32>
      %add3A_176 = arith.addi %add3A_175, %iota3A : vector<16xi32>
      %jit3A_177 = arith.constant 0 : i32
      %jit3A_178 = arith.constant 102399 : i32
      %max3A_179 = vector.broadcast %jit3A_177 : i32 to vector<16xi32>
      %max3A_180 = arith.maxsi %max3A_179, %add3A_176 : vector<16xi32>
      %min3A_181 = vector.broadcast %jit3A_178 : i32 to vector<16xi32>
      %min3A_182 = arith.minsi %min3A_181, %max3A_180 : vector<16xi32>
      %swap3A_183 = arith.constant 80 : index
      %swap3A_184 = tpu.vector_load %arg12[%swap3A_183] {strides = array<i32>} : memref<128xi32, #tpu.memory_space<vmem>>, vector<16xi32>,
      tpu.vector_store %arg12[%swap3A_183], %min3A_182 {strides = array<i32>} : memref<128xi32, #tpu.memory_space<vmem>>, vector<16xi32>,
      %mul3A_185 = arith.constant 128 : i32
      %mul3A_186 = arith.muli %while3A_93, %mul3A_185 : i32
      %add3A_187 = arith.addi %scan3A_52#0, %mul3A_186 : i32
      %add3A_188 = arith.constant 96 : i32
      %add3A_189 = arith.addi %add3A_187, %add3A_188 : i32
      %add3A_190 = vector.broadcast %add3A_189 : i32 to vector<16xi32>
      %add3A_191 = arith.addi %add3A_190, %iota3A : vector<16xi32>
      %jit3A_192 = arith.constant 0 : i32
      %jit3A_193 = arith.constant 102399 : i32
      %max3A_194 = vector.broadcast %jit3A_192 : i32 to vector<16xi32>
      %max3A_195 = arith.maxsi %max3A_194, %add3A_191 : vector<16xi32>
      %min3A_196 = vector.broadcast %jit3A_193 : i32 to vector<16xi32>
      %min3A_197 = arith.minsi %min3A_196, %max3A_195 : vector<16xi32>
      %swap3A_198 = arith.constant 96 : index
      %swap3A_199 = tpu.vector_load %arg12[%swap3A_198] {strides = array<i32>} : memref<128xi32, #tpu.memory_space<vmem>>, vector<16xi32>,
      tpu.vector_store %arg12[%swap3A_198], %min3A_197 {strides = array<i32>} : memref<128xi32, #tpu.memory_space<vmem>>, vector<16xi32>,
      %mul3A_200 = arith.constant 128 : i32
      %mul3A_201 = arith.muli %while3A_93, %mul3A_200 : i32
      %add3A_202 = arith.addi %scan3A_52#0, %mul3A_201 : i32
      %add3A_203 = arith.constant 112 : i32
      %add3A_204 = arith.addi %add3A_202, %add3A_203 : i32
      %add3A_205 = vector.broadcast %add3A_204 : i32 to vector<16xi32>
      %add3A_206 = arith.addi %add3A_205, %iota3A : vector<16xi32>
      %jit3A_207 = arith.constant 0 : i32
      %jit3A_208 = arith.constant 102399 : i32
      %max3A_209 = vector.broadcast %jit3A_207 : i32 to vector<16xi32>
      %max3A_210 = arith.maxsi %max3A_209, %add3A_206 : vector<16xi32>
      %min3A_211 = vector.broadcast %jit3A_208 : i32 to vector<16xi32>
      %min3A_212 = arith.minsi %min3A_211, %max3A_210 : vector<16xi32>
      %swap3A_213 = arith.constant 112 : index
      %swap3A_214 = tpu.vector_load %arg12[%swap3A_213] {strides = array<i32>} : memref<128xi32, #tpu.memory_space<vmem>>, vector<16xi32>,
      tpu.vector_store %arg12[%swap3A_213], %min3A_212 {strides = array<i32>} : memref<128xi32, #tpu.memory_space<vmem>>, vector<16xi32>,
      "tpu.region"() ({
        %run_scoped3A = tpu.sem_alloc : memref<!tpu.dma_semaphore, #tpu.memory_space<semaphore_mem>>
        %dma_start3A_247 = tpu.memref_slice %arg11[%multiple_of3A] : memref<8192xf32, #tpu.memory_space<vmem>> -> memref<128xf32, #tpu.memory_space<vmem>>
        %dma_start3A_248 = arith.constant 0 : i32
        %dma_start3A_249 = tpu.memref_slice %arg13[%dma_start3A_248] : memref<102400xf32, #tpu.memory_space<vmem_shared>> -> memref<102400xf32, #tpu.memory_space<vmem_shared>>
        tpu.enqueue_indirect_dma source(%dma_start3A_247 : memref<128xf32, #tpu.memory_space<vmem>>) target(%dma_start3A_249 : memref<102400xf32, #tpu.memory_space<vmem_shared>>) offsets(%arg12 : memref<128xi32, #tpu.memory_space<vmem>>) semaphore(%run_scoped3A : memref<!tpu.dma_semaphore, #tpu.memory_space<semaphore_mem>>) {add = true}
        %dma_wait3A = tpu.memref_slice %arg11[%multiple_of3A] : memref<8192xf32, #tpu.memory_space<vmem>> -> memref<128xf32, #tpu.memory_space<vmem>>
        %dma_wait3A_250 = arith.constant 0 : i32
        %dma_wait3A_251 = tpu.memref_slice %arg13[%dma_wait3A_250] : memref<102400xf32, #tpu.memory_space<vmem_shared>> -> memref<102400xf32, #tpu.memory_space<vmem_shared>>
        tpu.wait_indirect_dma semaphore(%run_scoped3A : memref<!tpu.dma_semaphore, #tpu.memory_space<semaphore_mem>>) src(%dma_wait3A : memref<128xf32, #tpu.memory_space<vmem>>) dst(%dma_wait3A_251 : memref<102400xf32, #tpu.memory_space<vmem_shared>>)
        tpu.yield
      }) : () -> ()
      %add3A_215 = arith.constant 0 : i32
      %add3A_216 = arith.addi %multiple_of3A, %add3A_215 : i32
      %swap3A_217 = arith.index_cast %add3A_216 : i32 to index
      %swap3A_218 = tpu.vector_load %arg11[%swap3A_217] {strides = array<i32>} : memref<8192xf32, #tpu.memory_space<vmem>>, vector<16xf32>,
      tpu.vector_store %arg11[%swap3A_217], %broadcast_in_dim3A_1 {strides = array<i32>} : memref<8192xf32, #tpu.memory_space<vmem>>, vector<16xf32>,
      %add3A_219 = arith.constant 16 : i32
      %add3A_220 = arith.addi %multiple_of3A, %add3A_219 : i32
      %swap3A_221 = arith.index_cast %add3A_220 : i32 to index
      %swap3A_222 = tpu.vector_load %arg11[%swap3A_221] {strides = array<i32>} : memref<8192xf32, #tpu.memory_space<vmem>>, vector<16xf32>,
      tpu.vector_store %arg11[%swap3A_221], %broadcast_in_dim3A_1 {strides = array<i32>} : memref<8192xf32, #tpu.memory_space<vmem>>, vector<16xf32>,
      %add3A_223 = arith.constant 32 : i32
      %add3A_224 = arith.addi %multiple_of3A, %add3A_223 : i32
      %swap3A_225 = arith.index_cast %add3A_224 : i32 to index
      %swap3A_226 = tpu.vector_load %arg11[%swap3A_225] {strides = array<i32>} : memref<8192xf32, #tpu.memory_space<vmem>>, vector<16xf32>,
      tpu.vector_store %arg11[%swap3A_225], %broadcast_in_dim3A_1 {strides = array<i32>} : memref<8192xf32, #tpu.memory_space<vmem>>, vector<16xf32>,
      %add3A_227 = arith.constant 48 : i32
      %add3A_228 = arith.addi %multiple_of3A, %add3A_227 : i32
      %swap3A_229 = arith.index_cast %add3A_228 : i32 to index
      %swap3A_230 = tpu.vector_load %arg11[%swap3A_229] {strides = array<i32>} : memref<8192xf32, #tpu.memory_space<vmem>>, vector<16xf32>,
      tpu.vector_store %arg11[%swap3A_229], %broadcast_in_dim3A_1 {strides = array<i32>} : memref<8192xf32, #tpu.memory_space<vmem>>, vector<16xf32>,
      %add3A_231 = arith.constant 64 : i32
      %add3A_232 = arith.addi %multiple_of3A, %add3A_231 : i32
      %swap3A_233 = arith.index_cast %add3A_232 : i32 to index
      %swap3A_234 = tpu.vector_load %arg11[%swap3A_233] {strides = array<i32>} : memref<8192xf32, #tpu.memory_space<vmem>>, vector<16xf32>,
      tpu.vector_store %arg11[%swap3A_233], %broadcast_in_dim3A_1 {strides = array<i32>} : memref<8192xf32, #tpu.memory_space<vmem>>, vector<16xf32>,
      %add3A_235 = arith.constant 80 : i32
      %add3A_236 = arith.addi %multiple_of3A, %add3A_235 : i32
      %swap3A_237 = arith.index_cast %add3A_236 : i32 to index
      %swap3A_238 = tpu.vector_load %arg11[%swap3A_237] {strides = array<i32>} : memref<8192xf32, #tpu.memory_space<vmem>>, vector<16xf32>,
      tpu.vector_store %arg11[%swap3A_237], %broadcast_in_dim3A_1 {strides = array<i32>} : memref<8192xf32, #tpu.memory_space<vmem>>, vector<16xf32>,
      %add3A_239 = arith.constant 96 : i32
      %add3A_240 = arith.addi %multiple_of3A, %add3A_239 : i32
      %swap3A_241 = arith.index_cast %add3A_240 : i32 to index
      %swap3A_242 = tpu.vector_load %arg11[%swap3A_241] {strides = array<i32>} : memref<8192xf32, #tpu.memory_space<vmem>>, vector<16xf32>,
      tpu.vector_store %arg11[%swap3A_241], %broadcast_in_dim3A_1 {strides = array<i32>} : memref<8192xf32, #tpu.memory_space<vmem>>, vector<16xf32>,
      %add3A_243 = arith.constant 112 : i32
      %add3A_244 = arith.addi %multiple_of3A, %add3A_243 : i32
      %swap3A_245 = arith.index_cast %add3A_244 : i32 to index
      %swap3A_246 = tpu.vector_load %arg11[%swap3A_245] {strides = array<i32>} : memref<8192xf32, #tpu.memory_space<vmem>>, vector<16xf32>,
      tpu.vector_store %arg11[%swap3A_245], %broadcast_in_dim3A_1 {strides = array<i32>} : memref<8192xf32, #tpu.memory_space<vmem>>, vector<16xf32>,
    }
    %barrier3A_88 = arith.constant 0 : index
    tpu.barrier barrier_id(%barrier3A_88)
    %mul3A_89 = arith.constant 6400 : i32
    %mul3A_90 = arith.muli %arg1, %mul3A_89 : i32
    %mul3A_91 = arith.constant 6400 : i32
    %mul3A_92 = arith.muli %arg1, %mul3A_91 : i32
    "tpu.region"() ({
      %run_scoped3A = tpu.sem_alloc : memref<!tpu.dma_semaphore, #tpu.memory_space<semaphore_mem>>
      %dma_start3A_93 = tpu.memref_slice %arg6[%arg0, %mul3A_92] : memref<2x102400xf32, #tpu.memory_space<hbm>> -> memref<1x6400xf32, #tpu.memory_space<hbm>>
      %dma_start3A_94 = tpu.memref_squeeze %dma_start3A_93 : memref<1x6400xf32, #tpu.memory_space<hbm>> -> memref<6400xf32, #tpu.memory_space<hbm>>
      %dma_start3A_95 = tpu.memref_slice %arg13[%mul3A_90] : memref<102400xf32, #tpu.memory_space<vmem_shared>> -> memref<6400xf32, #tpu.memory_space<vmem_shared>>
      tpu.enqueue_dma source(%dma_start3A_95 : memref<6400xf32, #tpu.memory_space<vmem_shared>>) target(%dma_start3A_94 : memref<6400xf32, #tpu.memory_space<hbm>>) target_semaphore(%run_scoped3A : memref<!tpu.dma_semaphore, #tpu.memory_space<semaphore_mem>>)
      %dma_wait3A = tpu.memref_slice %arg6[%arg0, %mul3A_92] : memref<2x102400xf32, #tpu.memory_space<hbm>> -> memref<1x6400xf32, #tpu.memory_space<hbm>>
      %dma_wait3A_96 = tpu.memref_squeeze %dma_wait3A : memref<1x6400xf32, #tpu.memory_space<hbm>> -> memref<6400xf32, #tpu.memory_space<hbm>>
      %dma_wait3A_97 = tpu.memref_slice %arg13[%mul3A_90] : memref<102400xf32, #tpu.memory_space<vmem_shared>> -> memref<6400xf32, #tpu.memory_space<vmem_shared>>
      tpu.wait_dma2 semaphore(%run_scoped3A : memref<!tpu.dma_semaphore, #tpu.memory_space<semaphore_mem>>) src(%dma_wait3A_97 : memref<6400xf32, #tpu.memory_space<vmem_shared>>) dst(%dma_wait3A_96 : memref<6400xf32, #tpu.memory_space<hbm>>)
      tpu.yield
    }) : () -> ()
    return
  }
}

module attributes {stable_mosaic.version = 14 : i64} {
  func.func @_merge_body(%arg0: memref<2x800x128xf32, #tpu.memory_space<vmem>>, %arg1: memref<800x128xf32, #tpu.memory_space<vmem>>) attributes {dimension_semantics = [], scalar_prefetch = 0 : i64, scratch_operands = 0 : i64, tpu.core_type = #tpu.core_type<tc>} {
    %get3A = arith.constant 0 : index
    %get3A_0 = arith.constant 0 : index
    %get3A_1 = arith.constant 0 : index
    %get3A_2 = vector.load %arg0[%get3A, %get3A_0, %get3A_1] : memref<2x800x128xf32, #tpu.memory_space<vmem>>, vector<1x800x128xf32>
    %get3A_3 = vector.shape_cast %get3A_2 : vector<1x800x128xf32> to vector<800x128xf32>
    %get3A_4 = arith.constant 1 : index
    %get3A_5 = arith.constant 0 : index
    %get3A_6 = arith.constant 0 : index
    %get3A_7 = vector.load %arg0[%get3A_4, %get3A_5, %get3A_6] : memref<2x800x128xf32, #tpu.memory_space<vmem>>, vector<1x800x128xf32>
    %get3A_8 = vector.shape_cast %get3A_7 : vector<1x800x128xf32> to vector<800x128xf32>
    %add3A = arith.addf %get3A_3, %get3A_8 : vector<800x128xf32>
    %swap3A = arith.constant 0 : index
    %swap3A_9 = arith.constant 0 : index
    %swap3A_10 = vector.load %arg1[%swap3A, %swap3A_9] : memref<800x128xf32, #tpu.memory_space<vmem>>, vector<800x128xf32>
    tpu.vector_store %arg1[%swap3A, %swap3A_9], %add3A {strides = array<i32>} : memref<800x128xf32, #tpu.memory_space<vmem>>, vector<800x128xf32>,
    return
  }
}

module attributes {stable_mosaic.version = 14 : i64} {
  func.func @_costs_body(%arg0: i32, %arg1: memref<10000x64xf32, #tpu.memory_space<vmem>>, %arg2: memref<64x1xf32, #tpu.memory_space<vmem>>, %arg3: memref<1x1xf32, #tpu.memory_space<vmem>>, %arg4: memref<10000x1xf32, #tpu.memory_space<vmem>>) attributes {dimension_semantics = [#tpu.dimension_semantics<arbitrary>], iteration_bounds = array<i64: 10>, scalar_prefetch = 0 : i64, scratch_operands = 0 : i64, tpu.core_type = #tpu.core_type<tc>, window_params = [{transform_indices = @transform_0, window_bounds = array<i64: 10000, 64>}, {pipeline_mode = #tpu.pipeline_mode<synchronous>, transform_indices = @transform_1, window_bounds = array<i64: 64, 1>}, {pipeline_mode = #tpu.pipeline_mode<synchronous>, transform_indices = @transform_2, window_bounds = array<i64: 1, 1>}, {transform_indices = @transform_3, window_bounds = array<i64: 10000, 1>}]} {
    %get3A = arith.constant 0 : index
    %get3A_0 = arith.constant 0 : index
    %get3A_1 = vector.load %arg1[%get3A, %get3A_0] : memref<10000x64xf32, #tpu.memory_space<vmem>>, vector<10000x64xf32>
    %get3A_2 = arith.constant 0 : index
    %get3A_3 = arith.constant 0 : index
    %get3A_4 = vector.load %arg2[%get3A_2, %get3A_3] : memref<64x1xf32, #tpu.memory_space<vmem>>, vector<64x1xf32>
    %dot_general3A = arith.constant dense<0.000000e+00> : vector<10000x1xf32>
    %dot_general3A_5 = tpu.matmul %get3A_1, %get3A_4, %dot_general3A {dimension_numbers = #tpu.dot_dimension_numbers<[1], [0], [0], [1], [0, 0, 1, 1], [], []>, transpose_lhs_hint = false} : vector<10000x64xf32>, vector<64x1xf32>, vector<10000x1xf32> -> vector<10000x1xf32>
    %get3A_6 = arith.constant 0 : index
    %get3A_7 = arith.constant 0 : index
    %get3A_8 = vector.load %arg3[%get3A_6, %get3A_7] : memref<1x1xf32, #tpu.memory_space<vmem>>, vector<1x1xf32>
    %get3A_9 = vector.extract %get3A_8[0, 0] : f32 from vector<1x1xf32>
    %add3A = vector.broadcast %get3A_9 : f32 to vector<10000x1xf32>
    %add3A_10 = arith.addf %dot_general3A_5, %add3A : vector<10000x1xf32>
    %swap3A = arith.constant 0 : index
    %swap3A_11 = arith.constant 0 : index
    %swap3A_12 = vector.load %arg4[%swap3A, %swap3A_11] : memref<10000x1xf32, #tpu.memory_space<vmem>>, vector<10000x1xf32>
    tpu.vector_store %arg4[%swap3A, %swap3A_11], %add3A_10 {strides = array<i32>} : memref<10000x1xf32, #tpu.memory_space<vmem>>, vector<10000x1xf32>,
    return
  }
  func.func @transform_0(%arg0: i32) -> (i32, i32) {
    %c0_i32 = arith.constant 0 : i32
    %c0_i32_0 = arith.constant 0 : i32
    return %arg0, %c0_i32 : i32, i32
  }
  func.func @transform_1(%arg0: i32) -> (i32, i32) {
    %c0_i32 = arith.constant 0 : i32
    %c0_i32_0 = arith.constant 0 : i32
    %c0_i32_1 = arith.constant 0 : i32
    return %c0_i32, %c0_i32_0 : i32, i32
  }
  func.func @transform_2(%arg0: i32) -> (i32, i32) {
    %c0_i32 = arith.constant 0 : i32
    %c0_i32_0 = arith.constant 0 : i32
    %c0_i32_1 = arith.constant 0 : i32
    return %c0_i32, %c0_i32_0 : i32, i32
  }
  func.func @transform_3(%arg0: i32) -> (i32, i32) {
    %c0_i32 = arith.constant 0 : i32
    %c0_i32_0 = arith.constant 0 : i32
    return %arg0, %c0_i32 : i32, i32
  }
}

</mosaic_0001>

<sc_bundles>
// kernel: kernel.5.cloned.1.call-start
scs
__scs_entry_jumppad:
0x0: {  	(pc) =	sbr.rel $0x88, $3  }
0x1: {  	(tag) =	ssettag $0x0;
	lr =	simm.s32 $0x1  }
0x2: {  	[smem:$0x3F9B] =	sst lr;
	_ =	strace $0xD0000000  }
0x3: {  	_ = 	snop  }
0x4: {  	_ = 	snop  }
0x5: {  	_ = 	snop  }
0x6: {  	_ = 	snop  }
0x7: {  	_ = 	snop  }
__scs_overlays_trampoline_lowered:
0x8: {  	[smem:$0x3FAA] =	sst s0  }
0x9: {  	[smem:$0x3FAB] =	sst s1  }
0xa: {  	[smem:$0x3FAC] =	sst s2  }
0xb: {  	[smem:$0x3FAD] =	sst s3  }
0xc: {  	[smem:$0x3FAE] =	sst s4  }
0xd: {  	[smem:$0x3FAF] =	sst s5  }
0xe: {  	[smem:$0x3FB0] =	sst s6  }
0xf: {  	[smem:$0x3FB1] =	sst s7  }
0x10: {  	[smem:$0x3FB2] =	sst s8  }
0x11: {  	[smem:$0x3FB3] =	sst s9;
	s0 =	simm.s32 @!p0 $0x0  }
0x12: {  	s1 =	sld [smem:$0x3F99];
	s0 =	simm.s32 @p0 $0x1  }
0x13: {  	[smem:$0x3FB4] =	sst s0;
	s0 =	simm.s32 @!p1 $0x0  }
0x14: {  	s2 =	sld [smem:$0x3F98];
	s0 =	simm.s32 @p1 $0x1  }
0x15: {  	[smem:$0x3FB5] =	sst s0;
	s0 =	simm.s32 @!p2 $0x0  }
0x16: {  	s3 =	sld [smem:$0x3FDB];
	s0 =	simm.s32 @p2 $0x1  }
0x17: {  	s4 =	simm.s32 $0x1BF5;
	[smem:$0x3FB7] =	sst s0  }
0x18: {  	s0 =	sld [smem:$0x3F9A];
	_ =	swait.ge [sflag:s4], $0x0  }
0x19: {  	s7 =	sld [smem:$0x3F9B]  }
0x1a: {  	s8 =	sadd.s32 $0xFFFFE003, lr  }
0x1b: {  	s9 =	sadd.s32 $0xFFFFFEF7, lr;
	s5 =	simm.s32 $0xFFFFFFFF;
	p2 =	slt.u32 s8, $0xFFFFF086  }
0x1c: {  	p1 =	slt.u32 s9, $0xF7A;
	s5 =	simm.s32 @!p2 $0x0  }
0x1d: {  	s5 =	simm.s32 @p1 $0x1;
	p0 =	seq.s32 s7, s2  }
0x1e: {  	s7 =	smul.u32 @!p0 $0xF7A, s2;
	p2 =	seq.s32 @!p0 s5, $0x0  }
0x1f: {  	s9 =	smul.u32 $0xF7A, s1;
	s8 =	simm.s32 @!p0 $0x1BF5;
	p2 =	por !p2, p0  }
0x20: {  	[sflag:s8] =	ssyncset.s32 @!p0 $0xFFFFF086;
	s6 =	sadd.s32 @!p0 s3, s7;
	s7 =	simm.s32 @!p0 $0x108  }
0x21: {  	s3 =	sadd.s32 s3, s9;
	s6 =	sadd.s32 @!p0 $0x88, s6;
	s7 =	simm.s32 @p2 $0x1082  }
0x22: {  	[simem:s7], [sflag:s8] =	dma.local @!p0 [hbm:s6], $0xF7A  }
0x23: {  	s9 =	sor.u32 $0xD0000000, s2;
	s6 =	simm.s32 $0x108;
	_ =	swait.ge @!p0 [sflag:s8], $0x0  }
0x24: {  	s3 =	sadd.s32 $0x88, s3;
	s6 =	simm.s32 @!p1 $0x1082;
	[sflag:s4] =	ssyncset.s32 $0xFFFFF086  }
0x25: {  	[simem:s6], [sflag:s4] =	dma.local [hbm:s3], $0xF7A  }
0x26: {  	[smem:$0x3F9B] =	sst s1;
	(tag) =	ssettag s2;
	_ =	strace s9  }
0x27: {  	s1 =	sld [smem:$0x3FAB]  }
0x28: {  	s2 =	sld [smem:$0x3FAC]  }
0x29: {  	s4 =	sld [smem:$0x3FAE]  }
0x2a: {  	p0 =	seq.s32 s5, $0x0;
	s5 =	sld [smem:$0x3FAF]  }
0x2b: {  	s6 =	sld [smem:$0x3FB0]  }
0x2c: {  	s7 =	sld [smem:$0x3FB1]  }
0x2d: {  	s3 =	simm.s32 $0x108;
	s8 =	sld [smem:$0x3FB2]  }
0x2e: {  	s3 =	simm.s32 @!p0 $0x1082;
	s9 =	sld [smem:$0x3FB3]  }
0x2f: {  	lr =	sadd.s32 s0, s3;
	s0 =	sld [smem:$0x3FAA]  }
0x30: {  	s3 =	sld [smem:$0x3FAD]  }
0x31: {  	[smem:$0x3FB6] =	sst s10  }
0x32: {  	s10 =	sld [smem:$0x3FB4];
	_ =	sdelay $0x3  }
0x33: {  	p0 =	seq.s32 s10, $0x1;
	s10 =	sld [smem:$0x3FB6];
	_ =	sdelay $0x3  }
0x34: {  	[smem:$0x3FB6] =	sst s10  }
0x35: {  	s10 =	sld [smem:$0x3FB5];
	_ =	sdelay $0x3  }
0x36: {  	p1 =	seq.s32 s10, $0x1;
	s10 =	sld [smem:$0x3FB6];
	_ =	sdelay $0x3  }
0x37: {  	[smem:$0x3FB6] =	sst s10  }
0x38: {  	s10 =	sld [smem:$0x3FB7]  }
0x39: {  	_ = 	snop;
	(pc) =	sbr.ind lr, $3  }
0x3a: {  	_ = 	snop  }
0x3b: {  	_ = 	snop  }
0x3c: {  	p2 =	seq.s32 s10, $0x1;
	s10 =	sld [smem:$0x3FB6]  }
0x3d: {  	_ =	shalt  }
0x3e: {  	_ =	shalt  }
0x3f: {  	_ =	shalt  }
0x40: {  	_ =	shalt  }
0x41: {  	_ =	shalt  }
0x42: {  	_ =	shalt  }
0x43: {  	_ =	shalt  }
0x44: {  	_ =	shalt  }
0x45: {  	_ =	shalt  }
0x46: {  	_ =	shalt  }
0x47: {  	_ =	shalt  }
0x48: {  	_ =	shalt  }
0x49: {  	_ =	shalt  }
0x4a: {  	_ =	shalt  }
0x4b: {  	_ =	shalt  }
0x4c: {  	_ =	shalt  }
0x4d: {  	_ =	shalt  }
0x4e: {  	_ =	shalt  }
0x4f: {  	_ =	shalt  }
0x50: {  	_ =	shalt  }
0x51: {  	_ =	shalt  }
0x52: {  	_ =	shalt  }
0x53: {  	_ =	shalt  }
0x54: {  	_ =	shalt  }
0x55: {  	_ =	shalt  }
0x56: {  	_ =	shalt  }
0x57: {  	_ =	shalt  }
0x58: {  	_ =	shalt  }
0x59: {  	_ =	shalt  }
0x5a: {  	_ =	shalt  }
0x5b: {  	_ =	shalt  }
0x5c: {  	_ =	shalt  }
0x5d: {  	_ =	shalt  }
0x5e: {  	_ =	shalt  }
0x5f: {  	_ =	shalt  }
0x60: {  	_ =	shalt  }
0x61: {  	_ =	shalt  }
0x62: {  	_ =	shalt  }
0x63: {  	_ =	shalt  }
0x64: {  	_ =	shalt  }
0x65: {  	_ =	shalt  }
0x66: {  	_ =	shalt  }
0x67: {  	_ =	shalt  }
0x68: {  	_ =	shalt  }
0x69: {  	_ =	shalt  }
0x6a: {  	_ =	shalt  }
0x6b: {  	_ =	shalt  }
0x6c: {  	_ =	shalt  }
0x6d: {  	_ =	shalt  }
0x6e: {  	_ =	shalt  }
0x6f: {  	_ =	shalt  }
0x70: {  	_ =	shalt  }
0x71: {  	_ =	shalt  }
0x72: {  	_ =	shalt  }
0x73: {  	_ =	shalt  }
0x74: {  	_ =	shalt  }
0x75: {  	_ =	shalt  }
0x76: {  	_ =	shalt  }
0x77: {  	_ =	shalt  }
0x78: {  	_ =	shalt  }
0x79: {  	_ =	shalt  }
0x7a: {  	_ =	shalt  }
0x7b: {  	_ =	shalt  }
0x7c: {  	_ =	shalt  }
0x7d: {  	_ =	shalt  }
0x7e: {  	_ =	shalt  }
0x7f: {  	_ =	shalt  }
0x80: {  	_ =	shalt  }
0x81: {  	_ =	shalt  }
0x82: {  	_ =	shalt  }
0x83: {  	_ =	shalt  }
0x84: {  	_ =	shalt  }
0x85: {  	_ =	shalt  }
0x86: {  	_ =	shalt  }
0x87: {  	_ =	shalt  }
.Lfunc_end0:
.L_simem_size_0:
called_computation_lowered:
.L_overlay_start_0:
0x88: {  	s2 =	sld [smem:$0x3FD9]  }
0x89: {  	s3 =	sld [smem:$0x3FFE];
	_ =	sdelay $0x1  }
0x8a: {  	s1 =	srdreg.scid  }
0x8b: {  	s0 =	sand.u32 $0x1, s1  }
0x8c: {  	s17 =	sshll.u32 s0, $0xA;
	s2 =	sadd.s32 s3, s2  }
0x8d: {  	s2 =	sadd.s32 s2, s17  }
0x8e: {  	[smem:$0x3FC2] =	sst s2  }
0x8f: {  	_ = 	snop  }
0x90: {  	s2 =	sld [smem:$0x3FC8]  }
0x91: {  	s18 =	sld [smem:$0x3FC7]  }
0x92: {  	s4 =	sld [smem:$0x3FC6]  }
0x93: {  	s5 =	sld [smem:$0x3FD0];
	(tm) =	ssettm $0x1  }
0x94: {  	s6 =	sld [smem:$0x3FFB];
	_ =	sdelay $0x3  }
0x95: {  	_ =	strace s6  }
0x96: {  	s6 =	sld [smem:$0x3FFC];
	_ =	sdelay $0x3  }
0x97: {  	_ =	strace s6  }
0x98: {  	s6 =	sld [smem:$0x3FFD];
	_ =	sdelay $0x3  }
0x99: {  	_ =	strace s6  }
0x9a: {  	_ =	strace $0x8FFFFFFF  }
0x9b: {  	s19 =	sld [smem:$0x3FDB];
	_ =	sdelay $0x1  }
0x9c: {  	s7 =	simm.s32 $_scs_section_size  }
0x9d: {  	s8 =	simm.s32 $_size__tile_overlayer_lowered;
	s9 =	simm.s32 $_tile_overlayer_lowered  }
0x9e: {  	s22 =	simm.s32 $0x1BFF;
	s21 =	sshll.u32 s9, $0x1;
	s6 =	sadd.s32 s7, s19  }
0x9f: {  	s10 =	simm.s32 $0x0;
	s20 =	sshll.u32 s8, $0x1;
	s8 =	sadd.s32 s21, s6  }
0xa0: {  	[timem:s10], [sflag:s22] =	dma.local [hbm:s8], s20  }
0xa1: {  	_ =	swait.ge [sflag:s22], s20  }
0xa2: {  	s7 =	ssub.s32 $0x0, s20;
	[sflag:s22] =	ssyncset.done $0x0  }
0xa3: {  	[sflag:s22] =	ssyncadd.s32 s7;
	_ =	sdelay $0x1  }
0xa4: {  	s23 =	simm.s32 $0x1B8B  }
0xa5: {  	_ =	swait.ge [sflag:s23], $0x1  }
0xa6: {  	[sflag:s23] =	ssyncset.done $0x0  }
0xa7: {  	s25 =	simm.s32 $0x1B8E;
	s24 =	sld [smem:$0x3FFE];
	[sflag:s23] =	ssyncadd.s32 $0xFFFFFFFF  }
0xa8: {  	s26 =	simm.s32 $execute0_lowered;
	[smem:$0x3FD2] =	sst s25  }
0xa9: {  	s8 =	sshll.u32 s26, $0x1;
	_ =	strace $0x80000046;
	[dreg:$0x1] =	wrdreg $0xFFFFFFFF  }
0xaa: {  	s28 =	simm.s32 $_size_execute0_lowered;
	s6 =	sadd.s32 s6, s8;
	[dreg:$0x0] =	wrdreg $0x0  }
0xab: {  	s8 =	sshll.u32 s28, $0x1;
	[dreg:$0x2] =	wrdreg s6  }
0xac: {  	[dreg:$0x3] =	wrdreg s8  }
0xad: {  	[dreg:$0x4] =	wrdreg $0xC0  }
0xae: {  	_ =	task [dreg:s10], $0x5FFFF  }
0xaf: {  	[dreg:$0x1] =	wrdreg $0xFFFFFFFF  }
0xb0: {  	[dreg:$0x0] =	wrdreg $0x60  }
0xb1: {  	[dreg:$0x2] =	wrdreg s5  }
0xb2: {  	[dreg:$0x3] =	wrdreg s2  }
0xb3: {  	[dreg:$0x4] =	wrdreg s18  }
0xb4: {  	[dreg:$0x5] =	wrdreg s4  }
0xb5: {  	[dreg:$0x6] =	wrdreg s24  }
0xb6: {  	[dreg:$0x7] =	wrdreg $0x1D6000  }
0xb7: {  	[dreg:$0x8] =	wrdreg $0x9  }
0xb8: {  	_ =	task.clear_ibuf [dreg:s10], $0x9FFFF;
	_ =	strace $0x90000046  }
0xb9: {  	s29 =	simm.s32 $0x9;
	_ =	strace $0x80000048  }
0xba: {  	_ =	swait.ge [sflag:s29], $0x1  }
0xbb: {  	[sflag:s29] =	ssyncadd.s32 $0xFFFFFFFF  }
0xbc: {  	_ =	strace $0x90000048  }
0xbd: {  	_ =	sfence  }
0xbe: {  	s30 =	sld [smem:$0x0];
	_ =	sdelay $0x2  }
0xbf: {  	s31 =	sshll.u32 s1, $0xD;
	s1 =	sshrl.u32 s1, $0x2  }
0xc0: {  	s3 =	sand.u32 $0x4000, s31;
	s1 =	sadd.s32 s1, s30  }
0xc1: {  	s0 =	sor.u32 s3, s0;
	s1 =	sshll.u32 s1, $0x11  }
0xc2: {  	s0 =	sor.u32 s1, s0  }
0xc3: {  	s0 =	sadd.s32 $0x8F2B, s0  }
0xc4: {  	[sflag:s0] =	ssyncadd.remote.s32 $0x1  }
0xc5: {  	_ =	sfence.sel $0xFFFF  }
0xc6: {  	[dreg:$0x0] =	wrdreg $0xFFFFFFFF;
	(pc) =	sbr.abs _section_cstart, $3  }
0xc7: {  	[dreg:$0x1] =	wrdreg $0xFFFFFFFF  }
0xc8: {  	_ =	task.clear_ibuf [dreg:s10], $0x2FFFF;
	_ =	strace $0x9FFFFFFF  }
0xc9: {  	(tm) =	ssettm $0x7FFFFFFF  }
tec
execute0_lowered:
.L_overlay_start_1:
0x0: {  	(tag) =	ssettag $0x1  }
0x1: {  	s1 =	rddreg [dreg:$0x1]  }
0x2: {  	s2 =	rddreg [dreg:$0x2]  }
0x3: {  	s5 =	rddreg [dreg:$0x3]  }
0x4: {  	s0 =	rddreg [dreg:$0x4]  }
0x5: {  	s3 =	srdreg.scid;
	s6 =	rddreg [dreg:$0x5]  }
0x6: {  	s10 =	stileid.u32;
	s7 =	simm.s32 $0x0;
	s19 =	simm.s32 $0x1B580  }
0x7: {  	s20 =	simm.s32 $0x4;
	s22 =	simm.s32 $0x18E70;
	s28 =	simm.s32 $0x80  }
0x8: {  	s29 =	simm.s32 $0x1D580;
	s30 =	simm.s32 $0x0;
	s3 =	sand.u32 $0x1, s3  }
0x9: {  	s4 =	smul.u32 $0x1900, s10;
	[smem:$0x7FF] =	sst s7;
	s8 =	sshll.u32 s3, $0x4  }
0xa: {  	s9 =	smul.u32 $0x19000, s3;
	s3 =	ssub.s32 $0x2, s3;
	s8 =	sor.u32 s10, s8  }
0xb: {  	_ =	strace $0x80000047;
	s23 =	sshrl.u32 s3, $0x1;
	s8 =	smul.u32 $0x186A0, s8  }
0xc: {  	s9 =	sadd.s32 s4, s9;
	s3 =	ssub.s32 s3, s23;
	s4 =	sadd.s32 s4, s6  }
0xd: {  	s31 =	smax.u32 s3, $0x1;
	[dreg:$0xa] =	wrdreg s4;
	s11 =	sshrl.u32 s8, $0x3  }
0xe: {  	s9 =	sshrl.u32 s9, $0x3;
	[dreg:$0xc] =	wrdreg s31;
	s24 =	sadd.s32 s1, s11  }
.Ltmp0:
0xf: {  	s25 =	sadd.s32 s2, s11;
	[dreg:$0x7] =	wrdreg s24;
	(pc) =	sbr.rel .LBB2_1-.Ltmp0, $4  }
0x10: {  	s0 =	sadd.s32 s9, s0;
	s26 =	sadd.s32 s5, s11;
	[dreg:$0x8] =	wrdreg s25  }
0x11: {  	s23 =	simm.s32 $0x19E10;
	s0 =	sadd.s32 $0x200, s0;
	[dreg:$0x9] =	wrdreg s26  }
0x12: {  	s12 =	sadd.s32 $0x7D0, s8;
	s13 =	sadd.s32 $0xFA0, s8;
	[dreg:$0xb] =	wrdreg s0  }
0x13: {  	v0 =	vimm.f32 $0.0e+00;
	v1 =	vlaneseq.u32;
	v2 =	vimm.s32 $0x0;
	s24 =	simm.s32 $0x1ADB0;
	s25 =	simm.s32 $0x1;
	s26 =	simm.s32 $0x2  }
.LBB2_33:
0x14: {  	v3 =	vmin.u32 v3, $0x18FFF;
	[tilespmem:$0x1D5A0] =	vst v4  }
0x15: {  	v62 =	vmin.u32 v7, $0x18FFF;
	[tilespmem:$0x1D580] =	vst v3  }
0x16: {  	v63 =	vmin.u32 v6, $0x18FFF;
	[tilespmem:$0x1D5E0] =	vst v62  }
0x17: {  	v3 =	vmin.u32 v5, $0x18FFF;
	[tilespmem:$0x1D5F0] =	vst v63  }
0x18: {  	[tilespmem:$0x1D5B0] =	vst v3  }
0x19: {  	[spmem:s6] =	stream.indirect.scatter.add.f32 [tilespmem:s0], [sflag:$0x4], $0x1, s29, s28, $0xb8;
	[tilespmem:$0x1EF00] =	vst v63  }
0x1a: {  	_ =	swait.ge [sflag:s20], $0x80  }
0x1b: {  	[sflag:s20] =	ssyncset.done $0x0  }
0x1c: {  	[sflag:s20] =	ssyncadd.s32 $0xFFFFFF80  }
0x1d: {  	[tilespmem:s0+$0x0] =	vst v0  }
0x1e: {  	[tilespmem:s0+$0x70] =	vst v0  }
0x1f: {  	[tilespmem:s0+$0x60] =	vst v0  }
0x20: {  	[tilespmem:s0+$0x30] =	vst v0  }
0x21: {  	[tilespmem:s0+$0x40] =	vst v0  }
0x22: {  	[tilespmem:s0+$0x50] =	vst v0  }
0x23: {  	[tilespmem:s0+$0x10] =	vst v0  }
0x24: {  	[tilespmem:s0+$0x20] =	vst v0  }
.LBB2_34:
0x25: {  	s0 =	stileid.u32;
	[bflag:$0x0] =	sbarrier.arrive $0xFFFF  }
0x26: {  	s0 =	sshll.u32 s0, $0x6;
	s4 =	rddreg [dreg:$0xa]  }
0x27: {  	s8 =	rddreg [dreg:$0xb];
	s0 =	sor.u32 $0x1C04, s0;
	s3 =	sshrl.u32 s4, $0x3  }
0x28: {  	[hbm:s8], [sflag:s0] =	dma.local [spmem:s3], $0x320  }
0x29: {  	_ =	swait.ge [sflag:s20], $0x320  }
0x2a: {  	s30 =	sadd.s32 $0x1, s30;
	s31 =	rddreg [dreg:$0xc]  }
0x2b: {  	p0 =	sne.s32 s30, s31  }
.Ltmp1:
0x2c: {  	_ = 	snop;
	(pc) =	sbr.rel @!p0 .LBB2_35-.Ltmp1, $3  }
0x2d: {  	_ =	sdelay $0x1  }
0x2e: {  	[sflag:s20] =	ssyncset.done $0x0  }
0x2f: {  	[sflag:s20] =	ssyncadd.s32 $0xFFFFFCE0  }
.LBB2_1:
0x30: {  	s0 =	simm.s32 $0x40;
	s3 =	simm.s32 $0x0  }
.LBB2_2:
0x31: {  	p0 =	sne.s32 s0, $0x7FC0;
	[tilespmem:s3+$0x1B580] =	vst v0;
	s3 =	smov.u32 s0;
	s0 =	sadd.s32 $0x40, s0  }
.Ltmp2:
0x32: {  	(pc) =	sbr.rel @p0 .LBB2_2-.Ltmp2, $2  }
0x33: {  	_ =	sdelay $0x2  }
0x34: {  	s3 =	sshra.s32 s3, $0x2  }
0x35: {  	[tilespmem:s3+$0x1B580] =	vst v0;
	s3 =	simm.s32 $0x0;
	s0 =	rddreg [dreg:$0x0]  }
0x36: {  	[tilespmem:s3], [sflag:$0x3] =	stream.linear.gather [hbm4b:s0+s3], $0x186A0, $0x38;
	[tilespmem:$0x1EF00] =	vst v63  }
0x37: {  	s14 =	rddreg [dreg:$0x7];
	s8 =	simm.s32 $0x186A0  }
0x38: {  	[tilespmem:s8], [sflag:$0x1] =	stream.linear.gather [hbm4b:s14+s3], $0x7D0, $0x38;
	[tilespmem:$0x1EF00] =	vst v63  }
0x39: {  	s15 =	rddreg [dreg:$0x8];
	s16 =	simm.s32 $0x19640  }
0x3a: {  	[tilespmem:s16], [sflag:$0x1] =	stream.linear.gather [hbm4b:s15+s3], $0x7D0, $0x38;
	[tilespmem:$0x1EF00] =	vst v63  }
0x3b: {  	s17 =	rddreg [dreg:$0x9];
	s18 =	simm.s32 $0x1A5E0  }
0x3c: {  	[tilespmem:s18], [sflag:$0x1] =	stream.linear.gather [hbm4b:s17+s3], $0x7D0, $0x38;
	[tilespmem:$0x1EF00] =	vst v63  }
0x3d: {  	_ = 	snop  }
0x3e: {  	[spmem:s4] =	stream.linear.scatter [tilespmem:s19], [sflag:$0x4], $0x1900, $0x38;
	[tilespmem:$0x1EF00] =	vst v63  }
0x3f: {  	_ =	swait.ge [sflag:s20], $0x1900  }
0x40: {  	[sflag:s20] =	ssyncset.done $0x0  }
0x41: {  	s21 =	simm.s32 $0x3;
	[sflag:s20] =	ssyncadd.s32 $0xFFFFE700  }
.Ltmp3:
0x42: {  	_ =	swait.ge [sflag:s21], $0x186A0;
	(pc) =	sbr.rel .LBB2_4-.Ltmp3, $4  }
0x43: {  	[sflag:s21] =	ssyncset.done $0x0  }
0x44: {  	[sflag:s21] =	ssyncadd.s32 $0xFFFE7960  }
0x45: {  	[bflag:$0x0] =	sbarrier.arrive $0xFFFF  }
0x46: {  	s31 =	simm.s32 $0xC0000000;
	s0 =	simm.s32 $0x0;
	s18 =	simm.s32 $0xBFFFFFFF  }
.LBB2_29:
0x47: {  	s0 =	sadd.s32 $0x1, s0  }
0x48: {  	p0 =	sne.s32 s0, $0x19  }
.Ltmp4:
0x49: {  	_ = 	snop;
	(pc) =	sbr.rel @!p0 .LBB2_30-.Ltmp4, $1  }
0x4a: {  	_ =	sdelay $0x3  }
.LBB2_4:
0x4b: {  	s16 =	smul.u32 $0xFA0, s0;
	_ =	sdelay $0x1  }
0x4c: {  	s4 =	sadd.s32 s16, s12  }
0x4d: {  	s4 =	sshrl.u32 s4, $0x3  }
0x4e: {  	s8 =	sadd.s32 s1, s4  }
0x4f: {  	[tilespmem:s22], [sflag:$0x2] =	stream.linear.gather [hbm4b:s8+s3], $0x7D0, $0x38;
	[tilespmem:$0x1EF00] =	vst v63  }
0x50: {  	s15 =	sadd.s32 s2, s4  }
0x51: {  	[tilespmem:s23], [sflag:$0x2] =	stream.linear.gather [hbm4b:s15+s3], $0x7D0, $0x38;
	[tilespmem:$0x1EF00] =	vst v63  }
0x52: {  	s4 =	sadd.s32 s5, s4  }
0x53: {  	[tilespmem:s24], [sflag:$0x2] =	stream.linear.gather [hbm4b:s4+s3], $0x7D0, $0x38;
	[tilespmem:$0x1EF00] =	vst v63  }
0x54: {  	_ =	swait.ge [sflag:s25], $0x7D0  }
0x55: {  	[sflag:s25] =	ssyncset.done $0x0  }
0x56: {  	[sflag:s25] =	ssyncadd.s32 $0xFFFFF830  }
0x57: {  	_ =	swait.ge [sflag:s25], $0x7D0  }
0x58: {  	[sflag:s25] =	ssyncset.done $0x0  }
0x59: {  	[sflag:s25] =	ssyncadd.s32 $0xFFFFF830  }
0x5a: {  	_ =	swait.ge [sflag:s25], $0x7D0  }
0x5b: {  	[sflag:s25] =	ssyncset.done $0x0  }
0x5c: {  	[sflag:s25] =	ssyncadd.s32 $0xFFFFF830  }
0x5d: {  	v3 =	vld [tilespmem:$0x1ADA0];
	_ =	sdelay $0x4  }
0x5e: {  	v3 =	vxor.u32 $0x80000000, v3  }
0x5f: {  	(xrf0) =	vmax.scan.msk.u32 $0xffff, v3;
	_ =	sdelay $0x5  }
0x60: {  	v3, _, _ =	vpop (xrf0)  }
0x61: {  	(v2sf) =	vpush v3, $0xF;
	_ =	sdelay $0xe  }
0x62: {  	s17 =	spop (v2sf)  }
0x63: {  	s21 =	sadd.s32 $0x2000, s31;
	s17 =	sxor.u32 $0x80000000, s17  }
0x64: {  	p0 =	sge.s32 s17, s21  }
.Ltmp5:
0x65: {  	_ = 	snop;
	(pc) =	sbr.rel @p0 .LBB2_5-.Ltmp5, $1  }
0x66: {  	_ =	sdelay $0x3  }
0x67: {  	s4 =	simm.s32 $0x186C0  }
0x68: {  	v3 =	vld [tilespmem:s4+$0x20]  }
0x69: {  	v4 =	vld [tilespmem:s4+$0xFFFFFFF0]  }
0x6a: {  	v6 =	vld [tilespmem:s4+$0x0]  }
0x6b: {  	v7 =	vld [tilespmem:s4+$0xFFFFFFE0]  }
0x6c: {  	v8 =	vld [tilespmem:s4+$0x10]  }
0x6d: {  	s4 =	simm.s32 $0x19660  }
0x6e: {  	v10 =	vld [tilespmem:s4+$0x20]  }
0x6f: {  	v11 =	vld [tilespmem:s4+$0xFFFFFFE0]  }
0x70: {  	v9 =	vld.idx.msk [tilespmem:v3+s7+$0x0], $0xffff  }
0x71: {  	v5 =	vld.idx.msk [tilespmem:v4+s7+$0x0], $0xffff  }
0x72: {  	v3 =	vld.idx.msk [tilespmem:v6+s7+$0x0], $0xffff  }
0x73: {  	v7 =	vld.idx.msk [tilespmem:v7+s7+$0x0], $0xffff  }
0x74: {  	v4 =	vld.idx.msk [tilespmem:v8+s7+$0x0], $0xffff  }
0x75: {  	v6 =	vmul.f32 v10, v9;
	v9 =	vld [tilespmem:s4+$0xFFFFFFF0]  }
0x76: {  	v8 =	vld [tilespmem:s4+$0x0]  }
0x77: {  	[tilespmem:v1+s19+$0x0] =	vst.idx.add.f32.msk $0xffff, v6  }
0x78: {  	v6 =	vld [tilespmem:s4+$0x10]  }
0x79: {  	s8 =	simm.s32 $0x0;
	s9 =	simm.s32 $0x18710;
	v7 =	vmul.f32 v11, v7  }
.LBB2_15:
0x7a: {  	v10 =	vld [tilespmem:s9+$0x20];
	s8 =	sadd.s32 $0x5, s8;
	v5 =	vmul.f32 v9, v5  }
0x7b: {  	v9 =	vld [tilespmem:s9+$0xFFFFFFF0];
	p0 =	slt.u32 s8, $0x78  }
0x7c: {  	v11 =	vld [tilespmem:s9+$0x0];
	v3 =	vmul.f32 v8, v3  }
0x7d: {  	v8 =	vld [tilespmem:s9+$0x10];
	v12 =	vmul.f32 v6, v4  }
0x7e: {  	v4 =	vld [tilespmem:s9+$0xFFFFFFE0]  }
0x7f: {  	[tilespmem:v1+s19+$0x0] =	vst.idx.add.f32.msk $0xffff, v7  }
0x80: {  	[tilespmem:v1+s19+$0x0] =	vst.idx.add.f32.msk $0xffff, v5  }
0x81: {  	[tilespmem:v1+s19+$0x0] =	vst.idx.add.f32.msk $0xffff, v3  }
0x82: {  	s4 =	sadd.s32 $0x50, s4;
	v6 =	vld.idx.msk [tilespmem:v10+s7+$0x0], $0xffff  }
0x83: {  	v7 =	vld [tilespmem:s4+$0x20]  }
0x84: {  	v5 =	vld.idx.msk [tilespmem:v9+s7+$0x0], $0xffff  }
0x85: {  	v3 =	vld.idx.msk [tilespmem:v11+s7+$0x0], $0xffff  }
0x86: {  	v10 =	vld.idx.msk [tilespmem:v4+s7+$0x0], $0xffff  }
0x87: {  	v4 =	vld.idx.msk [tilespmem:v8+s7+$0x0], $0xffff  }
0x88: {  	v11 =	vld [tilespmem:s4+$0xFFFFFFE0];
	v6 =	vmul.f32 v7, v6  }
.Ltmp6:
0x89: {  	v9 =	vld [tilespmem:s4+$0xFFFFFFF0];
	(pc) =	sbr.rel @p0 .LBB2_15-.Ltmp6, $4  }
0x8a: {  	[tilespmem:v1+s19+$0x0] =	vst.idx.add.f32.msk $0xffff, v6  }
0x8b: {  	v8 =	vld [tilespmem:s4+$0x0]  }
0x8c: {  	v6 =	vld [tilespmem:s4+$0x10]  }
0x8d: {  	s9 =	sadd.s32 $0x50, s9;
	v7 =	vmul.f32 v11, v10;
	[tilespmem:v1+s19+$0x0] =	vst.idx.add.f32.msk $0xffff, v12  }
0x8e: {  	_ =	sdelay $0x2  }
0x8f: {  	v5 =	vmul.f32 v9, v5  }
0x90: {  	[tilespmem:v1+s19+$0x0] =	vst.idx.add.f32.msk $0xffff, v7;
	v3 =	vmul.f32 v8, v3  }
0x91: {  	[tilespmem:v1+s19+$0x0] =	vst.idx.add.f32.msk $0xffff, v5;
	v4 =	vmul.f32 v6, v4  }
0x92: {  	p0 =	sgt.s32 s18, s17;
	[tilespmem:v1+s19+$0x0] =	vst.idx.add.f32.msk $0xffff, v3  }
0x93: {  	s17 =	smov.u32 @p0 s18;
	[tilespmem:v1+s19+$0x0] =	vst.idx.add.f32.msk $0xffff, v4  }
.LBB2_17:
0x94: {  	p0 =	sgt.u32 s0, $0x17  }
0x95: {  	s4 =	sadd.s32 @!p0 s16, s13  }
0x96: {  	s4 =	sshrl.u32 @!p0 s4, $0x3  }
0x97: {  	s9 =	simm.s32 @!p0 $0x0;
	s10 =	simm.s32 @!p0 $0x186A0;
	s8 =	sadd.s32 @!p0 s1, s4  }
0x98: {  	[tilespmem:s10], [sflag:$0x1] =	stream.linear.gather @!p0 [hbm4b:s8+s9], $0x7D0, $0x38;
	[tilespmem:$0x1EF00] =	vst v63  }
0x99: {  	s8 =	sadd.s32 @!p0 s2, s4;
	s10 =	simm.s32 @!p0 $0x19640  }
0x9a: {  	[tilespmem:s10], [sflag:$0x1] =	stream.linear.gather @!p0 [hbm4b:s8+s9], $0x7D0, $0x38;
	[tilespmem:$0x1EF00] =	vst v63  }
0x9b: {  	s4 =	sadd.s32 @!p0 s5, s4;
	s8 =	simm.s32 @!p0 $0x1A5E0  }
0x9c: {  	[tilespmem:s8], [sflag:$0x1] =	stream.linear.gather @!p0 [hbm4b:s4+s9], $0x7D0, $0x38;
	[tilespmem:$0x1EF00] =	vst v63  }
0x9d: {  	_ =	swait.ge [sflag:s26], $0x7D0  }
0x9e: {  	[sflag:s26] =	ssyncset.done $0x0  }
0x9f: {  	[sflag:s26] =	ssyncadd.s32 $0xFFFFF830  }
0xa0: {  	_ =	swait.ge [sflag:s26], $0x7D0  }
0xa1: {  	[sflag:s26] =	ssyncset.done $0x0  }
0xa2: {  	[sflag:s26] =	ssyncadd.s32 $0xFFFFF830  }
0xa3: {  	_ =	swait.ge [sflag:s26], $0x7D0  }
0xa4: {  	[sflag:s26] =	ssyncset.done $0x0  }
0xa5: {  	[sflag:s26] =	ssyncadd.s32 $0xFFFFF830  }
0xa6: {  	v3 =	vld [tilespmem:$0x1B570];
	_ =	sdelay $0x4  }
0xa7: {  	v3 =	vxor.u32 $0x80000000, v3  }
0xa8: {  	(xrf0) =	vmax.scan.msk.u32 $0xffff, v3;
	_ =	sdelay $0x5  }
0xa9: {  	v3, _, _ =	vpop (xrf0)  }
0xaa: {  	(v2sf) =	vpush v3, $0xF;
	_ =	sdelay $0xe  }
0xab: {  	s18 =	spop (v2sf)  }
0xac: {  	s21 =	sadd.s32 $0x2000, s31;
	s18 =	sxor.u32 $0x80000000, s18  }
0xad: {  	p0 =	sge.s32 s18, s21  }
.Ltmp7:
0xae: {  	_ = 	snop;
	(pc) =	sbr.rel @p0 .LBB2_21-.Ltmp7, $2  }
0xaf: {  	_ =	sdelay $0x2  }
0xb0: {  	s16 =	simm.s32 $0x0  }
0xb1: {  	s4 =	simm.s32 $0x18EB0  }
0xb2: {  	v3 =	vld [tilespmem:s4+$0x0]  }
0xb3: {  	v4 =	vld [tilespmem:s4+$0xFFFFFFD0]  }
0xb4: {  	v6 =	vld [tilespmem:s4+$0xFFFFFFE0]  }
0xb5: {  	v7 =	vld [tilespmem:s4+$0xFFFFFFC0]  }
0xb6: {  	v8 =	vld [tilespmem:s4+$0xFFFFFFF0]  }
0xb7: {  	s4 =	simm.s32 $0x19E50  }
0xb8: {  	v10 =	vld [tilespmem:s4+$0x0]  }
0xb9: {  	v11 =	vld [tilespmem:s4+$0xFFFFFFC0]  }
0xba: {  	v9 =	vld.idx.msk [tilespmem:v3+s7+$0x0], $0xffff  }
0xbb: {  	v5 =	vld.idx.msk [tilespmem:v4+s7+$0x0], $0xffff  }
0xbc: {  	v3 =	vld.idx.msk [tilespmem:v6+s7+$0x0], $0xffff  }
0xbd: {  	v7 =	vld.idx.msk [tilespmem:v7+s7+$0x0], $0xffff  }
0xbe: {  	v4 =	vld.idx.msk [tilespmem:v8+s7+$0x0], $0xffff  }
0xbf: {  	v6 =	vmul.f32 v10, v9;
	v9 =	vld [tilespmem:s4+$0xFFFFFFD0]  }
0xc0: {  	v8 =	vld [tilespmem:s4+$0xFFFFFFE0]  }
0xc1: {  	[tilespmem:v1+s19+$0x0] =	vst.idx.add.f32.msk $0xffff, v6  }
0xc2: {  	v6 =	vld [tilespmem:s4+$0xFFFFFFF0]  }
0xc3: {  	s8 =	simm.s32 $0x0;
	s9 =	simm.s32 $0x18F00;
	v7 =	vmul.f32 v11, v7  }
.LBB2_19:
0xc4: {  	v10 =	vld [tilespmem:s9+$0x0];
	s8 =	sadd.s32 $0x5, s8;
	v5 =	vmul.f32 v9, v5  }
0xc5: {  	v9 =	vld [tilespmem:s9+$0xFFFFFFD0];
	p0 =	slt.u32 s8, $0x78  }
0xc6: {  	v11 =	vld [tilespmem:s9+$0xFFFFFFE0];
	v3 =	vmul.f32 v8, v3  }
0xc7: {  	v8 =	vld [tilespmem:s9+$0xFFFFFFF0];
	v12 =	vmul.f32 v6, v4  }
0xc8: {  	v4 =	vld [tilespmem:s9+$0xFFFFFFC0]  }
0xc9: {  	[tilespmem:v1+s19+$0x0] =	vst.idx.add.f32.msk $0xffff, v7  }
0xca: {  	[tilespmem:v1+s19+$0x0] =	vst.idx.add.f32.msk $0xffff, v5  }
0xcb: {  	[tilespmem:v1+s19+$0x0] =	vst.idx.add.f32.msk $0xffff, v3  }
0xcc: {  	s4 =	sadd.s32 $0x50, s4;
	v6 =	vld.idx.msk [tilespmem:v10+s7+$0x0], $0xffff  }
0xcd: {  	v7 =	vld [tilespmem:s4+$0x0]  }
0xce: {  	v5 =	vld.idx.msk [tilespmem:v9+s7+$0x0], $0xffff  }
0xcf: {  	v3 =	vld.idx.msk [tilespmem:v11+s7+$0x0], $0xffff  }
0xd0: {  	v10 =	vld.idx.msk [tilespmem:v4+s7+$0x0], $0xffff  }
0xd1: {  	v4 =	vld.idx.msk [tilespmem:v8+s7+$0x0], $0xffff  }
0xd2: {  	v11 =	vld [tilespmem:s4+$0xFFFFFFC0];
	v6 =	vmul.f32 v7, v6  }
.Ltmp8:
0xd3: {  	v9 =	vld [tilespmem:s4+$0xFFFFFFD0];
	(pc) =	sbr.rel @p0 .LBB2_19-.Ltmp8, $4  }
0xd4: {  	[tilespmem:v1+s19+$0x0] =	vst.idx.add.f32.msk $0xffff, v6  }
0xd5: {  	v8 =	vld [tilespmem:s4+$0xFFFFFFE0]  }
0xd6: {  	v6 =	vld [tilespmem:s4+$0xFFFFFFF0]  }
0xd7: {  	s9 =	sadd.s32 $0x50, s9;
	v7 =	vmul.f32 v11, v10;
	[tilespmem:v1+s19+$0x0] =	vst.idx.add.f32.msk $0xffff, v12  }
0xd8: {  	_ =	sdelay $0x2  }
.Ltmp9:
0xd9: {  	v5 =	vmul.f32 v9, v5;
	(pc) =	sbr.rel .LBB2_29-.Ltmp9, $4  }
0xda: {  	[tilespmem:v1+s19+$0x0] =	vst.idx.add.f32.msk $0xffff, v7;
	v3 =	vmul.f32 v8, v3  }
0xdb: {  	[tilespmem:v1+s19+$0x0] =	vst.idx.add.f32.msk $0xffff, v5;
	v4 =	vmul.f32 v6, v4  }
0xdc: {  	p0 =	sgt.s32 s17, s18;
	[tilespmem:v1+s19+$0x0] =	vst.idx.add.f32.msk $0xffff, v3  }
0xdd: {  	s18 =	smov.u32 @p0 s17;
	[tilespmem:v1+s19+$0x0] =	vst.idx.add.f32.msk $0xffff, v4  }
.LBB2_28:
0xde: {  	s16 =	sadd.s32 $0x1, s16  }
0xdf: {  	p0 =	sne.s32 s16, $0x7D  }
.Ltmp10:
0xe0: {  	_ = 	snop;
	(pc) =	sbr.rel @!p0 .LBB2_29-.Ltmp10, $2  }
0xe1: {  	_ =	sdelay $0x2  }
0xe2: {  	s17 =	smov.u32 s18  }
.LBB2_21:
0xe3: {  	s4 =	sshll.u32 s16, $0x4  }
0xe4: {  	v3 =	vld [tilespmem:s4+$0x1ADB0];
	_ =	sdelay $0x3  }
0xe5: {  	v4 =	vmov s31  }
0xe6: {  	v5 =	vsub.s32 v3, v4  }
0xe7: {  	vm0 =	vlt.s32 v5, $0x2000  }
0xe8: {  	vm1 =	vge.s32 v5, $0x2000;
	v4 =	vnsel vm0, s17, v3  }
0xe9: {  	v6 =	vxor.u32 $0x80000000, v4;
	v4 =	vsel vm1, $0x1, v2  }
0xea: {  	(xrf0) =	vmax.scan.msk.u32 $0xffff, v6;
	v6 =	vor.u32 $0x80000000, v4  }
0xeb: {  	(xrf0) =	vmax.scan.msk.u32 $0xffff, v6;
	_ =	sdelay $0x4  }
0xec: {  	v6, _, _ =	vpop (xrf0)  }
0xed: {  	(v2sf) =	vpush v6, $0xF;
	v6, _, _ =	vpop (xrf0)  }
0xee: {  	(v2sf) =	vpush v6, $0xF;
	_ =	sdelay $0x5  }
0xef: {  	v6 =	vld [tilespmem:s4+$0x18E70];
	_ =	sdelay $0x6  }
0xf0: {  	v7 =	vld [tilespmem:s4+$0x19E10]  }
0xf1: {  	vm15 =	vgt.s32 v5, $0x0;
	v6 =	vld.idx.msk [tilespmem:v6+s7+$0x0], $0xffff;
	s18 =	spop (v2sf)  }
0xf2: {  	v5 =	vnsel vm15, $0x0, v5;
	s21 =	spop (v2sf)  }
0xf3: {  	v8 =	vmin.u32 v5, $0x1FFF;
	p0 =	slt.u32 s21, $0x80000001  }
.Ltmp11:
0xf4: {  	_ = 	snop;
	(pc) =	sbr.rel @p0 .LBB2_28-.Ltmp11, $4  }
0xf5: {  	_ = 	snop  }
0xf6: {  	v5 =	vmul.f32 v7, v6;
	s18 =	sxor.u32 $0x80000000, s18  }
0xf7: {  	p1 =	sgt.s32 s17, s18  }
0xf8: {  	[tilespmem:v8+s19+$0x0] =	vst.idx.add.f32.msk vm0, v5;
	s18 =	smov.u32 @p1 s17  }
.Ltmp12:
0xf9: {  	(pc) =	sbr.rel .LBB2_23-.Ltmp12, $2  }
0xfa: {  	_ =	sdelay $0x2  }
0xfb: {  	v6 =	vxor.u32 $0x80000000, v3  }
.LBB2_26:
0xfc: {  	v7 =	vmin.u32 v7, $0x18FFF;
	[tilespmem:$0x1D5A0] =	vst v8  }
0xfd: {  	v8 =	vmin.u32 v11, $0x18FFF;
	[tilespmem:$0x1D580] =	vst v7  }
0xfe: {  	v7 =	vmin.u32 v9, $0x18FFF;
	[tilespmem:$0x1D5E0] =	vst v8  }
0xff: {  	v8 =	vmin.u32 v10, $0x18FFF;
	[tilespmem:$0x1D5B0] =	vst v7  }
0x100: {  	[tilespmem:$0x1D5F0] =	vst v8  }
0x101: {  	[spmem:s6] =	stream.indirect.scatter.add.f32 [tilespmem:s4], [sflag:$0x4], $0x1, s29, s28, $0xb8;
	[tilespmem:$0x1EF00] =	vst v63  }
0x102: {  	_ =	swait.ge [sflag:s20], $0x80  }
0x103: {  	[sflag:s20] =	ssyncset.done $0x0  }
0x104: {  	[sflag:s20] =	ssyncadd.s32 $0xFFFFFF80  }
0x105: {  	[tilespmem:s4+$0x0] =	vst v0  }
0x106: {  	[tilespmem:s4+$0x70] =	vst v0  }
0x107: {  	[tilespmem:s4+$0x60] =	vst v0  }
0x108: {  	[tilespmem:s4+$0x30] =	vst v0  }
0x109: {  	[tilespmem:s4+$0x40] =	vst v0  }
0x10a: {  	[tilespmem:s4+$0x50] =	vst v0  }
0x10b: {  	[tilespmem:s4+$0x10] =	vst v0  }
0x10c: {  	[tilespmem:s4+$0x20] =	vst v0  }
.LBB2_27:
0x10d: {  	vm0 =	vne.s32 v4, $0x0  }
0x10e: {  	v7 =	vnsel vm0, $0xC0000000, v6  }
0x10f: {  	(xrf0) =	vmin.scan.msk.u32 $0xffff, v7;
	_ =	sdelay $0x5  }
0x110: {  	v7, _, _ =	vpop (xrf0)  }
0x111: {  	(v2sf) =	vpush v7, $0xF;
	_ =	sdelay $0xe  }
0x112: {  	s4 =	spop (v2sf)  }
0x113: {  	s31 =	sxor.u32 $0x80000000, s4  }
0x114: {  	v7 =	vmov s31  }
0x115: {  	v7 =	vsub.s32 v3, v7  }
0x116: {  	vm1 =	vlt.s32 v7, $0x2000  }
0x117: {  	s4 =	sadd.s32 $0x7FFFFFFF, s4;
	vm0 =	vmand vm0, vm1  }
0x118: {  	v8 =	vnsel vm0, s4, v3  }
0x119: {  	v4 =	vsel vm1, $0x0, v4;
	v8 =	vxor.u32 $0x80000000, v8  }
0x11a: {  	(xrf0) =	vmax.scan.msk.u32 $0xffff, v8;
	v8 =	vor.u32 $0x80000000, v4  }
0x11b: {  	(xrf0) =	vmax.scan.msk.u32 $0xffff, v8;
	_ =	sdelay $0x4  }
0x11c: {  	v8, _, _ =	vpop (xrf0)  }
0x11d: {  	(v2sf) =	vpush v8, $0xF;
	v8, _, _ =	vpop (xrf0)  }
0x11e: {  	(v2sf) =	vpush v8, $0xF;
	_ =	sdelay $0xd  }
0x11f: {  	vm15 =	vgt.s32 v7, $0x0;
	s8 =	spop (v2sf)  }
0x120: {  	v7 =	vnsel vm15, $0x0, v7;
	s21 =	spop (v2sf)  }
0x121: {  	v7 =	vmin.u32 v7, $0x1FFF;
	p0 =	sgt.u32 s21, $0x80000000  }
.Ltmp13:
0x122: {  	_ = 	snop;
	(pc) =	sbr.rel @!p0 .LBB2_28-.Ltmp13, $4  }
0x123: {  	_ = 	snop  }
0x124: {  	s18 =	sxor.u32 $0x80000000, s8  }
0x125: {  	p1 =	sgt.s32 s4, s18  }
0x126: {  	[tilespmem:v7+s19+$0x0] =	vst.idx.add.f32.msk vm0, v5;
	s18 =	smov.u32 @p1 s4  }
.LBB2_23:
0x127: {  	s4 =	ssub.s32 s18, s31  }
0x128: {  	s4 =	sadd.s32 $0x1, s4  }
0x129: {  	p0 =	sgt.s32 s4, $0x0  }
0x12a: {  	s4 =	simm.s32 @!p0 $0x0  }
0x12b: {  	s4 =	smin.u32 s4, $0x2000  }
0x12c: {  	s4 =	sadd.s32 $0x7F, s4  }
0x12d: {  	s4 =	sshrl.u32 s4, $0x7  }
0x12e: {  	p0 =	seq.s32 s4, $0x0  }
.Ltmp14:
0x12f: {  	_ = 	snop;
	(pc) =	sbr.rel @p0 .LBB2_27-.Ltmp14, $1  }
0x130: {  	_ =	sdelay $0x3  }
0x131: {  	s8 =	sadd.s32 $0x0, s31  }
0x132: {  	v7 =	vadd.s32 s8, v1;
	s9 =	sadd.s32 $0x10, s8;
	s10 =	sadd.s32 $0x20, s8  }
0x133: {  	s11 =	sadd.s32 $0x70, s8;
	s17 =	sadd.s32 $0x40, s8;
	s18 =	sadd.s32 $0x60, s8;
	vm0 =	vgt.s32 v7, $0x0;
	v8 =	vadd.s32 s9, v1;
	v9 =	vadd.s32 s10, v1  }
0x134: {  	s21 =	sadd.s32 $0x50, s8;
	s8 =	sadd.s32 $0x30, s8;
	v10 =	vadd.s32 s11, v1;
	v11 =	vadd.s32 s17, v1;
	v12 =	vadd.s32 s18, v1  }
0x135: {  	v14 =	vadd.s32 s8, v1;
	s17 =	sshll.u32 s4, $0x7;
	vm1 =	vgt.s32 v8, $0x0;
	vm2 =	vgt.s32 v9, $0x0  }
0x136: {  	v7 =	vnsel vm0, $0x0, v7;
	vm11 =	vgt.s32 v11, $0x0;
	p0 =	sne.s32 s17, $0x80;
	v8 =	vnsel vm1, $0x0, v8  }
.Ltmp15:
0x137: {  	v13 =	vmin.u32 v8, $0x18FFF;
	v8 =	vnsel vm2, $0x0, v9;
	v9 =	vadd.s32 s21, v1;
	(pc) =	sbr.rel @!p0 .LBB2_26-.Ltmp15, $4  }
0x138: {  	vm13 =	vgt.s32 v14, $0x0;
	v11 =	vnsel vm11, $0x0, v11;
	vm12 =	vgt.s32 v9, $0x0  }
0x139: {  	vm15 =	vgt.s32 v10, $0x0;
	v11 =	vmin.u32 v11, $0x18FFF;
	[tilespmem:$0x1D590] =	vst v13;
	v9 =	vnsel vm12, $0x0, v9  }
0x13a: {  	vm14 =	vgt.s32 v12, $0x0;
	v10 =	vnsel vm15, $0x0, v10;
	[tilespmem:$0x1D5C0] =	vst v11;
	v11 =	vmin.u32 v9, $0x18FFF  }
0x13b: {  	s4 =	simm.s32 $0x1B580;
	s8 =	simm.s32 $0x80;
	s9 =	simm.s32 $0x1B580;
	v8 =	vmin.u32 v8, $0x18FFF;
	v9 =	vnsel vm13, $0x0, v14;
	[tilespmem:$0x1D5D0] =	vst v11;
	v11 =	vnsel vm14, $0x0, v12  }
.LBB2_25:
0x13c: {  	v7 =	vmin.u32 v7, $0x18FFF;
	[tilespmem:$0x1D5A0] =	vst v8;
	v8 =	vmin.u32 v11, $0x18FFF;
	v10 =	vmin.u32 v10, $0x18FFF;
	s9 =	sadd.s32 $0x80, s9;
	s10 =	smov.u32 s8;
	s8 =	sadd.s32 $0x80, s8  }
0x13d: {  	p0 =	sne.s32 s17, s8;
	[tilespmem:$0x1D580] =	vst v7  }
0x13e: {  	v7 =	vmin.u32 v9, $0x18FFF;
	[tilespmem:$0x1D5E0] =	vst v8  }
0x13f: {  	[tilespmem:$0x1D5B0] =	vst v7  }
0x140: {  	[tilespmem:$0x1D5F0] =	vst v10  }
0x141: {  	[spmem:s6] =	stream.indirect.scatter.add.f32 [tilespmem:s4], [sflag:$0x4], $0x1, s29, s28, $0xb8;
	[tilespmem:$0x1EF00] =	vst v63  }
0x142: {  	_ =	swait.ge [sflag:s20], $0x80  }
0x143: {  	[sflag:s20] =	ssyncset.done $0x0  }
0x144: {  	[sflag:s20] =	ssyncadd.s32 $0xFFFFFF80  }
0x145: {  	s10 =	sadd.s32 s10, s31;
	[tilespmem:s4+$0x0] =	vst v0  }
0x146: {  	s11 =	sadd.s32 $0x10, s10;
	s14 =	sadd.s32 $0x20, s10;
	s15 =	sadd.s32 $0x70, s10;
	v7 =	vadd.s32 s10, v1;
	[tilespmem:s4+$0x70] =	vst v0  }
0x147: {  	s18 =	sadd.s32 $0x50, s10;
	v8 =	vadd.s32 s11, v1;
	v9 =	vadd.s32 s14, v1;
	s11 =	sadd.s32 $0x30, s10;
	s14 =	sadd.s32 $0x40, s10;
	vm0 =	vgt.s32 v7, $0x0;
	[tilespmem:s4+$0x60] =	vst v0  }
0x148: {  	s10 =	sadd.s32 $0x60, s10;
	vm1 =	vgt.s32 v8, $0x0;
	vm2 =	vgt.s32 v9, $0x0;
	v10 =	vadd.s32 s15, v1;
	[tilespmem:s4+$0x30] =	vst v0  }
0x149: {  	v11 =	vadd.s32 s14, v1;
	v12 =	vadd.s32 s10, v1;
	v8 =	vnsel vm1, $0x0, v8;
	[tilespmem:s4+$0x40] =	vst v0  }
0x14a: {  	v7 =	vnsel vm0, $0x0, v7;
	v13 =	vmin.u32 v8, $0x18FFF;
	v8 =	vnsel vm2, $0x0, v9;
	[tilespmem:s4+$0x50] =	vst v0  }
.Ltmp16:
0x14b: {  	vm0 =	vgt.s32 v11, $0x0;
	v9 =	vadd.s32 s18, v1;
	v8 =	vmin.u32 v8, $0x18FFF;
	[tilespmem:s4+$0x10] =	vst v0;
	(pc) =	sbr.rel @p0 .LBB2_25-.Ltmp16, $4  }
0x14c: {  	v14 =	vadd.s32 s11, v1;
	v11 =	vnsel vm0, $0x0, v11;
	vm0 =	vgt.s32 v9, $0x0;
	[tilespmem:s4+$0x20] =	vst v0;
	s4 =	smov.u32 s9  }
0x14d: {  	vm1 =	vgt.s32 v14, $0x0;
	v11 =	vmin.u32 v11, $0x18FFF;
	v9 =	vnsel vm0, $0x0, v9;
	[tilespmem:$0x1D590] =	vst v13  }
0x14e: {  	vm2 =	vgt.s32 v10, $0x0;
	vm0 =	vgt.s32 v12, $0x0;
	[tilespmem:$0x1D5C0] =	vst v11;
	v11 =	vmin.u32 v9, $0x18FFF  }
0x14f: {  	v10 =	vnsel vm2, $0x0, v10;
	v9 =	vnsel vm1, $0x0, v14;
	[tilespmem:$0x1D5D0] =	vst v11;
	v11 =	vnsel vm0, $0x0, v12  }
.Ltmp17:
0x150: {  	_ = 	snop;
	(pc) =	sbr.rel .LBB2_26-.Ltmp17, $1  }
0x151: {  	_ =	sdelay $0x3  }
.LBB2_5:
.Ltmp18:
0x152: {  	(pc) =	sbr.rel .LBB2_6-.Ltmp18, $2  }
0x153: {  	_ =	sdelay $0x2  }
0x154: {  	s4 =	simm.s32 $0x0  }
.LBB2_13:
0x155: {  	s4 =	sadd.s32 $0x1, s4  }
0x156: {  	p0 =	sne.s32 s4, $0x7D  }
.Ltmp19:
0x157: {  	_ = 	snop;
	(pc) =	sbr.rel @!p0 .LBB2_17-.Ltmp19, $2  }
0x158: {  	_ =	sdelay $0x2  }
0x159: {  	s18 =	smov.u32 s17  }
.LBB2_6:
0x15a: {  	s8 =	sshll.u32 s4, $0x4  }
0x15b: {  	v3 =	vld [tilespmem:s8+$0x1A5E0];
	_ =	sdelay $0x3  }
0x15c: {  	v4 =	vmov s31  }
0x15d: {  	v5 =	vsub.s32 v3, v4  }
0x15e: {  	vm0 =	vlt.s32 v5, $0x2000  }
0x15f: {  	vm1 =	vge.s32 v5, $0x2000;
	v4 =	vnsel vm0, s18, v3  }
0x160: {  	v6 =	vxor.u32 $0x80000000, v4;
	v4 =	vsel vm1, $0x1, v2  }
0x161: {  	(xrf0) =	vmax.scan.msk.u32 $0xffff, v6;
	v6 =	vor.u32 $0x80000000, v4  }
0x162: {  	(xrf0) =	vmax.scan.msk.u32 $0xffff, v6;
	_ =	sdelay $0x4  }
0x163: {  	v6, _, _ =	vpop (xrf0)  }
0x164: {  	(v2sf) =	vpush v6, $0xF;
	v6, _, _ =	vpop (xrf0)  }
0x165: {  	(v2sf) =	vpush v6, $0xF;
	_ =	sdelay $0x5  }
0x166: {  	v6 =	vld [tilespmem:s8+$0x186A0];
	_ =	sdelay $0x6  }
0x167: {  	v7 =	vld [tilespmem:s8+$0x19640]  }
0x168: {  	vm15 =	vgt.s32 v5, $0x0;
	v6 =	vld.idx.msk [tilespmem:v6+s7+$0x0], $0xffff;
	s17 =	spop (v2sf)  }
0x169: {  	v5 =	vnsel vm15, $0x0, v5;
	s21 =	spop (v2sf)  }
0x16a: {  	v8 =	vmin.u32 v5, $0x1FFF;
	p0 =	slt.u32 s21, $0x80000001  }
.Ltmp20:
0x16b: {  	_ = 	snop;
	(pc) =	sbr.rel @p0 .LBB2_13-.Ltmp20, $4  }
0x16c: {  	_ = 	snop  }
0x16d: {  	v5 =	vmul.f32 v7, v6;
	s17 =	sxor.u32 $0x80000000, s17  }
0x16e: {  	p1 =	sgt.s32 s18, s17  }
0x16f: {  	[tilespmem:v8+s19+$0x0] =	vst.idx.add.f32.msk vm0, v5;
	s17 =	smov.u32 @p1 s18  }
.Ltmp21:
0x170: {  	(pc) =	sbr.rel .LBB2_8-.Ltmp21, $2  }
0x171: {  	_ =	sdelay $0x2  }
0x172: {  	v6 =	vxor.u32 $0x80000000, v3  }
.LBB2_11:
0x173: {  	v7 =	vmin.u32 v7, $0x18FFF;
	[tilespmem:$0x1D5A0] =	vst v8  }
0x174: {  	v8 =	vmin.u32 v11, $0x18FFF;
	[tilespmem:$0x1D580] =	vst v7  }
0x175: {  	v7 =	vmin.u32 v9, $0x18FFF;
	[tilespmem:$0x1D5E0] =	vst v8  }
0x176: {  	v8 =	vmin.u32 v10, $0x18FFF;
	[tilespmem:$0x1D5B0] =	vst v7  }
0x177: {  	[tilespmem:$0x1D5F0] =	vst v8  }
0x178: {  	[spmem:s6] =	stream.indirect.scatter.add.f32 [tilespmem:s17], [sflag:$0x4], $0x1, s29, s28, $0xb8;
	[tilespmem:$0x1EF00] =	vst v63  }
0x179: {  	_ =	swait.ge [sflag:s20], $0x80  }
0x17a: {  	[sflag:s20] =	ssyncset.done $0x0  }
0x17b: {  	[sflag:s20] =	ssyncadd.s32 $0xFFFFFF80  }
0x17c: {  	[tilespmem:s17+$0x0] =	vst v0  }
0x17d: {  	[tilespmem:s17+$0x70] =	vst v0  }
0x17e: {  	[tilespmem:s17+$0x60] =	vst v0  }
0x17f: {  	[tilespmem:s17+$0x30] =	vst v0  }
0x180: {  	[tilespmem:s17+$0x40] =	vst v0  }
0x181: {  	[tilespmem:s17+$0x50] =	vst v0  }
0x182: {  	[tilespmem:s17+$0x10] =	vst v0  }
0x183: {  	[tilespmem:s17+$0x20] =	vst v0  }
.LBB2_12:
0x184: {  	vm0 =	vne.s32 v4, $0x0  }
0x185: {  	v7 =	vnsel vm0, $0xC0000000, v6  }
0x186: {  	(xrf0) =	vmin.scan.msk.u32 $0xffff, v7;
	_ =	sdelay $0x5  }
0x187: {  	v7, _, _ =	vpop (xrf0)  }
0x188: {  	(v2sf) =	vpush v7, $0xF;
	_ =	sdelay $0xe  }
0x189: {  	s8 =	spop (v2sf)  }
0x18a: {  	s31 =	sxor.u32 $0x80000000, s8  }
0x18b: {  	v7 =	vmov s31  }
0x18c: {  	v7 =	vsub.s32 v3, v7  }
0x18d: {  	vm1 =	vlt.s32 v7, $0x2000  }
0x18e: {  	s8 =	sadd.s32 $0x7FFFFFFF, s8;
	vm0 =	vmand vm0, vm1  }
0x18f: {  	v8 =	vnsel vm0, s8, v3  }
0x190: {  	v4 =	vsel vm1, $0x0, v4;
	v8 =	vxor.u32 $0x80000000, v8  }
0x191: {  	(xrf0) =	vmax.scan.msk.u32 $0xffff, v8;
	v8 =	vor.u32 $0x80000000, v4  }
0x192: {  	(xrf0) =	vmax.scan.msk.u32 $0xffff, v8;
	_ =	sdelay $0x4  }
0x193: {  	v8, _, _ =	vpop (xrf0)  }
0x194: {  	(v2sf) =	vpush v8, $0xF;
	v8, _, _ =	vpop (xrf0)  }
0x195: {  	(v2sf) =	vpush v8, $0xF;
	_ =	sdelay $0xd  }
0x196: {  	vm15 =	vgt.s32 v7, $0x0;
	s9 =	spop (v2sf)  }
0x197: {  	v7 =	vnsel vm15, $0x0, v7;
	s21 =	spop (v2sf)  }
0x198: {  	v7 =	vmin.u32 v7, $0x1FFF;
	p0 =	sgt.u32 s21, $0x80000000  }
.Ltmp22:
0x199: {  	_ = 	snop;
	(pc) =	sbr.rel @!p0 .LBB2_13-.Ltmp22, $4  }
0x19a: {  	_ = 	snop  }
0x19b: {  	s17 =	sxor.u32 $0x80000000, s9  }
0x19c: {  	p1 =	sgt.s32 s8, s17  }
0x19d: {  	[tilespmem:v7+s19+$0x0] =	vst.idx.add.f32.msk vm0, v5;
	s17 =	smov.u32 @p1 s8  }
.LBB2_8:
0x19e: {  	s8 =	ssub.s32 s17, s31  }
0x19f: {  	s8 =	sadd.s32 $0x1, s8  }
0x1a0: {  	p0 =	sgt.s32 s8, $0x0  }
0x1a1: {  	s8 =	simm.s32 @!p0 $0x0  }
0x1a2: {  	s8 =	smin.u32 s8, $0x2000  }
0x1a3: {  	s8 =	sadd.s32 $0x7F, s8  }
0x1a4: {  	s8 =	sshrl.u32 s8, $0x7  }
0x1a5: {  	p0 =	seq.s32 s8, $0x0  }
.Ltmp23:
0x1a6: {  	_ = 	snop;
	(pc) =	sbr.rel @p0 .LBB2_12-.Ltmp23, $1  }
0x1a7: {  	_ =	sdelay $0x3  }
0x1a8: {  	s9 =	sadd.s32 $0x0, s31  }
0x1a9: {  	v7 =	vadd.s32 s9, v1;
	s17 =	sadd.s32 $0x10, s9;
	s18 =	sadd.s32 $0x20, s9  }
0x1aa: {  	s10 =	sadd.s32 $0x70, s9;
	s14 =	sadd.s32 $0x40, s9;
	s15 =	sadd.s32 $0x60, s9;
	vm0 =	vgt.s32 v7, $0x0;
	v8 =	vadd.s32 s17, v1;
	v9 =	vadd.s32 s18, v1  }
0x1ab: {  	s21 =	sadd.s32 $0x50, s9;
	s9 =	sadd.s32 $0x30, s9;
	v10 =	vadd.s32 s10, v1;
	v11 =	vadd.s32 s14, v1;
	v12 =	vadd.s32 s15, v1  }
0x1ac: {  	v14 =	vadd.s32 s9, v1;
	s18 =	sshll.u32 s8, $0x7;
	vm1 =	vgt.s32 v8, $0x0;
	vm2 =	vgt.s32 v9, $0x0  }
0x1ad: {  	v7 =	vnsel vm0, $0x0, v7;
	vm11 =	vgt.s32 v11, $0x0;
	p0 =	sne.s32 s18, $0x80;
	v8 =	vnsel vm1, $0x0, v8  }
.Ltmp24:
0x1ae: {  	v13 =	vmin.u32 v8, $0x18FFF;
	v8 =	vnsel vm2, $0x0, v9;
	v9 =	vadd.s32 s21, v1;
	(pc) =	sbr.rel @!p0 .LBB2_11-.Ltmp24, $4  }
0x1af: {  	vm13 =	vgt.s32 v14, $0x0;
	v11 =	vnsel vm11, $0x0, v11;
	vm12 =	vgt.s32 v9, $0x0  }
0x1b0: {  	vm15 =	vgt.s32 v10, $0x0;
	v11 =	vmin.u32 v11, $0x18FFF;
	[tilespmem:$0x1D590] =	vst v13;
	v9 =	vnsel vm12, $0x0, v9  }
0x1b1: {  	vm14 =	vgt.s32 v12, $0x0;
	v10 =	vnsel vm15, $0x0, v10;
	[tilespmem:$0x1D5C0] =	vst v11;
	v11 =	vmin.u32 v9, $0x18FFF  }
0x1b2: {  	s17 =	simm.s32 $0x1B580;
	s8 =	simm.s32 $0x80;
	s9 =	simm.s32 $0x1B580;
	v8 =	vmin.u32 v8, $0x18FFF;
	v9 =	vnsel vm13, $0x0, v14;
	[tilespmem:$0x1D5D0] =	vst v11;
	v11 =	vnsel vm14, $0x0, v12  }
.LBB2_10:
0x1b3: {  	v7 =	vmin.u32 v7, $0x18FFF;
	[tilespmem:$0x1D5A0] =	vst v8;
	v8 =	vmin.u32 v11, $0x18FFF;
	v10 =	vmin.u32 v10, $0x18FFF;
	s9 =	sadd.s32 $0x80, s9;
	s10 =	smov.u32 s8;
	s8 =	sadd.s32 $0x80, s8  }
0x1b4: {  	p0 =	sne.s32 s18, s8;
	[tilespmem:$0x1D580] =	vst v7  }
0x1b5: {  	v7 =	vmin.u32 v9, $0x18FFF;
	[tilespmem:$0x1D5E0] =	vst v8  }
0x1b6: {  	[tilespmem:$0x1D5B0] =	vst v7  }
0x1b7: {  	[tilespmem:$0x1D5F0] =	vst v10  }
0x1b8: {  	[spmem:s6] =	stream.indirect.scatter.add.f32 [tilespmem:s17], [sflag:$0x4], $0x1, s29, s28, $0xb8;
	[tilespmem:$0x1EF00] =	vst v63  }
0x1b9: {  	_ =	swait.ge [sflag:s20], $0x80  }
0x1ba: {  	[sflag:s20] =	ssyncset.done $0x0  }
0x1bb: {  	[sflag:s20] =	ssyncadd.s32 $0xFFFFFF80  }
0x1bc: {  	s10 =	sadd.s32 s10, s31;
	[tilespmem:s17+$0x0] =	vst v0  }
0x1bd: {  	s14 =	sadd.s32 $0x10, s10;
	s15 =	sadd.s32 $0x20, s10;
	s21 =	sadd.s32 $0x70, s10;
	v7 =	vadd.s32 s10, v1;
	[tilespmem:s17+$0x70] =	vst v0  }
0x1be: {  	s11 =	sadd.s32 $0x50, s10;
	v8 =	vadd.s32 s14, v1;
	v9 =	vadd.s32 s15, v1;
	s14 =	sadd.s32 $0x30, s10;
	s15 =	sadd.s32 $0x40, s10;
	vm0 =	vgt.s32 v7, $0x0;
	[tilespmem:s17+$0x60] =	vst v0  }
0x1bf: {  	s10 =	sadd.s32 $0x60, s10;
	vm1 =	vgt.s32 v8, $0x0;
	vm2 =	vgt.s32 v9, $0x0;
	v10 =	vadd.s32 s21, v1;
	[tilespmem:s17+$0x30] =	vst v0  }
0x1c0: {  	v11 =	vadd.s32 s15, v1;
	v12 =	vadd.s32 s10, v1;
	v8 =	vnsel vm1, $0x0, v8;
	[tilespmem:s17+$0x40] =	vst v0  }
0x1c1: {  	v7 =	vnsel vm0, $0x0, v7;
	v13 =	vmin.u32 v8, $0x18FFF;
	v8 =	vnsel vm2, $0x0, v9;
	[tilespmem:s17+$0x50] =	vst v0  }
.Ltmp25:
0x1c2: {  	vm0 =	vgt.s32 v11, $0x0;
	v9 =	vadd.s32 s11, v1;
	v8 =	vmin.u32 v8, $0x18FFF;
	[tilespmem:s17+$0x10] =	vst v0;
	(pc) =	sbr.rel @p0 .LBB2_10-.Ltmp25, $4  }
0x1c3: {  	v14 =	vadd.s32 s14, v1;
	v11 =	vnsel vm0, $0x0, v11;
	vm0 =	vgt.s32 v9, $0x0;
	[tilespmem:s17+$0x20] =	vst v0;
	s17 =	smov.u32 s9  }
0x1c4: {  	vm1 =	vgt.s32 v14, $0x0;
	v11 =	vmin.u32 v11, $0x18FFF;
	v9 =	vnsel vm0, $0x0, v9;
	[tilespmem:$0x1D590] =	vst v13  }
0x1c5: {  	vm2 =	vgt.s32 v10, $0x0;
	vm0 =	vgt.s32 v12, $0x0;
	[tilespmem:$0x1D5C0] =	vst v11;
	v11 =	vmin.u32 v9, $0x18FFF  }
0x1c6: {  	v10 =	vnsel vm2, $0x0, v10;
	v9 =	vnsel vm1, $0x0, v14;
	[tilespmem:$0x1D5D0] =	vst v11;
	v11 =	vnsel vm0, $0x0, v12  }
.Ltmp26:
0x1c7: {  	_ = 	snop;
	(pc) =	sbr.rel .LBB2_11-.Ltmp26, $1  }
0x1c8: {  	_ =	sdelay $0x3  }
.LBB2_30:
0x1c9: {  	s0 =	ssub.s32 s18, s31  }
0x1ca: {  	s0 =	sadd.s32 $0x1, s0  }
0x1cb: {  	p0 =	sgt.s32 s0, $0x0  }
0x1cc: {  	s0 =	simm.s32 @!p0 $0x0  }
0x1cd: {  	s0 =	smin.u32 s0, $0x2000  }
0x1ce: {  	s0 =	sadd.s32 $0x7F, s0  }
0x1cf: {  	s0 =	sshrl.u32 s0, $0x7  }
0x1d0: {  	p0 =	seq.s32 s0, $0x0  }
.Ltmp27:
0x1d1: {  	_ = 	snop;
	(pc) =	sbr.rel @p0 .LBB2_34-.Ltmp27, $1  }
0x1d2: {  	_ =	sdelay $0x3  }
0x1d3: {  	s3 =	sadd.s32 $0x0, s31  }
0x1d4: {  	v3 =	vadd.s32 s3, v1;
	s4 =	sadd.s32 $0x10, s3;
	s8 =	sadd.s32 $0x20, s3  }
0x1d5: {  	s9 =	sadd.s32 $0x70, s3;
	s17 =	sadd.s32 $0x40, s3;
	s18 =	sadd.s32 $0x60, s3;
	vm0 =	vgt.s32 v3, $0x0;
	v4 =	vadd.s32 s4, v1;
	v5 =	vadd.s32 s8, v1  }
0x1d6: {  	s21 =	sadd.s32 $0x50, s3;
	s3 =	sadd.s32 $0x30, s3;
	v6 =	vadd.s32 s9, v1;
	v7 =	vadd.s32 s17, v1;
	v8 =	vadd.s32 s18, v1  }
0x1d7: {  	v10 =	vadd.s32 s3, v1;
	s3 =	sshll.u32 s0, $0x7;
	vm1 =	vgt.s32 v4, $0x0;
	vm2 =	vgt.s32 v5, $0x0  }
0x1d8: {  	v3 =	vnsel vm0, $0x0, v3;
	vm11 =	vgt.s32 v7, $0x0;
	p0 =	sne.s32 s3, $0x80;
	v4 =	vnsel vm1, $0x0, v4  }
.Ltmp28:
0x1d9: {  	v9 =	vmin.u32 v4, $0x18FFF;
	v4 =	vnsel vm2, $0x0, v5;
	v5 =	vadd.s32 s21, v1;
	(pc) =	sbr.rel @!p0 .LBB2_33-.Ltmp28, $4  }
0x1da: {  	vm13 =	vgt.s32 v10, $0x0;
	v7 =	vnsel vm11, $0x0, v7;
	vm12 =	vgt.s32 v5, $0x0  }
0x1db: {  	vm15 =	vgt.s32 v6, $0x0;
	v7 =	vmin.u32 v7, $0x18FFF;
	[tilespmem:$0x1D590] =	vst v9;
	v5 =	vnsel vm12, $0x0, v5  }
0x1dc: {  	vm14 =	vgt.s32 v8, $0x0;
	v6 =	vnsel vm15, $0x0, v6;
	[tilespmem:$0x1D5C0] =	vst v7;
	v7 =	vmin.u32 v5, $0x18FFF  }
0x1dd: {  	s0 =	simm.s32 $0x1B580;
	s4 =	simm.s32 $0x80;
	s8 =	simm.s32 $0x1B580;
	v4 =	vmin.u32 v4, $0x18FFF;
	v5 =	vnsel vm13, $0x0, v10;
	[tilespmem:$0x1D5D0] =	vst v7;
	v7 =	vnsel vm14, $0x0, v8  }
.LBB2_32:
0x1de: {  	v3 =	vmin.u32 v3, $0x18FFF;
	[tilespmem:$0x1D5A0] =	vst v4;
	v4 =	vmin.u32 v7, $0x18FFF;
	v6 =	vmin.u32 v6, $0x18FFF;
	s8 =	sadd.s32 $0x80, s8;
	s9 =	smov.u32 s4;
	s4 =	sadd.s32 $0x80, s4  }
0x1df: {  	p0 =	sne.s32 s3, s4;
	[tilespmem:$0x1D580] =	vst v3  }
0x1e0: {  	v3 =	vmin.u32 v5, $0x18FFF;
	[tilespmem:$0x1D5E0] =	vst v4  }
0x1e1: {  	[tilespmem:$0x1D5B0] =	vst v3  }
0x1e2: {  	[tilespmem:$0x1D5F0] =	vst v6  }
0x1e3: {  	[spmem:s6] =	stream.indirect.scatter.add.f32 [tilespmem:s0], [sflag:$0x4], $0x1, s29, s28, $0xb8;
	[tilespmem:$0x1EF00] =	vst v63  }
0x1e4: {  	_ =	swait.ge [sflag:s20], $0x80  }
0x1e5: {  	[sflag:s20] =	ssyncset.done $0x0  }
0x1e6: {  	[sflag:s20] =	ssyncadd.s32 $0xFFFFFF80  }
0x1e7: {  	s9 =	sadd.s32 s9, s31;
	[tilespmem:s0+$0x0] =	vst v0  }
0x1e8: {  	s10 =	sadd.s32 $0x10, s9;
	s11 =	sadd.s32 $0x20, s9;
	s14 =	sadd.s32 $0x70, s9;
	v3 =	vadd.s32 s9, v1;
	[tilespmem:s0+$0x70] =	vst v0  }
0x1e9: {  	s15 =	sadd.s32 $0x50, s9;
	v4 =	vadd.s32 s10, v1;
	v5 =	vadd.s32 s11, v1;
	s10 =	sadd.s32 $0x30, s9;
	s11 =	sadd.s32 $0x40, s9;
	vm0 =	vgt.s32 v3, $0x0;
	[tilespmem:s0+$0x60] =	vst v0  }
0x1ea: {  	s9 =	sadd.s32 $0x60, s9;
	vm1 =	vgt.s32 v4, $0x0;
	vm2 =	vgt.s32 v5, $0x0;
	v6 =	vadd.s32 s14, v1;
	[tilespmem:s0+$0x30] =	vst v0  }
0x1eb: {  	v7 =	vadd.s32 s11, v1;
	v8 =	vadd.s32 s9, v1;
	v4 =	vnsel vm1, $0x0, v4;
	[tilespmem:s0+$0x40] =	vst v0  }
0x1ec: {  	v3 =	vnsel vm0, $0x0, v3;
	v9 =	vmin.u32 v4, $0x18FFF;
	v4 =	vnsel vm2, $0x0, v5;
	[tilespmem:s0+$0x50] =	vst v0  }
.Ltmp29:
0x1ed: {  	vm0 =	vgt.s32 v7, $0x0;
	v5 =	vadd.s32 s15, v1;
	v4 =	vmin.u32 v4, $0x18FFF;
	[tilespmem:s0+$0x10] =	vst v0;
	(pc) =	sbr.rel @p0 .LBB2_32-.Ltmp29, $4  }
0x1ee: {  	v10 =	vadd.s32 s10, v1;
	v7 =	vnsel vm0, $0x0, v7;
	vm0 =	vgt.s32 v5, $0x0;
	[tilespmem:s0+$0x20] =	vst v0;
	s0 =	smov.u32 s8  }
0x1ef: {  	vm1 =	vgt.s32 v10, $0x0;
	v7 =	vmin.u32 v7, $0x18FFF;
	v5 =	vnsel vm0, $0x0, v5;
	[tilespmem:$0x1D590] =	vst v9  }
0x1f0: {  	vm2 =	vgt.s32 v6, $0x0;
	vm0 =	vgt.s32 v8, $0x0;
	[tilespmem:$0x1D5C0] =	vst v7;
	v7 =	vmin.u32 v5, $0x18FFF  }
0x1f1: {  	v6 =	vnsel vm2, $0x0, v6;
	v5 =	vnsel vm1, $0x0, v10;
	[tilespmem:$0x1D5D0] =	vst v7;
	v7 =	vnsel vm0, $0x0, v8  }
.Ltmp30:
0x1f2: {  	_ = 	snop;
	(pc) =	sbr.rel .LBB2_33-.Ltmp30, $1  }
0x1f3: {  	_ =	sdelay $0x3  }
.LBB2_35:
0x1f4: {  	_ =	sfence.sel $0x180000  }
0x1f5: {  	[bflag:$0x0] =	sbarrier.arrive $0xFFFF  }
0x1f6: {  	_ =	strace $0x90000047  }
0x1f7: {  	s0 =	stileid.u32;
	[bflag:$0x2] =	sbarrier.arrive $0xFFFF  }
0x1f8: {  	p0 =	sne.s32 s0, $0x0;
	s0 =	rddreg [dreg:$0x6]  }
0x1f9: {  	s0 =	sadd.s32 @!p0 $0x100000, s0  }
0x1fa: {  	[sflag:s0] =	ssyncadd.tile.s32 @!p0 $0x1;
	_ =	shalt  }
.Lfunc_end2:
_tile_overlayer_lowered:
.L_overlay_start_2:
0x1fb: {  	(tag) =	ssettag $0x2  }
0x1fc: {  	s0 =	rddreg [dreg:$0x0];
	s2 =	stileid.u32  }
0x1fd: {  	s1 =	rddreg [dreg:$0x1];
	p0 =	sne.s32 s2, $0x0  }
0x1fe: {  	s3 =	rddreg [dreg:$0x2];
	[bflag:$0x3] =	sbarrier.arrive $0xFFFF;
	s2 =	simm.s32 @!p0 $0x1C04  }
0x1ff: {  	[timem:s3], [sflag:s2] =	dma.local @!p0 [hbm:s0], s1  }
0x200: {  	s0 =	simm.s32 @!p0 $0x4  }
0x201: {  	_ =	swait.ge @!p0 [sflag:s0], s1  }
0x202: {  	s1 =	ssub.s32 @!p0 $0x0, s1;
	[sflag:s0] =	ssyncset.done @!p0 $0x0  }
0x203: {  	[sflag:s0] =	ssyncadd.s32 @!p0 s1  }
0x204: {  	[bflag:$0x3] =	sbarrier.arrive $0xFFFF  }
0x205: {  	_ =	shalt  }

</sc_bundles>
